<compile_context>
chip_gen: v7x
topology: tpu7x:2x2x1
jax: 0.10.2.dev20260603
libtpu: 0.0.44.dev20260713+nightly
codegen_flags: <defaults>
</compile_context>

<pallas_src>
import functools

import jax
import jax.numpy as jnp
from jax import lax
from jax.experimental import pallas as pl
from jax.experimental.pallas import tpu as pltpu
from jax.experimental.pallas import tpu_sc as plsc

K = 16
LAMBDA_DECAY = 0.1
LANES = 16


def _tc_body(n_nodes, deg, x_ref, w_ref, ei_ref, ew_ref, h_ref, cn_ref, cw_ref):
    xb = x_ref[...]
    d_in = xb.shape[1]
    decay = jnp.exp(-LAMBDA_DECAY * lax.broadcasted_iota(
        jnp.int32, (1, d_in), 1).astype(jnp.float32))
    h_ref[...] = jnp.dot(xb * decay, w_ref[...], preferred_element_type=jnp.float32)

    bn = cn_ref.shape[0]
    wt = ew_ref[...].T
    dft = ei_ref[1].astype(jnp.float32).T
    node = lax.broadcasted_iota(
        jnp.int32, (1, bn), 1) + pl.program_id(0) * bn
    e_i0 = lax.broadcasted_iota(jnp.int32, (deg, 1), 0)
    valid = node < n_nodes
    spread = ((node * deg + e_i0) % n_nodes).astype(jnp.float32)
    wt = jnp.where(valid, wt, 0.0)
    dft = jnp.where(valid, dft, spread)
    we = wt[:, None, :]
    wd = wt[None, :, :]
    e_i = lax.broadcasted_iota(jnp.int32, (deg, 1, 1), 0)
    d_i = lax.broadcasted_iota(jnp.int32, (1, deg, 1), 1)
    tie = e_i < d_i
    beats = jnp.where((we > wd) | ((we == wd) & tie), 1.0, 0.0)
    rank = jnp.sum(beats, axis=0)
    j_i = lax.broadcasted_iota(jnp.int32, (1, K, 1), 1).astype(jnp.float32)
    ohf = jnp.where(rank[:, None, :] == j_i, 1.0, 0.0)
    cnf = jnp.sum(ohf * dft[:, None, :], axis=0)
    cwk = jnp.sum(ohf * wt[:, None, :], axis=0)
    cn_ref[...] = cnf.T.astype(jnp.int32)
    cw_ref[...] = cwk.T


def _tc_call(x, W, ei3, edge_weight, np_):
    n, d_in = x.shape
    d_out = W.shape[1]
    deg = ei3.shape[2]
    bn = 2048
    grid = np_ // bn
    return pl.pallas_call(
        functools.partial(_tc_body, n, deg),
        grid=(grid,),
        in_specs=[
            pl.BlockSpec((bn, d_in), lambda i: (i, 0)),
            pl.BlockSpec((d_in, d_out), lambda i: (0, 0)),
            pl.BlockSpec((2, bn, deg), lambda i: (0, i, 0)),
            pl.BlockSpec((bn, deg), lambda i: (i, 0)),
        ],
        out_specs=[
            pl.BlockSpec((bn, d_out), lambda i: (i, 0)),
            pl.BlockSpec((bn, K), lambda i: (i, 0)),
            pl.BlockSpec((bn, K), lambda i: (i, 0)),
        ],
        out_shape=[
            jax.ShapeDtypeStruct((n, d_out), jnp.float32),
            jax.ShapeDtypeStruct((np_, K), jnp.int32),
            jax.ShapeDtypeStruct((np_, K), jnp.float32),
        ],
    )(x, W, ei3, edge_weight)


def _splat(vec, k):
    idx = jnp.full((LANES, 1), k, dtype=jnp.int32)
    dn = lax.GatherDimensionNumbers(
        offset_dims=(), collapsed_slice_dims=(0,), start_index_map=(0,))
    return lax.gather(vec, idx, dn, slice_sizes=(1,),
                      mode=lax.GatherScatterMode.PROMISE_IN_BOUNDS)


def _sc_call(h, idx_rep, w_rep):
    n, d_out = h.shape
    np_ = w_rep.shape[0]
    info = plsc.get_sparse_core_info()
    nc, ns = info.num_cores, info.num_subcores
    nw = nc * ns
    pt = np_ // nw
    c = 16
    r = c * K
    t = pt // c
    nvec = d_out // LANES
    mesh = plsc.VectorSubcoreMesh(core_axis_name="c", subcore_axis_name="s")
    assert n % c == 0

    @functools.partial(
        pl.kernel,
        mesh=mesh,
        out_type=[
            jax.ShapeDtypeStruct((n, d_out), jnp.float32),
            jax.ShapeDtypeStruct((c, d_out), jnp.float32),
        ],
        scratch_types=[
            pltpu.VMEM((pt * K,), jnp.int32),
            pltpu.VMEM((2, r, d_out), jnp.float32),
            pltpu.VMEM((pt, K), jnp.float32),
            pltpu.VMEM((2, c, d_out), jnp.float32),
            pltpu.SemaphoreType.DMA((2,)),
            pltpu.SemaphoreType.DMA((2,)),
        ],
    )
    def sc_k(h_hbm, idx_hbm, w_hbm, out_hbm, trash_hbm, idx_v, rows_v, w_v,
             out_v, gsem, osem):
        wid = lax.axis_index("s") * nc + lax.axis_index("c")
        wnode0 = wid * pt

        def fetch(tt, b):
            pltpu.async_copy(
                h_hbm.at[idx_v.at[pl.ds(tt * r, r)]], rows_v.at[b], gsem.at[b])

        def put(tt, b):
            ow = wnode0 + tt * c

            @pl.when(ow < n)
            def _():
                pltpu.async_copy(out_v.at[b], out_hbm.at[pl.ds(ow, c)],
                                 osem.at[b])

            @pl.when(ow >= n)
            def _():
                pltpu.async_copy(out_v.at[b], trash_hbm, osem.at[b])

        pltpu.sync_copy(idx_hbm.at[pl.ds(wnode0 * K, pt * K)], idx_v)
        pltpu.sync_copy(w_hbm.at[pl.ds(wnode0, pt)], w_v)
        fetch(0, 0)

        def pair_body(t2, carry):
            for b in range(2):
                tt = t2 * 2 + b
                ob = 1 - b

                @pl.when(tt + 1 < t)
                def _():
                    fetch(tt + 1, ob)

                pltpu.make_async_copy(
                    h_hbm.at[idx_v.at[pl.ds(tt * r, r)]], rows_v.at[b],
                    gsem.at[b]).wait()

                def node_body(nn, carry2):
                    acc = [None] * nvec
                    wrow = w_v[tt * c + nn, :]
                    for kk in range(K):
                        row = nn * K + kk
                        wsplat = _splat(wrow, kk)
                        for cc in range(nvec):
                            term = wsplat * rows_v[b, row, pl.ds(cc * LANES, LANES)]
                            acc[cc] = term if kk == 0 else acc[cc] + term
                    for cc in range(nvec):
                        out_v[b, nn, pl.ds(cc * LANES, LANES)] = acc[cc]
                    return carry2

                lax.fori_loop(0, c, node_body, 0)

                @pl.when(tt >= 2)
                def _():
                    pltpu.make_async_copy(
                        out_v.at[b],
                        out_hbm.at[pl.ds(wnode0, c)],
                        osem.at[b]).wait()

                put(tt, b)
            return carry

        lax.fori_loop(0, t // 2, pair_body, 0)
        for b in range(2):
            pltpu.make_async_copy(
                out_v.at[b], out_hbm.at[pl.ds(wnode0, c)],
                osem.at[b]).wait()

    return sc_k(h, idx_rep, w_rep)[0]


def kernel(x, edge_index, edge_weight, W, a):
    n, d_in = x.shape
    e = edge_index.shape[1]
    deg = e // n
    nw = 32
    c = 8
    np_ = ((n + nw * c - 1) // (nw * c)) * (nw * c)

    h, cn, cw = _tc_call(x, W, edge_index.reshape(2, n, deg),
                         edge_weight.reshape(n, deg), np_)
    return _sc_call(h, cn.reshape(-1), cw)

# --- scband reference (transcript-rebuilt; emitter-appended) ---
"""Pipeline reference for scband-sparse-gatlayer-temporal-88064009437902 (READ-ONLY COPY).

The authoritative reference and input builder live on the scoring server;
editing this copy changes nothing except your own understanding.
"""

import jax, jax.numpy as jnp
import numpy as np

N = 10000
DEG = 32
D_IN = 128
D_OUT = 128
K = 16
LAMBDA_DECAY = 0.1


def _xavier_uniform(key, shape):
    fan_in, fan_out = shape[0], shape[1]
    limit = float(np.sqrt(6.0 / (fan_in + fan_out)))
    return jax.random.uniform(key, shape, dtype=jnp.float32, minval=-limit, maxval=limit)


def setup_inputs(seed: int = 0) -> dict:
    key = jax.random.key(seed)
    k1, k2, k3, k4, k5 = jax.random.split(key, 5)
    E = N * DEG
    x = jax.random.normal(k1, (N, D_IN), dtype=jnp.float32)
    # Regular graph: each node has exactly DEG outgoing edges, stored contiguously
    # (src-sorted). Values are valid node ids < N.
    src = jnp.repeat(jnp.arange(N, dtype=jnp.int32), DEG)
    dst = jax.random.randint(k2, (E,), 0, N, dtype=jnp.int32)
    edge_index = jnp.stack([src, dst], axis=0)
    edge_weight = jax.random.uniform(k3, (E,), dtype=jnp.float32)
    W = _xavier_uniform(k4, (D_IN, D_OUT))
    a = _xavier_uniform(k5, (2 * D_OUT, 1))
    return {"x": x, "edge_index": edge_index, "edge_weight": edge_weight, "W": W, "a": a}


def reference(x, edge_index, edge_weight, W, a):
    n, d_in = x.shape
    d_out = W.shape[1]
    # temporal decay over the feature axis (matches x.size(1) in the torch code)
    time_decays = jnp.exp(-LAMBDA_DECAY * jnp.arange(d_in, dtype=x.dtype))[None, :]
    x_decayed = x * time_decays
    h = x_decayed @ W  # [N, d_out]

    deg = edge_index.shape[1] // n
    dst = edge_index[1].reshape(n, deg)            # neighbors per node (src-sorted blocks)
    w_blk = edge_weight.reshape(n, deg)            # per-node edge weights

    # select_top_k_neighbors: top-k edges per node by edge_weight (largest)
    top_w, top_i = jax.lax.top_k(w_blk, K)         # [N, K]
    nbr = jnp.take_along_axis(dst, top_i, axis=1)  # [N, K] neighbor node ids
    h_nbr = h[nbr]                                 # [N, K, d_out] gather

    # e = leakyrelu(cat(h[node], h[nbr]) @ a), computed as split matmul
    a1 = a[:d_out, 0]
    a2 = a[d_out:, 0]
    e = (h @ a1)[:, None] + (h_nbr @ a2)           # [N, K]
    e = jax.nn.leaky_relu(e, negative_slope=0.2)
    # softmax over a singleton axis (per-pair, as in the torch code) -> all ones,
    # but kept to stay faithful to the original math
    attention = jax.nn.softmax(e[..., None], axis=-1)[..., 0]  # [N, K]

    weighted_attention = attention * top_w         # [N, K]
    output = jnp.sum(weighted_attention[..., None] * h_nbr, axis=1)  # [N, d_out]
    return output

if __name__ == "__main__":
    import jax
    _d = setup_inputs()
    print(jax.jit(kernel)(*tuple(_d.values())))

</pallas_src>

<mosaic_0001>
#map = affine_map<(d0, d1) -> (0, 0)>
#map1 = affine_map<(d0, d1) -> (0)>
module attributes {stable_mosaic.version = 14 : i64} {
  func.func @sc_k(%arg0: i32, %arg1: i32, %arg2: memref<10000x128xf32, #tpu.memory_space<hbm>>, %arg3: memref<163840xi32, #tpu.memory_space<hbm>>, %arg4: memref<10240x16xf32, #tpu.memory_space<hbm>>, %arg5: memref<10000x128xf32, #tpu.memory_space<hbm>>, %arg6: memref<16x128xf32, #tpu.memory_space<hbm>>, %arg7: memref<5120xi32, #tpu.memory_space<vmem>>, %arg8: memref<2x256x128xf32, #tpu.memory_space<vmem>>, %arg9: memref<320x16xf32, #tpu.memory_space<vmem>>, %arg10: memref<2x16x128xf32, #tpu.memory_space<vmem>>, %arg11: memref<2x!tpu.dma_semaphore, #tpu.memory_space<semaphore_mem>>, %arg12: memref<2x!tpu.dma_semaphore, #tpu.memory_space<semaphore_mem>>) attributes {dimension_semantics = [#tpu.dimension_semantics<core_parallel>, #tpu.dimension_semantics<subcore_parallel>], iteration_bounds = array<i64: 2, 16>, scalar_prefetch = 0 : i64, scratch_operands = 6 : i64, tpu.core_type = #tpu.core_type<sc_vector_subcore>, window_params = [{transform_indices = #map}, {transform_indices = #map1}, {transform_indices = #map}, {transform_indices = #map}, {transform_indices = #map}]} {
    %mul3A = arith.constant 2 : i32
    %mul3A_0 = arith.muli %arg1, %mul3A : i32
    %add3A = arith.addi %mul3A_0, %arg0 : i32
    %mul3A_1 = arith.constant 320 : i32
    %mul3A_2 = arith.muli %add3A, %mul3A_1 : i32
    %mul3A_3 = arith.constant 16 : i32
    %mul3A_4 = arith.muli %mul3A_2, %mul3A_3 : i32
    "tpu.region"() ({
      %run_scoped3A = tpu.sem_alloc : memref<!tpu.dma_semaphore, #tpu.memory_space<semaphore_mem>>
      %dma_start3A_53 = tpu.memref_slice %arg3[%mul3A_4] : memref<163840xi32, #tpu.memory_space<hbm>> -> memref<5120xi32, #tpu.memory_space<hbm>>
      %dma_start3A_54 = tpu.memref_slice %arg3[%mul3A_4] : memref<163840xi32, #tpu.memory_space<hbm>> -> memref<5120xi32, #tpu.memory_space<hbm>>
      tpu.enqueue_dma source(%dma_start3A_54 : memref<5120xi32, #tpu.memory_space<hbm>>) target(%arg7 : memref<5120xi32, #tpu.memory_space<vmem>>) target_semaphore(%run_scoped3A : memref<!tpu.dma_semaphore, #tpu.memory_space<semaphore_mem>>)
      %dma_wait3A_55 = tpu.memref_slice %arg3[%mul3A_4] : memref<163840xi32, #tpu.memory_space<hbm>> -> memref<5120xi32, #tpu.memory_space<hbm>>
      %dma_wait3A_56 = tpu.memref_slice %arg3[%mul3A_4] : memref<163840xi32, #tpu.memory_space<hbm>> -> memref<5120xi32, #tpu.memory_space<hbm>>
      tpu.wait_dma2 semaphore(%run_scoped3A : memref<!tpu.dma_semaphore, #tpu.memory_space<semaphore_mem>>) src(%dma_wait3A_56 : memref<5120xi32, #tpu.memory_space<hbm>>) dst(%arg7 : memref<5120xi32, #tpu.memory_space<vmem>>)
      tpu.yield
    }) : () -> ()
    "tpu.region"() ({
      %run_scoped3A = tpu.sem_alloc : memref<!tpu.dma_semaphore, #tpu.memory_space<semaphore_mem>>
      %dma_start3A_53 = arith.constant 0 : i32
      %dma_start3A_54 = tpu.memref_slice %arg4[%mul3A_2, %dma_start3A_53] : memref<10240x16xf32, #tpu.memory_space<hbm>> -> memref<320x16xf32, #tpu.memory_space<hbm>>
      %dma_start3A_55 = arith.constant 0 : i32
      %dma_start3A_56 = tpu.memref_slice %arg4[%mul3A_2, %dma_start3A_55] : memref<10240x16xf32, #tpu.memory_space<hbm>> -> memref<320x16xf32, #tpu.memory_space<hbm>>
      tpu.enqueue_dma source(%dma_start3A_56 : memref<320x16xf32, #tpu.memory_space<hbm>>) target(%arg9 : memref<320x16xf32, #tpu.memory_space<vmem>>) target_semaphore(%run_scoped3A : memref<!tpu.dma_semaphore, #tpu.memory_space<semaphore_mem>>)
      %dma_wait3A_57 = arith.constant 0 : i32
      %dma_wait3A_58 = tpu.memref_slice %arg4[%mul3A_2, %dma_wait3A_57] : memref<10240x16xf32, #tpu.memory_space<hbm>> -> memref<320x16xf32, #tpu.memory_space<hbm>>
      %dma_wait3A_59 = arith.constant 0 : i32
      %dma_wait3A_60 = tpu.memref_slice %arg4[%mul3A_2, %dma_wait3A_59] : memref<10240x16xf32, #tpu.memory_space<hbm>> -> memref<320x16xf32, #tpu.memory_space<hbm>>
      tpu.wait_dma2 semaphore(%run_scoped3A : memref<!tpu.dma_semaphore, #tpu.memory_space<semaphore_mem>>) src(%dma_wait3A_60 : memref<320x16xf32, #tpu.memory_space<hbm>>) dst(%arg9 : memref<320x16xf32, #tpu.memory_space<vmem>>)
      tpu.yield
    }) : () -> ()
    %dma_start3A = arith.constant 0 : i32
    %dma_start3A_5 = arith.constant 0 : i32
    %dma_start3A_6 = arith.constant 0 : i32
    %dma_start3A_7 = arith.constant 0 : i32
    %dma_start3A_8 = tpu.memref_slice %arg8[%dma_start3A, %dma_start3A_6, %dma_start3A_7] : memref<2x256x128xf32, #tpu.memory_space<vmem>> -> memref<1x256x128xf32, #tpu.memory_space<vmem>>
    %dma_start3A_9 = tpu.memref_squeeze %dma_start3A_8 : memref<1x256x128xf32, #tpu.memory_space<vmem>> -> memref<256x128xf32, #tpu.memory_space<vmem>>
    %dma_start3A_10 = arith.constant 0 : i32
    %dma_start3A_11 = tpu.memref_slice %arg7[%dma_start3A_10] : memref<5120xi32, #tpu.memory_space<vmem>> -> memref<256xi32, #tpu.memory_space<vmem>>
    %dma_start3A_12 = arith.constant 0 : i32
    %dma_start3A_13 = arith.constant 0 : i32
    %dma_start3A_14 = tpu.memref_slice %arg2[%dma_start3A_12, %dma_start3A_13] : memref<10000x128xf32, #tpu.memory_space<hbm>> -> memref<10000x128xf32, #tpu.memory_space<hbm>>
    %dma_start3A_15 = tpu.memref_slice %arg11[%dma_start3A_5] : memref<2x!tpu.dma_semaphore, #tpu.memory_space<semaphore_mem>> -> memref<1x!tpu.dma_semaphore, #tpu.memory_space<semaphore_mem>>
    %dma_start3A_16 = tpu.memref_squeeze %dma_start3A_15 : memref<1x!tpu.dma_semaphore, #tpu.memory_space<semaphore_mem>> -> memref<!tpu.dma_semaphore, #tpu.memory_space<semaphore_mem>>
    tpu.enqueue_indirect_dma source(%dma_start3A_14 : memref<10000x128xf32, #tpu.memory_space<hbm>>) target(%dma_start3A_9 : memref<256x128xf32, #tpu.memory_space<vmem>>) offsets(%dma_start3A_11 : memref<256xi32, #tpu.memory_space<vmem>>) semaphore(%dma_start3A_16 : memref<!tpu.dma_semaphore, #tpu.memory_space<semaphore_mem>>)
    %scan3A = arith.constant 0 : i32
    %scan3A_17 = arith.constant 0 : i32
    %scan3A_18 = arith.constant 10 : i32
    %scan3A_19 = arith.addi %scan3A_17, %scan3A_18 : i32
    %scan3A_20 = arith.constant 1 : i32
    scf.for %scan3A_53 = %scan3A_17 to %scan3A_19 step %scan3A_20  : i32 {
      %mul3A_54 = arith.constant 2 : i32
      %mul3A_55 = arith.muli %scan3A_53, %mul3A_54 : i32
      %add3A_56 = arith.constant 0 : i32
      %add3A_57 = arith.addi %mul3A_55, %add3A_56 : i32
      %add3A_58 = arith.constant 1 : i32
      %add3A_59 = arith.addi %add3A_57, %add3A_58 : i32
      %lt3A = arith.constant 20 : i32
      %lt3A_60 = arith.cmpi slt, %add3A_59, %lt3A : i32
      %convert_element_type3A = arith.extui %lt3A_60 : i1 to i32
      %cond3A = arith.constant 0 : i32
      %cond3A_61 = arith.cmpi ne, %convert_element_type3A, %cond3A : i32
      scf.if %cond3A_61 {
        %add3A_148 = arith.constant 1 : i32
        %add3A_149 = arith.addi %add3A_57, %add3A_148 : i32
        %mul3A_150 = arith.constant 256 : i32
        %mul3A_151 = arith.muli %add3A_149, %mul3A_150 : i32
        %dma_start3A_152 = arith.constant 1 : i32
        %dma_start3A_153 = arith.constant 1 : i32
        %dma_start3A_154 = arith.constant 0 : i32
        %dma_start3A_155 = arith.constant 0 : i32
        %dma_start3A_156 = tpu.memref_slice %arg8[%dma_start3A_152, %dma_start3A_154, %dma_start3A_155] : memref<2x256x128xf32, #tpu.memory_space<vmem>> -> memref<1x256x128xf32, #tpu.memory_space<vmem>>
        %dma_start3A_157 = tpu.memref_squeeze %dma_start3A_156 : memref<1x256x128xf32, #tpu.memory_space<vmem>> -> memref<256x128xf32, #tpu.memory_space<vmem>>
        %dma_start3A_158 = tpu.memref_slice %arg7[%mul3A_151] : memref<5120xi32, #tpu.memory_space<vmem>> -> memref<256xi32, #tpu.memory_space<vmem>>
        %dma_start3A_159 = arith.constant 0 : i32
        %dma_start3A_160 = arith.constant 0 : i32
        %dma_start3A_161 = tpu.memref_slice %arg2[%dma_start3A_159, %dma_start3A_160] : memref<10000x128xf32, #tpu.memory_space<hbm>> -> memref<10000x128xf32, #tpu.memory_space<hbm>>
        %dma_start3A_162 = tpu.memref_slice %arg11[%dma_start3A_153] : memref<2x!tpu.dma_semaphore, #tpu.memory_space<semaphore_mem>> -> memref<1x!tpu.dma_semaphore, #tpu.memory_space<semaphore_mem>>
        %dma_start3A_163 = tpu.memref_squeeze %dma_start3A_162 : memref<1x!tpu.dma_semaphore, #tpu.memory_space<semaphore_mem>> -> memref<!tpu.dma_semaphore, #tpu.memory_space<semaphore_mem>>
        tpu.enqueue_indirect_dma source(%dma_start3A_161 : memref<10000x128xf32, #tpu.memory_space<hbm>>) target(%dma_start3A_157 : memref<256x128xf32, #tpu.memory_space<vmem>>) offsets(%dma_start3A_158 : memref<256xi32, #tpu.memory_space<vmem>>) semaphore(%dma_start3A_163 : memref<!tpu.dma_semaphore, #tpu.memory_space<semaphore_mem>>)
      } else {
      }
      %mul3A_62 = arith.constant 256 : i32
      %mul3A_63 = arith.muli %add3A_57, %mul3A_62 : i32
      %dma_wait3A_64 = arith.constant 0 : i32
      %dma_wait3A_65 = arith.constant 0 : i32
      %dma_wait3A_66 = arith.constant 0 : i32
      %dma_wait3A_67 = arith.constant 0 : i32
      %dma_wait3A_68 = tpu.memref_slice %arg8[%dma_wait3A_64, %dma_wait3A_66, %dma_wait3A_67] : memref<2x256x128xf32, #tpu.memory_space<vmem>> -> memref<1x256x128xf32, #tpu.memory_space<vmem>>
      %dma_wait3A_69 = tpu.memref_squeeze %dma_wait3A_68 : memref<1x256x128xf32, #tpu.memory_space<vmem>> -> memref<256x128xf32, #tpu.memory_space<vmem>>
      %dma_wait3A_70 = tpu.memref_slice %arg7[%mul3A_63] : memref<5120xi32, #tpu.memory_space<vmem>> -> memref<256xi32, #tpu.memory_space<vmem>>
      %dma_wait3A_71 = arith.constant 0 : i32
      %dma_wait3A_72 = arith.constant 0 : i32
      %dma_wait3A_73 = tpu.memref_slice %arg2[%dma_wait3A_71, %dma_wait3A_72] : memref<10000x128xf32, #tpu.memory_space<hbm>> -> memref<10000x128xf32, #tpu.memory_space<hbm>>
      %dma_wait3A_74 = tpu.memref_slice %arg11[%dma_wait3A_65] : memref<2x!tpu.dma_semaphore, #tpu.memory_space<semaphore_mem>> -> memref<1x!tpu.dma_semaphore, #tpu.memory_space<semaphore_mem>>
      %dma_wait3A_75 = tpu.memref_squeeze %dma_wait3A_74 : memref<1x!tpu.dma_semaphore, #tpu.memory_space<semaphore_mem>> -> memref<!tpu.dma_semaphore, #tpu.memory_space<semaphore_mem>>
      tpu.wait_indirect_dma semaphore(%dma_wait3A_75 : memref<!tpu.dma_semaphore, #tpu.memory_space<semaphore_mem>>) src(%dma_wait3A_73 : memref<10000x128xf32, #tpu.memory_space<hbm>>) dst(%dma_wait3A_69 : memref<256x128xf32, #tpu.memory_space<vmem>>)
      %scan3A_76 = arith.constant 0 : i32
      %scan3A_77 = arith.constant 0 : i32
      %scan3A_78 = arith.constant 16 : i32
      %scan3A_79 = arith.addi %scan3A_77, %scan3A_78 : i32
      %scan3A_80 = arith.constant 1 : i32
      scf.for %scan3A_148 = %scan3A_77 to %scan3A_79 step %scan3A_80  : i32 {
        %mul3A_149 = arith.constant 16 : i32
        %mul3A_150 = arith.muli %add3A_57, %mul3A_149 : i32
        %add3A_151 = arith.addi %mul3A_150, %scan3A_148 : i32
        %get3A = arith.index_cast %add3A_151 : i32 to index
        %get3A_152 = arith.constant 0 : index
        %get3A_153 = tpu.vector_load %arg9[%get3A, %get3A_152] {strides = array<i32>} : memref<320x16xf32, #tpu.memory_space<vmem>>, vector<1x16xf32>,
        %get3A_154 = vector.shape_cast %get3A_153 : vector<1x16xf32> to vector<16xf32>
        %mul3A_155 = arith.constant 16 : i32
        %mul3A_156 = arith.muli %scan3A_148, %mul3A_155 : i32
        %add3A_157 = arith.constant 0 : i32
        %add3A_158 = arith.addi %mul3A_156, %add3A_157 : i32
        %broadcast_in_dim3A = arith.constant 0 : i32
        %broadcast_in_dim3A_159 = vector.broadcast %broadcast_in_dim3A : i32 to vector<16x1xi32>
        %gather3A = vector.shape_cast %broadcast_in_dim3A_159 : vector<16x1xi32> to vector<16xi32>
        %gather3A_160 = tpu.dynamic_gather %get3A_154[%gather3A] in [0] : vector<16xf32>, vector<16xi32> -> vector<16xf32>
        %get3A_161 = arith.constant 0 : i32
        %get3A_162 = arith.index_cast %get3A_161 : i32 to index
        %get3A_163 = arith.index_cast %add3A_158 : i32 to index
        %get3A_164 = arith.constant 0 : index
        %get3A_165 = tpu.vector_load %arg8[%get3A_162, %get3A_163, %get3A_164] {strides = array<i32>} : memref<2x256x128xf32, #tpu.memory_space<vmem>>, vector<1x1x16xf32>,
        %get3A_166 = vector.shape_cast %get3A_165 : vector<1x1x16xf32> to vector<16xf32>
        %mul3A_167 = arith.mulf %gather3A_160, %get3A_166 : vector<16xf32>
        %get3A_168 = arith.constant 0 : i32
        %get3A_169 = arith.index_cast %get3A_168 : i32 to index
        %get3A_170 = arith.index_cast %add3A_158 : i32 to index
        %get3A_171 = arith.constant 16 : index
        %get3A_172 = tpu.vector_load %arg8[%get3A_169, %get3A_170, %get3A_171] {strides = array<i32>} : memref<2x256x128xf32, #tpu.memory_space<vmem>>, vector<1x1x16xf32>,
        %get3A_173 = vector.shape_cast %get3A_172 : vector<1x1x16xf32> to vector<16xf32>
        %mul3A_174 = arith.mulf %gather3A_160, %get3A_173 : vector<16xf32>
        %get3A_175 = arith.constant 0 : i32
        %get3A_176 = arith.index_cast %get3A_175 : i32 to index
        %get3A_177 = arith.index_cast %add3A_158 : i32 to index
        %get3A_178 = arith.constant 32 : index
        %get3A_179 = tpu.vector_load %arg8[%get3A_176, %get3A_177, %get3A_178] {strides = array<i32>} : memref<2x256x128xf32, #tpu.memory_space<vmem>>, vector<1x1x16xf32>,
        %get3A_180 = vector.shape_cast %get3A_179 : vector<1x1x16xf32> to vector<16xf32>
        %mul3A_181 = arith.mulf %gather3A_160, %get3A_180 : vector<16xf32>
        %get3A_182 = arith.constant 0 : i32
        %get3A_183 = arith.index_cast %get3A_182 : i32 to index
        %get3A_184 = arith.index_cast %add3A_158 : i32 to index
        %get3A_185 = arith.constant 48 : index
        %get3A_186 = tpu.vector_load %arg8[%get3A_183, %get3A_184, %get3A_185] {strides = array<i32>} : memref<2x256x128xf32, #tpu.memory_space<vmem>>, vector<1x1x16xf32>,
        %get3A_187 = vector.shape_cast %get3A_186 : vector<1x1x16xf32> to vector<16xf32>
        %mul3A_188 = arith.mulf %gather3A_160, %get3A_187 : vector<16xf32>
        %get3A_189 = arith.constant 0 : i32
        %get3A_190 = arith.index_cast %get3A_189 : i32 to index
        %get3A_191 = arith.index_cast %add3A_158 : i32 to index
        %get3A_192 = arith.constant 64 : index
        %get3A_193 = tpu.vector_load %arg8[%get3A_190, %get3A_191, %get3A_192] {strides = array<i32>} : memref<2x256x128xf32, #tpu.memory_space<vmem>>, vector<1x1x16xf32>,
        %get3A_194 = vector.shape_cast %get3A_193 : vector<1x1x16xf32> to vector<16xf32>
        %mul3A_195 = arith.mulf %gather3A_160, %get3A_194 : vector<16xf32>
        %get3A_196 = arith.constant 0 : i32
        %get3A_197 = arith.index_cast %get3A_196 : i32 to index
        %get3A_198 = arith.index_cast %add3A_158 : i32 to index
        %get3A_199 = arith.constant 80 : index
        %get3A_200 = tpu.vector_load %arg8[%get3A_197, %get3A_198, %get3A_199] {strides = array<i32>} : memref<2x256x128xf32, #tpu.memory_space<vmem>>, vector<1x1x16xf32>,
        %get3A_201 = vector.shape_cast %get3A_200 : vector<1x1x16xf32> to vector<16xf32>
        %mul3A_202 = arith.mulf %gather3A_160, %get3A_201 : vector<16xf32>
        %get3A_203 = arith.constant 0 : i32
        %get3A_204 = arith.index_cast %get3A_203 : i32 to index
        %get3A_205 = arith.index_cast %add3A_158 : i32 to index
        %get3A_206 = arith.constant 96 : index
        %get3A_207 = tpu.vector_load %arg8[%get3A_204, %get3A_205, %get3A_206] {strides = array<i32>} : memref<2x256x128xf32, #tpu.memory_space<vmem>>, vector<1x1x16xf32>,
        %get3A_208 = vector.shape_cast %get3A_207 : vector<1x1x16xf32> to vector<16xf32>
        %mul3A_209 = arith.mulf %gather3A_160, %get3A_208 : vector<16xf32>
        %get3A_210 = arith.constant 0 : i32
        %get3A_211 = arith.index_cast %get3A_210 : i32 to index
        %get3A_212 = arith.index_cast %add3A_158 : i32 to index
        %get3A_213 = arith.constant 112 : index
        %get3A_214 = tpu.vector_load %arg8[%get3A_211, %get3A_212, %get3A_213] {strides = array<i32>} : memref<2x256x128xf32, #tpu.memory_space<vmem>>, vector<1x1x16xf32>,
        %get3A_215 = vector.shape_cast %get3A_214 : vector<1x1x16xf32> to vector<16xf32>
        %mul3A_216 = arith.mulf %gather3A_160, %get3A_215 : vector<16xf32>
        %mul3A_217 = arith.constant 16 : i32
        %mul3A_218 = arith.muli %scan3A_148, %mul3A_217 : i32
        %add3A_219 = arith.constant 1 : i32
        %add3A_220 = arith.addi %mul3A_218, %add3A_219 : i32
        %broadcast_in_dim3A_221 = arith.constant 1 : i32
        %broadcast_in_dim3A_222 = vector.broadcast %broadcast_in_dim3A_221 : i32 to vector<16x1xi32>
        %gather3A_223 = vector.shape_cast %broadcast_in_dim3A_222 : vector<16x1xi32> to vector<16xi32>
        %gather3A_224 = tpu.dynamic_gather %get3A_154[%gather3A_223] in [0] : vector<16xf32>, vector<16xi32> -> vector<16xf32>
        %get3A_225 = arith.constant 0 : i32
        %get3A_226 = arith.index_cast %get3A_225 : i32 to index
        %get3A_227 = arith.index_cast %add3A_220 : i32 to index
        %get3A_228 = arith.constant 0 : index
        %get3A_229 = tpu.vector_load %arg8[%get3A_226, %get3A_227, %get3A_228] {strides = array<i32>} : memref<2x256x128xf32, #tpu.memory_space<vmem>>, vector<1x1x16xf32>,
        %get3A_230 = vector.shape_cast %get3A_229 : vector<1x1x16xf32> to vector<16xf32>
        %mul3A_231 = arith.mulf %gather3A_224, %get3A_230 : vector<16xf32>
        %add3A_232 = arith.addf %mul3A_167, %mul3A_231 : vector<16xf32>
        %get3A_233 = arith.constant 0 : i32
        %get3A_234 = arith.index_cast %get3A_233 : i32 to index
        %get3A_235 = arith.index_cast %add3A_220 : i32 to index
        %get3A_236 = arith.constant 16 : index
        %get3A_237 = tpu.vector_load %arg8[%get3A_234, %get3A_235, %get3A_236] {strides = array<i32>} : memref<2x256x128xf32, #tpu.memory_space<vmem>>, vector<1x1x16xf32>,
        %get3A_238 = vector.shape_cast %get3A_237 : vector<1x1x16xf32> to vector<16xf32>
        %mul3A_239 = arith.mulf %gather3A_224, %get3A_238 : vector<16xf32>
        %add3A_240 = arith.addf %mul3A_174, %mul3A_239 : vector<16xf32>
        %get3A_241 = arith.constant 0 : i32
        %get3A_242 = arith.index_cast %get3A_241 : i32 to index
        %get3A_243 = arith.index_cast %add3A_220 : i32 to index
        %get3A_244 = arith.constant 32 : index
        %get3A_245 = tpu.vector_load %arg8[%get3A_242, %get3A_243, %get3A_244] {strides = array<i32>} : memref<2x256x128xf32, #tpu.memory_space<vmem>>, vector<1x1x16xf32>,
        %get3A_246 = vector.shape_cast %get3A_245 : vector<1x1x16xf32> to vector<16xf32>
        %mul3A_247 = arith.mulf %gather3A_224, %get3A_246 : vector<16xf32>
        %add3A_248 = arith.addf %mul3A_181, %mul3A_247 : vector<16xf32>
        %get3A_249 = arith.constant 0 : i32
        %get3A_250 = arith.index_cast %get3A_249 : i32 to index
        %get3A_251 = arith.index_cast %add3A_220 : i32 to index
        %get3A_252 = arith.constant 48 : index
        %get3A_253 = tpu.vector_load %arg8[%get3A_250, %get3A_251, %get3A_252] {strides = array<i32>} : memref<2x256x128xf32, #tpu.memory_space<vmem>>, vector<1x1x16xf32>,
        %get3A_254 = vector.shape_cast %get3A_253 : vector<1x1x16xf32> to vector<16xf32>
        %mul3A_255 = arith.mulf %gather3A_224, %get3A_254 : vector<16xf32>
        %add3A_256 = arith.addf %mul3A_188, %mul3A_255 : vector<16xf32>
        %get3A_257 = arith.constant 0 : i32
        %get3A_258 = arith.index_cast %get3A_257 : i32 to index
        %get3A_259 = arith.index_cast %add3A_220 : i32 to index
        %get3A_260 = arith.constant 64 : index
        %get3A_261 = tpu.vector_load %arg8[%get3A_258, %get3A_259, %get3A_260] {strides = array<i32>} : memref<2x256x128xf32, #tpu.memory_space<vmem>>, vector<1x1x16xf32>,
        %get3A_262 = vector.shape_cast %get3A_261 : vector<1x1x16xf32> to vector<16xf32>
        %mul3A_263 = arith.mulf %gather3A_224, %get3A_262 : vector<16xf32>
        %add3A_264 = arith.addf %mul3A_195, %mul3A_263 : vector<16xf32>
        %get3A_265 = arith.constant 0 : i32
        %get3A_266 = arith.index_cast %get3A_265 : i32 to index
        %get3A_267 = arith.index_cast %add3A_220 : i32 to index
        %get3A_268 = arith.constant 80 : index
        %get3A_269 = tpu.vector_load %arg8[%get3A_266, %get3A_267, %get3A_268] {strides = array<i32>} : memref<2x256x128xf32, #tpu.memory_space<vmem>>, vector<1x1x16xf32>,
        %get3A_270 = vector.shape_cast %get3A_269 : vector<1x1x16xf32> to vector<16xf32>
        %mul3A_271 = arith.mulf %gather3A_224, %get3A_270 : vector<16xf32>
        %add3A_272 = arith.addf %mul3A_202, %mul3A_271 : vector<16xf32>
        %get3A_273 = arith.constant 0 : i32
        %get3A_274 = arith.index_cast %get3A_273 : i32 to index
        %get3A_275 = arith.index_cast %add3A_220 : i32 to index
        %get3A_276 = arith.constant 96 : index
        %get3A_277 = tpu.vector_load %arg8[%get3A_274, %get3A_275, %get3A_276] {strides = array<i32>} : memref<2x256x128xf32, #tpu.memory_space<vmem>>, vector<1x1x16xf32>,
        %get3A_278 = vector.shape_cast %get3A_277 : vector<1x1x16xf32> to vector<16xf32>
        %mul3A_279 = arith.mulf %gather3A_224, %get3A_278 : vector<16xf32>
        %add3A_280 = arith.addf %mul3A_209, %mul3A_279 : vector<16xf32>
        %get3A_281 = arith.constant 0 : i32
        %get3A_282 = arith.index_cast %get3A_281 : i32 to index
        %get3A_283 = arith.index_cast %add3A_220 : i32 to index
        %get3A_284 = arith.constant 112 : index
        %get3A_285 = tpu.vector_load %arg8[%get3A_282, %get3A_283, %get3A_284] {strides = array<i32>} : memref<2x256x128xf32, #tpu.memory_space<vmem>>, vector<1x1x16xf32>,
        %get3A_286 = vector.shape_cast %get3A_285 : vector<1x1x16xf32> to vector<16xf32>
        %mul3A_287 = arith.mulf %gather3A_224, %get3A_286 : vector<16xf32>
        %add3A_288 = arith.addf %mul3A_216, %mul3A_287 : vector<16xf32>
        %mul3A_289 = arith.constant 16 : i32
        %mul3A_290 = arith.muli %scan3A_148, %mul3A_289 : i32
        %add3A_291 = arith.constant 2 : i32
        %add3A_292 = arith.addi %mul3A_290, %add3A_291 : i32
        %broadcast_in_dim3A_293 = arith.constant 2 : i32
        %broadcast_in_dim3A_294 = vector.broadcast %broadcast_in_dim3A_293 : i32 to vector<16x1xi32>
        %gather3A_295 = vector.shape_cast %broadcast_in_dim3A_294 : vector<16x1xi32> to vector<16xi32>
        %gather3A_296 = tpu.dynamic_gather %get3A_154[%gather3A_295] in [0] : vector<16xf32>, vector<16xi32> -> vector<16xf32>
        %get3A_297 = arith.constant 0 : i32
        %get3A_298 = arith.index_cast %get3A_297 : i32 to index
        %get3A_299 = arith.index_cast %add3A_292 : i32 to index
        %get3A_300 = arith.constant 0 : index
        %get3A_301 = tpu.vector_load %arg8[%get3A_298, %get3A_299, %get3A_300] {strides = array<i32>} : memref<2x256x128xf32, #tpu.memory_space<vmem>>, vector<1x1x16xf32>,
        %get3A_302 = vector.shape_cast %get3A_301 : vector<1x1x16xf32> to vector<16xf32>
        %mul3A_303 = arith.mulf %gather3A_296, %get3A_302 : vector<16xf32>
        %add3A_304 = arith.addf %add3A_232, %mul3A_303 : vector<16xf32>
        %get3A_305 = arith.constant 0 : i32
        %get3A_306 = arith.index_cast %get3A_305 : i32 to index
        %get3A_307 = arith.index_cast %add3A_292 : i32 to index
        %get3A_308 = arith.constant 16 : index
        %get3A_309 = tpu.vector_load %arg8[%get3A_306, %get3A_307, %get3A_308] {strides = array<i32>} : memref<2x256x128xf32, #tpu.memory_space<vmem>>, vector<1x1x16xf32>,
        %get3A_310 = vector.shape_cast %get3A_309 : vector<1x1x16xf32> to vector<16xf32>
        %mul3A_311 = arith.mulf %gather3A_296, %get3A_310 : vector<16xf32>
        %add3A_312 = arith.addf %add3A_240, %mul3A_311 : vector<16xf32>
        %get3A_313 = arith.constant 0 : i32
        %get3A_314 = arith.index_cast %get3A_313 : i32 to index
        %get3A_315 = arith.index_cast %add3A_292 : i32 to index
        %get3A_316 = arith.constant 32 : index
        %get3A_317 = tpu.vector_load %arg8[%get3A_314, %get3A_315, %get3A_316] {strides = array<i32>} : memref<2x256x128xf32, #tpu.memory_space<vmem>>, vector<1x1x16xf32>,
        %get3A_318 = vector.shape_cast %get3A_317 : vector<1x1x16xf32> to vector<16xf32>
        %mul3A_319 = arith.mulf %gather3A_296, %get3A_318 : vector<16xf32>
        %add3A_320 = arith.addf %add3A_248, %mul3A_319 : vector<16xf32>
        %get3A_321 = arith.constant 0 : i32
        %get3A_322 = arith.index_cast %get3A_321 : i32 to index
        %get3A_323 = arith.index_cast %add3A_292 : i32 to index
        %get3A_324 = arith.constant 48 : index
        %get3A_325 = tpu.vector_load %arg8[%get3A_322, %get3A_323, %get3A_324] {strides = array<i32>} : memref<2x256x128xf32, #tpu.memory_space<vmem>>, vector<1x1x16xf32>,
        %get3A_326 = vector.shape_cast %get3A_325 : vector<1x1x16xf32> to vector<16xf32>
        %mul3A_327 = arith.mulf %gather3A_296, %get3A_326 : vector<16xf32>
        %add3A_328 = arith.addf %add3A_256, %mul3A_327 : vector<16xf32>
        %get3A_329 = arith.constant 0 : i32
        %get3A_330 = arith.index_cast %get3A_329 : i32 to index
        %get3A_331 = arith.index_cast %add3A_292 : i32 to index
        %get3A_332 = arith.constant 64 : index
        %get3A_333 = tpu.vector_load %arg8[%get3A_330, %get3A_331, %get3A_332] {strides = array<i32>} : memref<2x256x128xf32, #tpu.memory_space<vmem>>, vector<1x1x16xf32>,
        %get3A_334 = vector.shape_cast %get3A_333 : vector<1x1x16xf32> to vector<16xf32>
        %mul3A_335 = arith.mulf %gather3A_296, %get3A_334 : vector<16xf32>
        %add3A_336 = arith.addf %add3A_264, %mul3A_335 : vector<16xf32>
        %get3A_337 = arith.constant 0 : i32
        %get3A_338 = arith.index_cast %get3A_337 : i32 to index
        %get3A_339 = arith.index_cast %add3A_292 : i32 to index
        %get3A_340 = arith.constant 80 : index
        %get3A_341 = tpu.vector_load %arg8[%get3A_338, %get3A_339, %get3A_340] {strides = array<i32>} : memref<2x256x128xf32, #tpu.memory_space<vmem>>, vector<1x1x16xf32>,
        %get3A_342 = vector.shape_cast %get3A_341 : vector<1x1x16xf32> to vector<16xf32>
        %mul3A_343 = arith.mulf %gather3A_296, %get3A_342 : vector<16xf32>
        %add3A_344 = arith.addf %add3A_272, %mul3A_343 : vector<16xf32>
        %get3A_345 = arith.constant 0 : i32
        %get3A_346 = arith.index_cast %get3A_345 : i32 to index
        %get3A_347 = arith.index_cast %add3A_292 : i32 to index
        %get3A_348 = arith.constant 96 : index
        %get3A_349 = tpu.vector_load %arg8[%get3A_346, %get3A_347, %get3A_348] {strides = array<i32>} : memref<2x256x128xf32, #tpu.memory_space<vmem>>, vector<1x1x16xf32>,
        %get3A_350 = vector.shape_cast %get3A_349 : vector<1x1x16xf32> to vector<16xf32>
        %mul3A_351 = arith.mulf %gather3A_296, %get3A_350 : vector<16xf32>
        %add3A_352 = arith.addf %add3A_280, %mul3A_351 : vector<16xf32>
        %get3A_353 = arith.constant 0 : i32
        %get3A_354 = arith.index_cast %get3A_353 : i32 to index
        %get3A_355 = arith.index_cast %add3A_292 : i32 to index
        %get3A_356 = arith.constant 112 : index
        %get3A_357 = tpu.vector_load %arg8[%get3A_354, %get3A_355, %get3A_356] {strides = array<i32>} : memref<2x256x128xf32, #tpu.memory_space<vmem>>, vector<1x1x16xf32>,
        %get3A_358 = vector.shape_cast %get3A_357 : vector<1x1x16xf32> to vector<16xf32>
        %mul3A_359 = arith.mulf %gather3A_296, %get3A_358 : vector<16xf32>
        %add3A_360 = arith.addf %add3A_288, %mul3A_359 : vector<16xf32>
        %mul3A_361 = arith.constant 16 : i32
        %mul3A_362 = arith.muli %scan3A_148, %mul3A_361 : i32
        %add3A_363 = arith.constant 3 : i32
        %add3A_364 = arith.addi %mul3A_362, %add3A_363 : i32
        %broadcast_in_dim3A_365 = arith.constant 3 : i32
        %broadcast_in_dim3A_366 = vector.broadcast %broadcast_in_dim3A_365 : i32 to vector<16x1xi32>
        %gather3A_367 = vector.shape_cast %broadcast_in_dim3A_366 : vector<16x1xi32> to vector<16xi32>
        %gather3A_368 = tpu.dynamic_gather %get3A_154[%gather3A_367] in [0] : vector<16xf32>, vector<16xi32> -> vector<16xf32>
        %get3A_369 = arith.constant 0 : i32
        %get3A_370 = arith.index_cast %get3A_369 : i32 to index
        %get3A_371 = arith.index_cast %add3A_364 : i32 to index
        %get3A_372 = arith.constant 0 : index
        %get3A_373 = tpu.vector_load %arg8[%get3A_370, %get3A_371, %get3A_372] {strides = array<i32>} : memref<2x256x128xf32, #tpu.memory_space<vmem>>, vector<1x1x16xf32>,
        %get3A_374 = vector.shape_cast %get3A_373 : vector<1x1x16xf32> to vector<16xf32>
        %mul3A_375 = arith.mulf %gather3A_368, %get3A_374 : vector<16xf32>
        %add3A_376 = arith.addf %add3A_304, %mul3A_375 : vector<16xf32>
        %get3A_377 = arith.constant 0 : i32
        %get3A_378 = arith.index_cast %get3A_377 : i32 to index
        %get3A_379 = arith.index_cast %add3A_364 : i32 to index
        %get3A_380 = arith.constant 16 : index
        %get3A_381 = tpu.vector_load %arg8[%get3A_378, %get3A_379, %get3A_380] {strides = array<i32>} : memref<2x256x128xf32, #tpu.memory_space<vmem>>, vector<1x1x16xf32>,
        %get3A_382 = vector.shape_cast %get3A_381 : vector<1x1x16xf32> to vector<16xf32>
        %mul3A_383 = arith.mulf %gather3A_368, %get3A_382 : vector<16xf32>
        %add3A_384 = arith.addf %add3A_312, %mul3A_383 : vector<16xf32>
        %get3A_385 = arith.constant 0 : i32
        %get3A_386 = arith.index_cast %get3A_385 : i32 to index
        %get3A_387 = arith.index_cast %add3A_364 : i32 to index
        %get3A_388 = arith.constant 32 : index
        %get3A_389 = tpu.vector_load %arg8[%get3A_386, %get3A_387, %get3A_388] {strides = array<i32>} : memref<2x256x128xf32, #tpu.memory_space<vmem>>, vector<1x1x16xf32>,
        %get3A_390 = vector.shape_cast %get3A_389 : vector<1x1x16xf32> to vector<16xf32>
        %mul3A_391 = arith.mulf %gather3A_368, %get3A_390 : vector<16xf32>
        %add3A_392 = arith.addf %add3A_320, %mul3A_391 : vector<16xf32>
        %get3A_393 = arith.constant 0 : i32
        %get3A_394 = arith.index_cast %get3A_393 : i32 to index
        %get3A_395 = arith.index_cast %add3A_364 : i32 to index
        %get3A_396 = arith.constant 48 : index
        %get3A_397 = tpu.vector_load %arg8[%get3A_394, %get3A_395, %get3A_396] {strides = array<i32>} : memref<2x256x128xf32, #tpu.memory_space<vmem>>, vector<1x1x16xf32>,
        %get3A_398 = vector.shape_cast %get3A_397 : vector<1x1x16xf32> to vector<16xf32>
        %mul3A_399 = arith.mulf %gather3A_368, %get3A_398 : vector<16xf32>
        %add3A_400 = arith.addf %add3A_328, %mul3A_399 : vector<16xf32>
        %get3A_401 = arith.constant 0 : i32
        %get3A_402 = arith.index_cast %get3A_401 : i32 to index
        %get3A_403 = arith.index_cast %add3A_364 : i32 to index
        %get3A_404 = arith.constant 64 : index
        %get3A_405 = tpu.vector_load %arg8[%get3A_402, %get3A_403, %get3A_404] {strides = array<i32>} : memref<2x256x128xf32, #tpu.memory_space<vmem>>, vector<1x1x16xf32>,
        %get3A_406 = vector.shape_cast %get3A_405 : vector<1x1x16xf32> to vector<16xf32>
        %mul3A_407 = arith.mulf %gather3A_368, %get3A_406 : vector<16xf32>
        %add3A_408 = arith.addf %add3A_336, %mul3A_407 : vector<16xf32>
        %get3A_409 = arith.constant 0 : i32
        %get3A_410 = arith.index_cast %get3A_409 : i32 to index
        %get3A_411 = arith.index_cast %add3A_364 : i32 to index
        %get3A_412 = arith.constant 80 : index
        %get3A_413 = tpu.vector_load %arg8[%get3A_410, %get3A_411, %get3A_412] {strides = array<i32>} : memref<2x256x128xf32, #tpu.memory_space<vmem>>, vector<1x1x16xf32>,
        %get3A_414 = vector.shape_cast %get3A_413 : vector<1x1x16xf32> to vector<16xf32>
        %mul3A_415 = arith.mulf %gather3A_368, %get3A_414 : vector<16xf32>
        %add3A_416 = arith.addf %add3A_344, %mul3A_415 : vector<16xf32>
        %get3A_417 = arith.constant 0 : i32
        %get3A_418 = arith.index_cast %get3A_417 : i32 to index
        %get3A_419 = arith.index_cast %add3A_364 : i32 to index
        %get3A_420 = arith.constant 96 : index
        %get3A_421 = tpu.vector_load %arg8[%get3A_418, %get3A_419, %get3A_420] {strides = array<i32>} : memref<2x256x128xf32, #tpu.memory_space<vmem>>, vector<1x1x16xf32>,
        %get3A_422 = vector.shape_cast %get3A_421 : vector<1x1x16xf32> to vector<16xf32>
        %mul3A_423 = arith.mulf %gather3A_368, %get3A_422 : vector<16xf32>
        %add3A_424 = arith.addf %add3A_352, %mul3A_423 : vector<16xf32>
        %get3A_425 = arith.constant 0 : i32
        %get3A_426 = arith.index_cast %get3A_425 : i32 to index
        %get3A_427 = arith.index_cast %add3A_364 : i32 to index
        %get3A_428 = arith.constant 112 : index
        %get3A_429 = tpu.vector_load %arg8[%get3A_426, %get3A_427, %get3A_428] {strides = array<i32>} : memref<2x256x128xf32, #tpu.memory_space<vmem>>, vector<1x1x16xf32>,
        %get3A_430 = vector.shape_cast %get3A_429 : vector<1x1x16xf32> to vector<16xf32>
        %mul3A_431 = arith.mulf %gather3A_368, %get3A_430 : vector<16xf32>
        %add3A_432 = arith.addf %add3A_360, %mul3A_431 : vector<16xf32>
        %mul3A_433 = arith.constant 16 : i32
        %mul3A_434 = arith.muli %scan3A_148, %mul3A_433 : i32
        %add3A_435 = arith.constant 4 : i32
        %add3A_436 = arith.addi %mul3A_434, %add3A_435 : i32
        %broadcast_in_dim3A_437 = arith.constant 4 : i32
        %broadcast_in_dim3A_438 = vector.broadcast %broadcast_in_dim3A_437 : i32 to vector<16x1xi32>
        %gather3A_439 = vector.shape_cast %broadcast_in_dim3A_438 : vector<16x1xi32> to vector<16xi32>
        %gather3A_440 = tpu.dynamic_gather %get3A_154[%gather3A_439] in [0] : vector<16xf32>, vector<16xi32> -> vector<16xf32>
        %get3A_441 = arith.constant 0 : i32
        %get3A_442 = arith.index_cast %get3A_441 : i32 to index
        %get3A_443 = arith.index_cast %add3A_436 : i32 to index
        %get3A_444 = arith.constant 0 : index
        %get3A_445 = tpu.vector_load %arg8[%get3A_442, %get3A_443, %get3A_444] {strides = array<i32>} : memref<2x256x128xf32, #tpu.memory_space<vmem>>, vector<1x1x16xf32>,
        %get3A_446 = vector.shape_cast %get3A_445 : vector<1x1x16xf32> to vector<16xf32>
        %mul3A_447 = arith.mulf %gather3A_440, %get3A_446 : vector<16xf32>
        %add3A_448 = arith.addf %add3A_376, %mul3A_447 : vector<16xf32>
        %get3A_449 = arith.constant 0 : i32
        %get3A_450 = arith.index_cast %get3A_449 : i32 to index
        %get3A_451 = arith.index_cast %add3A_436 : i32 to index
        %get3A_452 = arith.constant 16 : index
        %get3A_453 = tpu.vector_load %arg8[%get3A_450, %get3A_451, %get3A_452] {strides = array<i32>} : memref<2x256x128xf32, #tpu.memory_space<vmem>>, vector<1x1x16xf32>,
        %get3A_454 = vector.shape_cast %get3A_453 : vector<1x1x16xf32> to vector<16xf32>
        %mul3A_455 = arith.mulf %gather3A_440, %get3A_454 : vector<16xf32>
        %add3A_456 = arith.addf %add3A_384, %mul3A_455 : vector<16xf32>
        %get3A_457 = arith.constant 0 : i32
        %get3A_458 = arith.index_cast %get3A_457 : i32 to index
        %get3A_459 = arith.index_cast %add3A_436 : i32 to index
        %get3A_460 = arith.constant 32 : index
        %get3A_461 = tpu.vector_load %arg8[%get3A_458, %get3A_459, %get3A_460] {strides = array<i32>} : memref<2x256x128xf32, #tpu.memory_space<vmem>>, vector<1x1x16xf32>,
        %get3A_462 = vector.shape_cast %get3A_461 : vector<1x1x16xf32> to vector<16xf32>
        %mul3A_463 = arith.mulf %gather3A_440, %get3A_462 : vector<16xf32>
        %add3A_464 = arith.addf %add3A_392, %mul3A_463 : vector<16xf32>
        %get3A_465 = arith.constant 0 : i32
        %get3A_466 = arith.index_cast %get3A_465 : i32 to index
        %get3A_467 = arith.index_cast %add3A_436 : i32 to index
        %get3A_468 = arith.constant 48 : index
        %get3A_469 = tpu.vector_load %arg8[%get3A_466, %get3A_467, %get3A_468] {strides = array<i32>} : memref<2x256x128xf32, #tpu.memory_space<vmem>>, vector<1x1x16xf32>,
        %get3A_470 = vector.shape_cast %get3A_469 : vector<1x1x16xf32> to vector<16xf32>
        %mul3A_471 = arith.mulf %gather3A_440, %get3A_470 : vector<16xf32>
        %add3A_472 = arith.addf %add3A_400, %mul3A_471 : vector<16xf32>
        %get3A_473 = arith.constant 0 : i32
        %get3A_474 = arith.index_cast %get3A_473 : i32 to index
        %get3A_475 = arith.index_cast %add3A_436 : i32 to index
        %get3A_476 = arith.constant 64 : index
        %get3A_477 = tpu.vector_load %arg8[%get3A_474, %get3A_475, %get3A_476] {strides = array<i32>} : memref<2x256x128xf32, #tpu.memory_space<vmem>>, vector<1x1x16xf32>,
        %get3A_478 = vector.shape_cast %get3A_477 : vector<1x1x16xf32> to vector<16xf32>
        %mul3A_479 = arith.mulf %gather3A_440, %get3A_478 : vector<16xf32>
        %add3A_480 = arith.addf %add3A_408, %mul3A_479 : vector<16xf32>
        %get3A_481 = arith.constant 0 : i32
        %get3A_482 = arith.index_cast %get3A_481 : i32 to index
        %get3A_483 = arith.index_cast %add3A_436 : i32 to index
        %get3A_484 = arith.constant 80 : index
        %get3A_485 = tpu.vector_load %arg8[%get3A_482, %get3A_483, %get3A_484] {strides = array<i32>} : memref<2x256x128xf32, #tpu.memory_space<vmem>>, vector<1x1x16xf32>,
        %get3A_486 = vector.shape_cast %get3A_485 : vector<1x1x16xf32> to vector<16xf32>
        %mul3A_487 = arith.mulf %gather3A_440, %get3A_486 : vector<16xf32>
        %add3A_488 = arith.addf %add3A_416, %mul3A_487 : vector<16xf32>
        %get3A_489 = arith.constant 0 : i32
        %get3A_490 = arith.index_cast %get3A_489 : i32 to index
        %get3A_491 = arith.index_cast %add3A_436 : i32 to index
        %get3A_492 = arith.constant 96 : index
        %get3A_493 = tpu.vector_load %arg8[%get3A_490, %get3A_491, %get3A_492] {strides = array<i32>} : memref<2x256x128xf32, #tpu.memory_space<vmem>>, vector<1x1x16xf32>,
        %get3A_494 = vector.shape_cast %get3A_493 : vector<1x1x16xf32> to vector<16xf32>
        %mul3A_495 = arith.mulf %gather3A_440, %get3A_494 : vector<16xf32>
        %add3A_496 = arith.addf %add3A_424, %mul3A_495 : vector<16xf32>
        %get3A_497 = arith.constant 0 : i32
        %get3A_498 = arith.index_cast %get3A_497 : i32 to index
        %get3A_499 = arith.index_cast %add3A_436 : i32 to index
        %get3A_500 = arith.constant 112 : index
        %get3A_501 = tpu.vector_load %arg8[%get3A_498, %get3A_499, %get3A_500] {strides = array<i32>} : memref<2x256x128xf32, #tpu.memory_space<vmem>>, vector<1x1x16xf32>,
        %get3A_502 = vector.shape_cast %get3A_501 : vector<1x1x16xf32> to vector<16xf32>
        %mul3A_503 = arith.mulf %gather3A_440, %get3A_502 : vector<16xf32>
        %add3A_504 = arith.addf %add3A_432, %mul3A_503 : vector<16xf32>
        %mul3A_505 = arith.constant 16 : i32
        %mul3A_506 = arith.muli %scan3A_148, %mul3A_505 : i32
        %add3A_507 = arith.constant 5 : i32
        %add3A_508 = arith.addi %mul3A_506, %add3A_507 : i32
        %broadcast_in_dim3A_509 = arith.constant 5 : i32
        %broadcast_in_dim3A_510 = vector.broadcast %broadcast_in_dim3A_509 : i32 to vector<16x1xi32>
        %gather3A_511 = vector.shape_cast %broadcast_in_dim3A_510 : vector<16x1xi32> to vector<16xi32>
        %gather3A_512 = tpu.dynamic_gather %get3A_154[%gather3A_511] in [0] : vector<16xf32>, vector<16xi32> -> vector<16xf32>
        %get3A_513 = arith.constant 0 : i32
        %get3A_514 = arith.index_cast %get3A_513 : i32 to index
        %get3A_515 = arith.index_cast %add3A_508 : i32 to index
        %get3A_516 = arith.constant 0 : index
        %get3A_517 = tpu.vector_load %arg8[%get3A_514, %get3A_515, %get3A_516] {strides = array<i32>} : memref<2x256x128xf32, #tpu.memory_space<vmem>>, vector<1x1x16xf32>,
        %get3A_518 = vector.shape_cast %get3A_517 : vector<1x1x16xf32> to vector<16xf32>
        %mul3A_519 = arith.mulf %gather3A_512, %get3A_518 : vector<16xf32>
        %add3A_520 = arith.addf %add3A_448, %mul3A_519 : vector<16xf32>
        %get3A_521 = arith.constant 0 : i32
        %get3A_522 = arith.index_cast %get3A_521 : i32 to index
        %get3A_523 = arith.index_cast %add3A_508 : i32 to index
        %get3A_524 = arith.constant 16 : index
        %get3A_525 = tpu.vector_load %arg8[%get3A_522, %get3A_523, %get3A_524] {strides = array<i32>} : memref<2x256x128xf32, #tpu.memory_space<vmem>>, vector<1x1x16xf32>,
        %get3A_526 = vector.shape_cast %get3A_525 : vector<1x1x16xf32> to vector<16xf32>
        %mul3A_527 = arith.mulf %gather3A_512, %get3A_526 : vector<16xf32>
        %add3A_528 = arith.addf %add3A_456, %mul3A_527 : vector<16xf32>
        %get3A_529 = arith.constant 0 : i32
        %get3A_530 = arith.index_cast %get3A_529 : i32 to index
        %get3A_531 = arith.index_cast %add3A_508 : i32 to index
        %get3A_532 = arith.constant 32 : index
        %get3A_533 = tpu.vector_load %arg8[%get3A_530, %get3A_531, %get3A_532] {strides = array<i32>} : memref<2x256x128xf32, #tpu.memory_space<vmem>>, vector<1x1x16xf32>,
        %get3A_534 = vector.shape_cast %get3A_533 : vector<1x1x16xf32> to vector<16xf32>
        %mul3A_535 = arith.mulf %gather3A_512, %get3A_534 : vector<16xf32>
        %add3A_536 = arith.addf %add3A_464, %mul3A_535 : vector<16xf32>
        %get3A_537 = arith.constant 0 : i32
        %get3A_538 = arith.index_cast %get3A_537 : i32 to index
        %get3A_539 = arith.index_cast %add3A_508 : i32 to index
        %get3A_540 = arith.constant 48 : index
        %get3A_541 = tpu.vector_load %arg8[%get3A_538, %get3A_539, %get3A_540] {strides = array<i32>} : memref<2x256x128xf32, #tpu.memory_space<vmem>>, vector<1x1x16xf32>,
        %get3A_542 = vector.shape_cast %get3A_541 : vector<1x1x16xf32> to vector<16xf32>
        %mul3A_543 = arith.mulf %gather3A_512, %get3A_542 : vector<16xf32>
        %add3A_544 = arith.addf %add3A_472, %mul3A_543 : vector<16xf32>
        %get3A_545 = arith.constant 0 : i32
        %get3A_546 = arith.index_cast %get3A_545 : i32 to index
        %get3A_547 = arith.index_cast %add3A_508 : i32 to index
        %get3A_548 = arith.constant 64 : index
        %get3A_549 = tpu.vector_load %arg8[%get3A_546, %get3A_547, %get3A_548] {strides = array<i32>} : memref<2x256x128xf32, #tpu.memory_space<vmem>>, vector<1x1x16xf32>,
        %get3A_550 = vector.shape_cast %get3A_549 : vector<1x1x16xf32> to vector<16xf32>
        %mul3A_551 = arith.mulf %gather3A_512, %get3A_550 : vector<16xf32>
        %add3A_552 = arith.addf %add3A_480, %mul3A_551 : vector<16xf32>
        %get3A_553 = arith.constant 0 : i32
        %get3A_554 = arith.index_cast %get3A_553 : i32 to index
        %get3A_555 = arith.index_cast %add3A_508 : i32 to index
        %get3A_556 = arith.constant 80 : index
        %get3A_557 = tpu.vector_load %arg8[%get3A_554, %get3A_555, %get3A_556] {strides = array<i32>} : memref<2x256x128xf32, #tpu.memory_space<vmem>>, vector<1x1x16xf32>,
        %get3A_558 = vector.shape_cast %get3A_557 : vector<1x1x16xf32> to vector<16xf32>
        %mul3A_559 = arith.mulf %gather3A_512, %get3A_558 : vector<16xf32>
        %add3A_560 = arith.addf %add3A_488, %mul3A_559 : vector<16xf32>
        %get3A_561 = arith.constant 0 : i32
        %get3A_562 = arith.index_cast %get3A_561 : i32 to index
        %get3A_563 = arith.index_cast %add3A_508 : i32 to index
        %get3A_564 = arith.constant 96 : index
        %get3A_565 = tpu.vector_load %arg8[%get3A_562, %get3A_563, %get3A_564] {strides = array<i32>} : memref<2x256x128xf32, #tpu.memory_space<vmem>>, vector<1x1x16xf32>,
        %get3A_566 = vector.shape_cast %get3A_565 : vector<1x1x16xf32> to vector<16xf32>
        %mul3A_567 = arith.mulf %gather3A_512, %get3A_566 : vector<16xf32>
        %add3A_568 = arith.addf %add3A_496, %mul3A_567 : vector<16xf32>
        %get3A_569 = arith.constant 0 : i32
        %get3A_570 = arith.index_cast %get3A_569 : i32 to index
        %get3A_571 = arith.index_cast %add3A_508 : i32 to index
        %get3A_572 = arith.constant 112 : index
        %get3A_573 = tpu.vector_load %arg8[%get3A_570, %get3A_571, %get3A_572] {strides = array<i32>} : memref<2x256x128xf32, #tpu.memory_space<vmem>>, vector<1x1x16xf32>,
        %get3A_574 = vector.shape_cast %get3A_573 : vector<1x1x16xf32> to vector<16xf32>
        %mul3A_575 = arith.mulf %gather3A_512, %get3A_574 : vector<16xf32>
        %add3A_576 = arith.addf %add3A_504, %mul3A_575 : vector<16xf32>
        %mul3A_577 = arith.constant 16 : i32
        %mul3A_578 = arith.muli %scan3A_148, %mul3A_577 : i32
        %add3A_579 = arith.constant 6 : i32
        %add3A_580 = arith.addi %mul3A_578, %add3A_579 : i32
        %broadcast_in_dim3A_581 = arith.constant 6 : i32
        %broadcast_in_dim3A_582 = vector.broadcast %broadcast_in_dim3A_581 : i32 to vector<16x1xi32>
        %gather3A_583 = vector.shape_cast %broadcast_in_dim3A_582 : vector<16x1xi32> to vector<16xi32>
        %gather3A_584 = tpu.dynamic_gather %get3A_154[%gather3A_583] in [0] : vector<16xf32>, vector<16xi32> -> vector<16xf32>
        %get3A_585 = arith.constant 0 : i32
        %get3A_586 = arith.index_cast %get3A_585 : i32 to index
        %get3A_587 = arith.index_cast %add3A_580 : i32 to index
        %get3A_588 = arith.constant 0 : index
        %get3A_589 = tpu.vector_load %arg8[%get3A_586, %get3A_587, %get3A_588] {strides = array<i32>} : memref<2x256x128xf32, #tpu.memory_space<vmem>>, vector<1x1x16xf32>,
        %get3A_590 = vector.shape_cast %get3A_589 : vector<1x1x16xf32> to vector<16xf32>
        %mul3A_591 = arith.mulf %gather3A_584, %get3A_590 : vector<16xf32>
        %add3A_592 = arith.addf %add3A_520, %mul3A_591 : vector<16xf32>
        %get3A_593 = arith.constant 0 : i32
        %get3A_594 = arith.index_cast %get3A_593 : i32 to index
        %get3A_595 = arith.index_cast %add3A_580 : i32 to index
        %get3A_596 = arith.constant 16 : index
        %get3A_597 = tpu.vector_load %arg8[%get3A_594, %get3A_595, %get3A_596] {strides = array<i32>} : memref<2x256x128xf32, #tpu.memory_space<vmem>>, vector<1x1x16xf32>,
        %get3A_598 = vector.shape_cast %get3A_597 : vector<1x1x16xf32> to vector<16xf32>
        %mul3A_599 = arith.mulf %gather3A_584, %get3A_598 : vector<16xf32>
        %add3A_600 = arith.addf %add3A_528, %mul3A_599 : vector<16xf32>
        %get3A_601 = arith.constant 0 : i32
        %get3A_602 = arith.index_cast %get3A_601 : i32 to index
        %get3A_603 = arith.index_cast %add3A_580 : i32 to index
        %get3A_604 = arith.constant 32 : index
        %get3A_605 = tpu.vector_load %arg8[%get3A_602, %get3A_603, %get3A_604] {strides = array<i32>} : memref<2x256x128xf32, #tpu.memory_space<vmem>>, vector<1x1x16xf32>,
        %get3A_606 = vector.shape_cast %get3A_605 : vector<1x1x16xf32> to vector<16xf32>
        %mul3A_607 = arith.mulf %gather3A_584, %get3A_606 : vector<16xf32>
        %add3A_608 = arith.addf %add3A_536, %mul3A_607 : vector<16xf32>
        %get3A_609 = arith.constant 0 : i32
        %get3A_610 = arith.index_cast %get3A_609 : i32 to index
        %get3A_611 = arith.index_cast %add3A_580 : i32 to index
        %get3A_612 = arith.constant 48 : index
        %get3A_613 = tpu.vector_load %arg8[%get3A_610, %get3A_611, %get3A_612] {strides = array<i32>} : memref<2x256x128xf32, #tpu.memory_space<vmem>>, vector<1x1x16xf32>,
        %get3A_614 = vector.shape_cast %get3A_613 : vector<1x1x16xf32> to vector<16xf32>
        %mul3A_615 = arith.mulf %gather3A_584, %get3A_614 : vector<16xf32>
        %add3A_616 = arith.addf %add3A_544, %mul3A_615 : vector<16xf32>
        %get3A_617 = arith.constant 0 : i32
        %get3A_618 = arith.index_cast %get3A_617 : i32 to index
        %get3A_619 = arith.index_cast %add3A_580 : i32 to index
        %get3A_620 = arith.constant 64 : index
        %get3A_621 = tpu.vector_load %arg8[%get3A_618, %get3A_619, %get3A_620] {strides = array<i32>} : memref<2x256x128xf32, #tpu.memory_space<vmem>>, vector<1x1x16xf32>,
        %get3A_622 = vector.shape_cast %get3A_621 : vector<1x1x16xf32> to vector<16xf32>
        %mul3A_623 = arith.mulf %gather3A_584, %get3A_622 : vector<16xf32>
        %add3A_624 = arith.addf %add3A_552, %mul3A_623 : vector<16xf32>
        %get3A_625 = arith.constant 0 : i32
        %get3A_626 = arith.index_cast %get3A_625 : i32 to index
        %get3A_627 = arith.index_cast %add3A_580 : i32 to index
        %get3A_628 = arith.constant 80 : index
        %get3A_629 = tpu.vector_load %arg8[%get3A_626, %get3A_627, %get3A_628] {strides = array<i32>} : memref<2x256x128xf32, #tpu.memory_space<vmem>>, vector<1x1x16xf32>,
        %get3A_630 = vector.shape_cast %get3A_629 : vector<1x1x16xf32> to vector<16xf32>
        %mul3A_631 = arith.mulf %gather3A_584, %get3A_630 : vector<16xf32>
        %add3A_632 = arith.addf %add3A_560, %mul3A_631 : vector<16xf32>
        %get3A_633 = arith.constant 0 : i32
        %get3A_634 = arith.index_cast %get3A_633 : i32 to index
        %get3A_635 = arith.index_cast %add3A_580 : i32 to index
        %get3A_636 = arith.constant 96 : index
        %get3A_637 = tpu.vector_load %arg8[%get3A_634, %get3A_635, %get3A_636] {strides = array<i32>} : memref<2x256x128xf32, #tpu.memory_space<vmem>>, vector<1x1x16xf32>,
        %get3A_638 = vector.shape_cast %get3A_637 : vector<1x1x16xf32> to vector<16xf32>
        %mul3A_639 = arith.mulf %gather3A_584, %get3A_638 : vector<16xf32>
        %add3A_640 = arith.addf %add3A_568, %mul3A_639 : vector<16xf32>
        %get3A_641 = arith.constant 0 : i32
        %get3A_642 = arith.index_cast %get3A_641 : i32 to index
        %get3A_643 = arith.index_cast %add3A_580 : i32 to index
        %get3A_644 = arith.constant 112 : index
        %get3A_645 = tpu.vector_load %arg8[%get3A_642, %get3A_643, %get3A_644] {strides = array<i32>} : memref<2x256x128xf32, #tpu.memory_space<vmem>>, vector<1x1x16xf32>,
        %get3A_646 = vector.shape_cast %get3A_645 : vector<1x1x16xf32> to vector<16xf32>
        %mul3A_647 = arith.mulf %gather3A_584, %get3A_646 : vector<16xf32>
        %add3A_648 = arith.addf %add3A_576, %mul3A_647 : vector<16xf32>
        %mul3A_649 = arith.constant 16 : i32
        %mul3A_650 = arith.muli %scan3A_148, %mul3A_649 : i32
        %add3A_651 = arith.constant 7 : i32
        %add3A_652 = arith.addi %mul3A_650, %add3A_651 : i32
        %broadcast_in_dim3A_653 = arith.constant 7 : i32
        %broadcast_in_dim3A_654 = vector.broadcast %broadcast_in_dim3A_653 : i32 to vector<16x1xi32>
        %gather3A_655 = vector.shape_cast %broadcast_in_dim3A_654 : vector<16x1xi32> to vector<16xi32>
        %gather3A_656 = tpu.dynamic_gather %get3A_154[%gather3A_655] in [0] : vector<16xf32>, vector<16xi32> -> vector<16xf32>
        %get3A_657 = arith.constant 0 : i32
        %get3A_658 = arith.index_cast %get3A_657 : i32 to index
        %get3A_659 = arith.index_cast %add3A_652 : i32 to index
        %get3A_660 = arith.constant 0 : index
        %get3A_661 = tpu.vector_load %arg8[%get3A_658, %get3A_659, %get3A_660] {strides = array<i32>} : memref<2x256x128xf32, #tpu.memory_space<vmem>>, vector<1x1x16xf32>,
        %get3A_662 = vector.shape_cast %get3A_661 : vector<1x1x16xf32> to vector<16xf32>
        %mul3A_663 = arith.mulf %gather3A_656, %get3A_662 : vector<16xf32>
        %add3A_664 = arith.addf %add3A_592, %mul3A_663 : vector<16xf32>
        %get3A_665 = arith.constant 0 : i32
        %get3A_666 = arith.index_cast %get3A_665 : i32 to index
        %get3A_667 = arith.index_cast %add3A_652 : i32 to index
        %get3A_668 = arith.constant 16 : index
        %get3A_669 = tpu.vector_load %arg8[%get3A_666, %get3A_667, %get3A_668] {strides = array<i32>} : memref<2x256x128xf32, #tpu.memory_space<vmem>>, vector<1x1x16xf32>,
        %get3A_670 = vector.shape_cast %get3A_669 : vector<1x1x16xf32> to vector<16xf32>
        %mul3A_671 = arith.mulf %gather3A_656, %get3A_670 : vector<16xf32>
        %add3A_672 = arith.addf %add3A_600, %mul3A_671 : vector<16xf32>
        %get3A_673 = arith.constant 0 : i32
        %get3A_674 = arith.index_cast %get3A_673 : i32 to index
        %get3A_675 = arith.index_cast %add3A_652 : i32 to index
        %get3A_676 = arith.constant 32 : index
        %get3A_677 = tpu.vector_load %arg8[%get3A_674, %get3A_675, %get3A_676] {strides = array<i32>} : memref<2x256x128xf32, #tpu.memory_space<vmem>>, vector<1x1x16xf32>,
        %get3A_678 = vector.shape_cast %get3A_677 : vector<1x1x16xf32> to vector<16xf32>
        %mul3A_679 = arith.mulf %gather3A_656, %get3A_678 : vector<16xf32>
        %add3A_680 = arith.addf %add3A_608, %mul3A_679 : vector<16xf32>
        %get3A_681 = arith.constant 0 : i32
        %get3A_682 = arith.index_cast %get3A_681 : i32 to index
        %get3A_683 = arith.index_cast %add3A_652 : i32 to index
        %get3A_684 = arith.constant 48 : index
        %get3A_685 = tpu.vector_load %arg8[%get3A_682, %get3A_683, %get3A_684] {strides = array<i32>} : memref<2x256x128xf32, #tpu.memory_space<vmem>>, vector<1x1x16xf32>,
        %get3A_686 = vector.shape_cast %get3A_685 : vector<1x1x16xf32> to vector<16xf32>
        %mul3A_687 = arith.mulf %gather3A_656, %get3A_686 : vector<16xf32>
        %add3A_688 = arith.addf %add3A_616, %mul3A_687 : vector<16xf32>
        %get3A_689 = arith.constant 0 : i32
        %get3A_690 = arith.index_cast %get3A_689 : i32 to index
        %get3A_691 = arith.index_cast %add3A_652 : i32 to index
        %get3A_692 = arith.constant 64 : index
        %get3A_693 = tpu.vector_load %arg8[%get3A_690, %get3A_691, %get3A_692] {strides = array<i32>} : memref<2x256x128xf32, #tpu.memory_space<vmem>>, vector<1x1x16xf32>,
        %get3A_694 = vector.shape_cast %get3A_693 : vector<1x1x16xf32> to vector<16xf32>
        %mul3A_695 = arith.mulf %gather3A_656, %get3A_694 : vector<16xf32>
        %add3A_696 = arith.addf %add3A_624, %mul3A_695 : vector<16xf32>
        %get3A_697 = arith.constant 0 : i32
        %get3A_698 = arith.index_cast %get3A_697 : i32 to index
        %get3A_699 = arith.index_cast %add3A_652 : i32 to index
        %get3A_700 = arith.constant 80 : index
        %get3A_701 = tpu.vector_load %arg8[%get3A_698, %get3A_699, %get3A_700] {strides = array<i32>} : memref<2x256x128xf32, #tpu.memory_space<vmem>>, vector<1x1x16xf32>,
        %get3A_702 = vector.shape_cast %get3A_701 : vector<1x1x16xf32> to vector<16xf32>
        %mul3A_703 = arith.mulf %gather3A_656, %get3A_702 : vector<16xf32>
        %add3A_704 = arith.addf %add3A_632, %mul3A_703 : vector<16xf32>
        %get3A_705 = arith.constant 0 : i32
        %get3A_706 = arith.index_cast %get3A_705 : i32 to index
        %get3A_707 = arith.index_cast %add3A_652 : i32 to index
        %get3A_708 = arith.constant 96 : index
        %get3A_709 = tpu.vector_load %arg8[%get3A_706, %get3A_707, %get3A_708] {strides = array<i32>} : memref<2x256x128xf32, #tpu.memory_space<vmem>>, vector<1x1x16xf32>,
        %get3A_710 = vector.shape_cast %get3A_709 : vector<1x1x16xf32> to vector<16xf32>
        %mul3A_711 = arith.mulf %gather3A_656, %get3A_710 : vector<16xf32>
        %add3A_712 = arith.addf %add3A_640, %mul3A_711 : vector<16xf32>
        %get3A_713 = arith.constant 0 : i32
        %get3A_714 = arith.index_cast %get3A_713 : i32 to index
        %get3A_715 = arith.index_cast %add3A_652 : i32 to index
        %get3A_716 = arith.constant 112 : index
        %get3A_717 = tpu.vector_load %arg8[%get3A_714, %get3A_715, %get3A_716] {strides = array<i32>} : memref<2x256x128xf32, #tpu.memory_space<vmem>>, vector<1x1x16xf32>,
        %get3A_718 = vector.shape_cast %get3A_717 : vector<1x1x16xf32> to vector<16xf32>
        %mul3A_719 = arith.mulf %gather3A_656, %get3A_718 : vector<16xf32>
        %add3A_720 = arith.addf %add3A_648, %mul3A_719 : vector<16xf32>
        %mul3A_721 = arith.constant 16 : i32
        %mul3A_722 = arith.muli %scan3A_148, %mul3A_721 : i32
        %add3A_723 = arith.constant 8 : i32
        %add3A_724 = arith.addi %mul3A_722, %add3A_723 : i32
        %broadcast_in_dim3A_725 = arith.constant 8 : i32
        %broadcast_in_dim3A_726 = vector.broadcast %broadcast_in_dim3A_725 : i32 to vector<16x1xi32>
        %gather3A_727 = vector.shape_cast %broadcast_in_dim3A_726 : vector<16x1xi32> to vector<16xi32>
        %gather3A_728 = tpu.dynamic_gather %get3A_154[%gather3A_727] in [0] : vector<16xf32>, vector<16xi32> -> vector<16xf32>
        %get3A_729 = arith.constant 0 : i32
        %get3A_730 = arith.index_cast %get3A_729 : i32 to index
        %get3A_731 = arith.index_cast %add3A_724 : i32 to index
        %get3A_732 = arith.constant 0 : index
        %get3A_733 = tpu.vector_load %arg8[%get3A_730, %get3A_731, %get3A_732] {strides = array<i32>} : memref<2x256x128xf32, #tpu.memory_space<vmem>>, vector<1x1x16xf32>,
        %get3A_734 = vector.shape_cast %get3A_733 : vector<1x1x16xf32> to vector<16xf32>
        %mul3A_735 = arith.mulf %gather3A_728, %get3A_734 : vector<16xf32>
        %add3A_736 = arith.addf %add3A_664, %mul3A_735 : vector<16xf32>
        %get3A_737 = arith.constant 0 : i32
        %get3A_738 = arith.index_cast %get3A_737 : i32 to index
        %get3A_739 = arith.index_cast %add3A_724 : i32 to index
        %get3A_740 = arith.constant 16 : index
        %get3A_741 = tpu.vector_load %arg8[%get3A_738, %get3A_739, %get3A_740] {strides = array<i32>} : memref<2x256x128xf32, #tpu.memory_space<vmem>>, vector<1x1x16xf32>,
        %get3A_742 = vector.shape_cast %get3A_741 : vector<1x1x16xf32> to vector<16xf32>
        %mul3A_743 = arith.mulf %gather3A_728, %get3A_742 : vector<16xf32>
        %add3A_744 = arith.addf %add3A_672, %mul3A_743 : vector<16xf32>
        %get3A_745 = arith.constant 0 : i32
        %get3A_746 = arith.index_cast %get3A_745 : i32 to index
        %get3A_747 = arith.index_cast %add3A_724 : i32 to index
        %get3A_748 = arith.constant 32 : index
        %get3A_749 = tpu.vector_load %arg8[%get3A_746, %get3A_747, %get3A_748] {strides = array<i32>} : memref<2x256x128xf32, #tpu.memory_space<vmem>>, vector<1x1x16xf32>,
        %get3A_750 = vector.shape_cast %get3A_749 : vector<1x1x16xf32> to vector<16xf32>
        %mul3A_751 = arith.mulf %gather3A_728, %get3A_750 : vector<16xf32>
        %add3A_752 = arith.addf %add3A_680, %mul3A_751 : vector<16xf32>
        %get3A_753 = arith.constant 0 : i32
        %get3A_754 = arith.index_cast %get3A_753 : i32 to index
        %get3A_755 = arith.index_cast %add3A_724 : i32 to index
        %get3A_756 = arith.constant 48 : index
        %get3A_757 = tpu.vector_load %arg8[%get3A_754, %get3A_755, %get3A_756] {strides = array<i32>} : memref<2x256x128xf32, #tpu.memory_space<vmem>>, vector<1x1x16xf32>,
        %get3A_758 = vector.shape_cast %get3A_757 : vector<1x1x16xf32> to vector<16xf32>
        %mul3A_759 = arith.mulf %gather3A_728, %get3A_758 : vector<16xf32>
        %add3A_760 = arith.addf %add3A_688, %mul3A_759 : vector<16xf32>
        %get3A_761 = arith.constant 0 : i32
        %get3A_762 = arith.index_cast %get3A_761 : i32 to index
        %get3A_763 = arith.index_cast %add3A_724 : i32 to index
        %get3A_764 = arith.constant 64 : index
        %get3A_765 = tpu.vector_load %arg8[%get3A_762, %get3A_763, %get3A_764] {strides = array<i32>} : memref<2x256x128xf32, #tpu.memory_space<vmem>>, vector<1x1x16xf32>,
        %get3A_766 = vector.shape_cast %get3A_765 : vector<1x1x16xf32> to vector<16xf32>
        %mul3A_767 = arith.mulf %gather3A_728, %get3A_766 : vector<16xf32>
        %add3A_768 = arith.addf %add3A_696, %mul3A_767 : vector<16xf32>
        %get3A_769 = arith.constant 0 : i32
        %get3A_770 = arith.index_cast %get3A_769 : i32 to index
        %get3A_771 = arith.index_cast %add3A_724 : i32 to index
        %get3A_772 = arith.constant 80 : index
        %get3A_773 = tpu.vector_load %arg8[%get3A_770, %get3A_771, %get3A_772] {strides = array<i32>} : memref<2x256x128xf32, #tpu.memory_space<vmem>>, vector<1x1x16xf32>,
        %get3A_774 = vector.shape_cast %get3A_773 : vector<1x1x16xf32> to vector<16xf32>
        %mul3A_775 = arith.mulf %gather3A_728, %get3A_774 : vector<16xf32>
        %add3A_776 = arith.addf %add3A_704, %mul3A_775 : vector<16xf32>
        %get3A_777 = arith.constant 0 : i32
        %get3A_778 = arith.index_cast %get3A_777 : i32 to index
        %get3A_779 = arith.index_cast %add3A_724 : i32 to index
        %get3A_780 = arith.constant 96 : index
        %get3A_781 = tpu.vector_load %arg8[%get3A_778, %get3A_779, %get3A_780] {strides = array<i32>} : memref<2x256x128xf32, #tpu.memory_space<vmem>>, vector<1x1x16xf32>,
        %get3A_782 = vector.shape_cast %get3A_781 : vector<1x1x16xf32> to vector<16xf32>
        %mul3A_783 = arith.mulf %gather3A_728, %get3A_782 : vector<16xf32>
        %add3A_784 = arith.addf %add3A_712, %mul3A_783 : vector<16xf32>
        %get3A_785 = arith.constant 0 : i32
        %get3A_786 = arith.index_cast %get3A_785 : i32 to index
        %get3A_787 = arith.index_cast %add3A_724 : i32 to index
        %get3A_788 = arith.constant 112 : index
        %get3A_789 = tpu.vector_load %arg8[%get3A_786, %get3A_787, %get3A_788] {strides = array<i32>} : memref<2x256x128xf32, #tpu.memory_space<vmem>>, vector<1x1x16xf32>,
        %get3A_790 = vector.shape_cast %get3A_789 : vector<1x1x16xf32> to vector<16xf32>
        %mul3A_791 = arith.mulf %gather3A_728, %get3A_790 : vector<16xf32>
        %add3A_792 = arith.addf %add3A_720, %mul3A_791 : vector<16xf32>
        %mul3A_793 = arith.constant 16 : i32
        %mul3A_794 = arith.muli %scan3A_148, %mul3A_793 : i32
        %add3A_795 = arith.constant 9 : i32
        %add3A_796 = arith.addi %mul3A_794, %add3A_795 : i32
        %broadcast_in_dim3A_797 = arith.constant 9 : i32
        %broadcast_in_dim3A_798 = vector.broadcast %broadcast_in_dim3A_797 : i32 to vector<16x1xi32>
        %gather3A_799 = vector.shape_cast %broadcast_in_dim3A_798 : vector<16x1xi32> to vector<16xi32>
        %gather3A_800 = tpu.dynamic_gather %get3A_154[%gather3A_799] in [0] : vector<16xf32>, vector<16xi32> -> vector<16xf32>
        %get3A_801 = arith.constant 0 : i32
        %get3A_802 = arith.index_cast %get3A_801 : i32 to index
        %get3A_803 = arith.index_cast %add3A_796 : i32 to index
        %get3A_804 = arith.constant 0 : index
        %get3A_805 = tpu.vector_load %arg8[%get3A_802, %get3A_803, %get3A_804] {strides = array<i32>} : memref<2x256x128xf32, #tpu.memory_space<vmem>>, vector<1x1x16xf32>,
        %get3A_806 = vector.shape_cast %get3A_805 : vector<1x1x16xf32> to vector<16xf32>
        %mul3A_807 = arith.mulf %gather3A_800, %get3A_806 : vector<16xf32>
        %add3A_808 = arith.addf %add3A_736, %mul3A_807 : vector<16xf32>
        %get3A_809 = arith.constant 0 : i32
        %get3A_810 = arith.index_cast %get3A_809 : i32 to index
        %get3A_811 = arith.index_cast %add3A_796 : i32 to index
        %get3A_812 = arith.constant 16 : index
        %get3A_813 = tpu.vector_load %arg8[%get3A_810, %get3A_811, %get3A_812] {strides = array<i32>} : memref<2x256x128xf32, #tpu.memory_space<vmem>>, vector<1x1x16xf32>,
        %get3A_814 = vector.shape_cast %get3A_813 : vector<1x1x16xf32> to vector<16xf32>
        %mul3A_815 = arith.mulf %gather3A_800, %get3A_814 : vector<16xf32>
        %add3A_816 = arith.addf %add3A_744, %mul3A_815 : vector<16xf32>
        %get3A_817 = arith.constant 0 : i32
        %get3A_818 = arith.index_cast %get3A_817 : i32 to index
        %get3A_819 = arith.index_cast %add3A_796 : i32 to index
        %get3A_820 = arith.constant 32 : index
        %get3A_821 = tpu.vector_load %arg8[%get3A_818, %get3A_819, %get3A_820] {strides = array<i32>} : memref<2x256x128xf32, #tpu.memory_space<vmem>>, vector<1x1x16xf32>,
        %get3A_822 = vector.shape_cast %get3A_821 : vector<1x1x16xf32> to vector<16xf32>
        %mul3A_823 = arith.mulf %gather3A_800, %get3A_822 : vector<16xf32>
        %add3A_824 = arith.addf %add3A_752, %mul3A_823 : vector<16xf32>
        %get3A_825 = arith.constant 0 : i32
        %get3A_826 = arith.index_cast %get3A_825 : i32 to index
        %get3A_827 = arith.index_cast %add3A_796 : i32 to index
        %get3A_828 = arith.constant 48 : index
        %get3A_829 = tpu.vector_load %arg8[%get3A_826, %get3A_827, %get3A_828] {strides = array<i32>} : memref<2x256x128xf32, #tpu.memory_space<vmem>>, vector<1x1x16xf32>,
        %get3A_830 = vector.shape_cast %get3A_829 : vector<1x1x16xf32> to vector<16xf32>
        %mul3A_831 = arith.mulf %gather3A_800, %get3A_830 : vector<16xf32>
        %add3A_832 = arith.addf %add3A_760, %mul3A_831 : vector<16xf32>
        %get3A_833 = arith.constant 0 : i32
        %get3A_834 = arith.index_cast %get3A_833 : i32 to index
        %get3A_835 = arith.index_cast %add3A_796 : i32 to index
        %get3A_836 = arith.constant 64 : index
        %get3A_837 = tpu.vector_load %arg8[%get3A_834, %get3A_835, %get3A_836] {strides = array<i32>} : memref<2x256x128xf32, #tpu.memory_space<vmem>>, vector<1x1x16xf32>,
        %get3A_838 = vector.shape_cast %get3A_837 : vector<1x1x16xf32> to vector<16xf32>
        %mul3A_839 = arith.mulf %gather3A_800, %get3A_838 : vector<16xf32>
        %add3A_840 = arith.addf %add3A_768, %mul3A_839 : vector<16xf32>
        %get3A_841 = arith.constant 0 : i32
        %get3A_842 = arith.index_cast %get3A_841 : i32 to index
        %get3A_843 = arith.index_cast %add3A_796 : i32 to index
        %get3A_844 = arith.constant 80 : index
        %get3A_845 = tpu.vector_load %arg8[%get3A_842, %get3A_843, %get3A_844] {strides = array<i32>} : memref<2x256x128xf32, #tpu.memory_space<vmem>>, vector<1x1x16xf32>,
        %get3A_846 = vector.shape_cast %get3A_845 : vector<1x1x16xf32> to vector<16xf32>
        %mul3A_847 = arith.mulf %gather3A_800, %get3A_846 : vector<16xf32>
        %add3A_848 = arith.addf %add3A_776, %mul3A_847 : vector<16xf32>
        %get3A_849 = arith.constant 0 : i32
        %get3A_850 = arith.index_cast %get3A_849 : i32 to index
        %get3A_851 = arith.index_cast %add3A_796 : i32 to index
        %get3A_852 = arith.constant 96 : index
        %get3A_853 = tpu.vector_load %arg8[%get3A_850, %get3A_851, %get3A_852] {strides = array<i32>} : memref<2x256x128xf32, #tpu.memory_space<vmem>>, vector<1x1x16xf32>,
        %get3A_854 = vector.shape_cast %get3A_853 : vector<1x1x16xf32> to vector<16xf32>
        %mul3A_855 = arith.mulf %gather3A_800, %get3A_854 : vector<16xf32>
        %add3A_856 = arith.addf %add3A_784, %mul3A_855 : vector<16xf32>
        %get3A_857 = arith.constant 0 : i32
        %get3A_858 = arith.index_cast %get3A_857 : i32 to index
        %get3A_859 = arith.index_cast %add3A_796 : i32 to index
        %get3A_860 = arith.constant 112 : index
        %get3A_861 = tpu.vector_load %arg8[%get3A_858, %get3A_859, %get3A_860] {strides = array<i32>} : memref<2x256x128xf32, #tpu.memory_space<vmem>>, vector<1x1x16xf32>,
        %get3A_862 = vector.shape_cast %get3A_861 : vector<1x1x16xf32> to vector<16xf32>
        %mul3A_863 = arith.mulf %gather3A_800, %get3A_862 : vector<16xf32>
        %add3A_864 = arith.addf %add3A_792, %mul3A_863 : vector<16xf32>
        %mul3A_865 = arith.constant 16 : i32
        %mul3A_866 = arith.muli %scan3A_148, %mul3A_865 : i32
        %add3A_867 = arith.constant 10 : i32
        %add3A_868 = arith.addi %mul3A_866, %add3A_867 : i32
        %broadcast_in_dim3A_869 = arith.constant 10 : i32
        %broadcast_in_dim3A_870 = vector.broadcast %broadcast_in_dim3A_869 : i32 to vector<16x1xi32>
        %gather3A_871 = vector.shape_cast %broadcast_in_dim3A_870 : vector<16x1xi32> to vector<16xi32>
        %gather3A_872 = tpu.dynamic_gather %get3A_154[%gather3A_871] in [0] : vector<16xf32>, vector<16xi32> -> vector<16xf32>
        %get3A_873 = arith.constant 0 : i32
        %get3A_874 = arith.index_cast %get3A_873 : i32 to index
        %get3A_875 = arith.index_cast %add3A_868 : i32 to index
        %get3A_876 = arith.constant 0 : index
        %get3A_877 = tpu.vector_load %arg8[%get3A_874, %get3A_875, %get3A_876] {strides = array<i32>} : memref<2x256x128xf32, #tpu.memory_space<vmem>>, vector<1x1x16xf32>,
        %get3A_878 = vector.shape_cast %get3A_877 : vector<1x1x16xf32> to vector<16xf32>
        %mul3A_879 = arith.mulf %gather3A_872, %get3A_878 : vector<16xf32>
        %add3A_880 = arith.addf %add3A_808, %mul3A_879 : vector<16xf32>
        %get3A_881 = arith.constant 0 : i32
        %get3A_882 = arith.index_cast %get3A_881 : i32 to index
        %get3A_883 = arith.index_cast %add3A_868 : i32 to index
        %get3A_884 = arith.constant 16 : index
        %get3A_885 = tpu.vector_load %arg8[%get3A_882, %get3A_883, %get3A_884] {strides = array<i32>} : memref<2x256x128xf32, #tpu.memory_space<vmem>>, vector<1x1x16xf32>,
        %get3A_886 = vector.shape_cast %get3A_885 : vector<1x1x16xf32> to vector<16xf32>
        %mul3A_887 = arith.mulf %gather3A_872, %get3A_886 : vector<16xf32>
        %add3A_888 = arith.addf %add3A_816, %mul3A_887 : vector<16xf32>
        %get3A_889 = arith.constant 0 : i32
        %get3A_890 = arith.index_cast %get3A_889 : i32 to index
        %get3A_891 = arith.index_cast %add3A_868 : i32 to index
        %get3A_892 = arith.constant 32 : index
        %get3A_893 = tpu.vector_load %arg8[%get3A_890, %get3A_891, %get3A_892] {strides = array<i32>} : memref<2x256x128xf32, #tpu.memory_space<vmem>>, vector<1x1x16xf32>,
        %get3A_894 = vector.shape_cast %get3A_893 : vector<1x1x16xf32> to vector<16xf32>
        %mul3A_895 = arith.mulf %gather3A_872, %get3A_894 : vector<16xf32>
        %add3A_896 = arith.addf %add3A_824, %mul3A_895 : vector<16xf32>
        %get3A_897 = arith.constant 0 : i32
        %get3A_898 = arith.index_cast %get3A_897 : i32 to index
        %get3A_899 = arith.index_cast %add3A_868 : i32 to index
        %get3A_900 = arith.constant 48 : index
        %get3A_901 = tpu.vector_load %arg8[%get3A_898, %get3A_899, %get3A_900] {strides = array<i32>} : memref<2x256x128xf32, #tpu.memory_space<vmem>>, vector<1x1x16xf32>,
        %get3A_902 = vector.shape_cast %get3A_901 : vector<1x1x16xf32> to vector<16xf32>
        %mul3A_903 = arith.mulf %gather3A_872, %get3A_902 : vector<16xf32>
        %add3A_904 = arith.addf %add3A_832, %mul3A_903 : vector<16xf32>
        %get3A_905 = arith.constant 0 : i32
        %get3A_906 = arith.index_cast %get3A_905 : i32 to index
        %get3A_907 = arith.index_cast %add3A_868 : i32 to index
        %get3A_908 = arith.constant 64 : index
        %get3A_909 = tpu.vector_load %arg8[%get3A_906, %get3A_907, %get3A_908] {strides = array<i32>} : memref<2x256x128xf32, #tpu.memory_space<vmem>>, vector<1x1x16xf32>,
        %get3A_910 = vector.shape_cast %get3A_909 : vector<1x1x16xf32> to vector<16xf32>
        %mul3A_911 = arith.mulf %gather3A_872, %get3A_910 : vector<16xf32>
        %add3A_912 = arith.addf %add3A_840, %mul3A_911 : vector<16xf32>
        %get3A_913 = arith.constant 0 : i32
        %get3A_914 = arith.index_cast %get3A_913 : i32 to index
        %get3A_915 = arith.index_cast %add3A_868 : i32 to index
        %get3A_916 = arith.constant 80 : index
        %get3A_917 = tpu.vector_load %arg8[%get3A_914, %get3A_915, %get3A_916] {strides = array<i32>} : memref<2x256x128xf32, #tpu.memory_space<vmem>>, vector<1x1x16xf32>,
        %get3A_918 = vector.shape_cast %get3A_917 : vector<1x1x16xf32> to vector<16xf32>
        %mul3A_919 = arith.mulf %gather3A_872, %get3A_918 : vector<16xf32>
        %add3A_920 = arith.addf %add3A_848, %mul3A_919 : vector<16xf32>
        %get3A_921 = arith.constant 0 : i32
        %get3A_922 = arith.index_cast %get3A_921 : i32 to index
        %get3A_923 = arith.index_cast %add3A_868 : i32 to index
        %get3A_924 = arith.constant 96 : index
        %get3A_925 = tpu.vector_load %arg8[%get3A_922, %get3A_923, %get3A_924] {strides = array<i32>} : memref<2x256x128xf32, #tpu.memory_space<vmem>>, vector<1x1x16xf32>,
        %get3A_926 = vector.shape_cast %get3A_925 : vector<1x1x16xf32> to vector<16xf32>
        %mul3A_927 = arith.mulf %gather3A_872, %get3A_926 : vector<16xf32>
        %add3A_928 = arith.addf %add3A_856, %mul3A_927 : vector<16xf32>
        %get3A_929 = arith.constant 0 : i32
        %get3A_930 = arith.index_cast %get3A_929 : i32 to index
        %get3A_931 = arith.index_cast %add3A_868 : i32 to index
        %get3A_932 = arith.constant 112 : index
        %get3A_933 = tpu.vector_load %arg8[%get3A_930, %get3A_931, %get3A_932] {strides = array<i32>} : memref<2x256x128xf32, #tpu.memory_space<vmem>>, vector<1x1x16xf32>,
        %get3A_934 = vector.shape_cast %get3A_933 : vector<1x1x16xf32> to vector<16xf32>
        %mul3A_935 = arith.mulf %gather3A_872, %get3A_934 : vector<16xf32>
        %add3A_936 = arith.addf %add3A_864, %mul3A_935 : vector<16xf32>
        %mul3A_937 = arith.constant 16 : i32
        %mul3A_938 = arith.muli %scan3A_148, %mul3A_937 : i32
        %add3A_939 = arith.constant 11 : i32
        %add3A_940 = arith.addi %mul3A_938, %add3A_939 : i32
        %broadcast_in_dim3A_941 = arith.constant 11 : i32
        %broadcast_in_dim3A_942 = vector.broadcast %broadcast_in_dim3A_941 : i32 to vector<16x1xi32>
        %gather3A_943 = vector.shape_cast %broadcast_in_dim3A_942 : vector<16x1xi32> to vector<16xi32>
        %gather3A_944 = tpu.dynamic_gather %get3A_154[%gather3A_943] in [0] : vector<16xf32>, vector<16xi32> -> vector<16xf32>
        %get3A_945 = arith.constant 0 : i32
        %get3A_946 = arith.index_cast %get3A_945 : i32 to index
        %get3A_947 = arith.index_cast %add3A_940 : i32 to index
        %get3A_948 = arith.constant 0 : index
        %get3A_949 = tpu.vector_load %arg8[%get3A_946, %get3A_947, %get3A_948] {strides = array<i32>} : memref<2x256x128xf32, #tpu.memory_space<vmem>>, vector<1x1x16xf32>,
        %get3A_950 = vector.shape_cast %get3A_949 : vector<1x1x16xf32> to vector<16xf32>
        %mul3A_951 = arith.mulf %gather3A_944, %get3A_950 : vector<16xf32>
        %add3A_952 = arith.addf %add3A_880, %mul3A_951 : vector<16xf32>
        %get3A_953 = arith.constant 0 : i32
        %get3A_954 = arith.index_cast %get3A_953 : i32 to index
        %get3A_955 = arith.index_cast %add3A_940 : i32 to index
        %get3A_956 = arith.constant 16 : index
        %get3A_957 = tpu.vector_load %arg8[%get3A_954, %get3A_955, %get3A_956] {strides = array<i32>} : memref<2x256x128xf32, #tpu.memory_space<vmem>>, vector<1x1x16xf32>,
        %get3A_958 = vector.shape_cast %get3A_957 : vector<1x1x16xf32> to vector<16xf32>
        %mul3A_959 = arith.mulf %gather3A_944, %get3A_958 : vector<16xf32>
        %add3A_960 = arith.addf %add3A_888, %mul3A_959 : vector<16xf32>
        %get3A_961 = arith.constant 0 : i32
        %get3A_962 = arith.index_cast %get3A_961 : i32 to index
        %get3A_963 = arith.index_cast %add3A_940 : i32 to index
        %get3A_964 = arith.constant 32 : index
        %get3A_965 = tpu.vector_load %arg8[%get3A_962, %get3A_963, %get3A_964] {strides = array<i32>} : memref<2x256x128xf32, #tpu.memory_space<vmem>>, vector<1x1x16xf32>,
        %get3A_966 = vector.shape_cast %get3A_965 : vector<1x1x16xf32> to vector<16xf32>
        %mul3A_967 = arith.mulf %gather3A_944, %get3A_966 : vector<16xf32>
        %add3A_968 = arith.addf %add3A_896, %mul3A_967 : vector<16xf32>
        %get3A_969 = arith.constant 0 : i32
        %get3A_970 = arith.index_cast %get3A_969 : i32 to index
        %get3A_971 = arith.index_cast %add3A_940 : i32 to index
        %get3A_972 = arith.constant 48 : index
        %get3A_973 = tpu.vector_load %arg8[%get3A_970, %get3A_971, %get3A_972] {strides = array<i32>} : memref<2x256x128xf32, #tpu.memory_space<vmem>>, vector<1x1x16xf32>,
        %get3A_974 = vector.shape_cast %get3A_973 : vector<1x1x16xf32> to vector<16xf32>
        %mul3A_975 = arith.mulf %gather3A_944, %get3A_974 : vector<16xf32>
        %add3A_976 = arith.addf %add3A_904, %mul3A_975 : vector<16xf32>
        %get3A_977 = arith.constant 0 : i32
        %get3A_978 = arith.index_cast %get3A_977 : i32 to index
        %get3A_979 = arith.index_cast %add3A_940 : i32 to index
        %get3A_980 = arith.constant 64 : index
        %get3A_981 = tpu.vector_load %arg8[%get3A_978, %get3A_979, %get3A_980] {strides = array<i32>} : memref<2x256x128xf32, #tpu.memory_space<vmem>>, vector<1x1x16xf32>,
        %get3A_982 = vector.shape_cast %get3A_981 : vector<1x1x16xf32> to vector<16xf32>
        %mul3A_983 = arith.mulf %gather3A_944, %get3A_982 : vector<16xf32>
        %add3A_984 = arith.addf %add3A_912, %mul3A_983 : vector<16xf32>
        %get3A_985 = arith.constant 0 : i32
        %get3A_986 = arith.index_cast %get3A_985 : i32 to index
        %get3A_987 = arith.index_cast %add3A_940 : i32 to index
        %get3A_988 = arith.constant 80 : index
        %get3A_989 = tpu.vector_load %arg8[%get3A_986, %get3A_987, %get3A_988] {strides = array<i32>} : memref<2x256x128xf32, #tpu.memory_space<vmem>>, vector<1x1x16xf32>,
        %get3A_990 = vector.shape_cast %get3A_989 : vector<1x1x16xf32> to vector<16xf32>
        %mul3A_991 = arith.mulf %gather3A_944, %get3A_990 : vector<16xf32>
        %add3A_992 = arith.addf %add3A_920, %mul3A_991 : vector<16xf32>
        %get3A_993 = arith.constant 0 : i32
        %get3A_994 = arith.index_cast %get3A_993 : i32 to index
        %get3A_995 = arith.index_cast %add3A_940 : i32 to index
        %get3A_996 = arith.constant 96 : index
        %get3A_997 = tpu.vector_load %arg8[%get3A_994, %get3A_995, %get3A_996] {strides = array<i32>} : memref<2x256x128xf32, #tpu.memory_space<vmem>>, vector<1x1x16xf32>,
        %get3A_998 = vector.shape_cast %get3A_997 : vector<1x1x16xf32> to vector<16xf32>
        %mul3A_999 = arith.mulf %gather3A_944, %get3A_998 : vector<16xf32>
        %add3A_1000 = arith.addf %add3A_928, %mul3A_999 : vector<16xf32>
        %get3A_1001 = arith.constant 0 : i32
        %get3A_1002 = arith.index_cast %get3A_1001 : i32 to index
        %get3A_1003 = arith.index_cast %add3A_940 : i32 to index
        %get3A_1004 = arith.constant 112 : index
        %get3A_1005 = tpu.vector_load %arg8[%get3A_1002, %get3A_1003, %get3A_1004] {strides = array<i32>} : memref<2x256x128xf32, #tpu.memory_space<vmem>>, vector<1x1x16xf32>,
        %get3A_1006 = vector.shape_cast %get3A_1005 : vector<1x1x16xf32> to vector<16xf32>
        %mul3A_1007 = arith.mulf %gather3A_944, %get3A_1006 : vector<16xf32>
        %add3A_1008 = arith.addf %add3A_936, %mul3A_1007 : vector<16xf32>
        %mul3A_1009 = arith.constant 16 : i32
        %mul3A_1010 = arith.muli %scan3A_148, %mul3A_1009 : i32
        %add3A_1011 = arith.constant 12 : i32
        %add3A_1012 = arith.addi %mul3A_1010, %add3A_1011 : i32
        %broadcast_in_dim3A_1013 = arith.constant 12 : i32
        %broadcast_in_dim3A_1014 = vector.broadcast %broadcast_in_dim3A_1013 : i32 to vector<16x1xi32>
        %gather3A_1015 = vector.shape_cast %broadcast_in_dim3A_1014 : vector<16x1xi32> to vector<16xi32>
        %gather3A_1016 = tpu.dynamic_gather %get3A_154[%gather3A_1015] in [0] : vector<16xf32>, vector<16xi32> -> vector<16xf32>
        %get3A_1017 = arith.constant 0 : i32
        %get3A_1018 = arith.index_cast %get3A_1017 : i32 to index
        %get3A_1019 = arith.index_cast %add3A_1012 : i32 to index
        %get3A_1020 = arith.constant 0 : index
        %get3A_1021 = tpu.vector_load %arg8[%get3A_1018, %get3A_1019, %get3A_1020] {strides = array<i32>} : memref<2x256x128xf32, #tpu.memory_space<vmem>>, vector<1x1x16xf32>,
        %get3A_1022 = vector.shape_cast %get3A_1021 : vector<1x1x16xf32> to vector<16xf32>
        %mul3A_1023 = arith.mulf %gather3A_1016, %get3A_1022 : vector<16xf32>
        %add3A_1024 = arith.addf %add3A_952, %mul3A_1023 : vector<16xf32>
        %get3A_1025 = arith.constant 0 : i32
        %get3A_1026 = arith.index_cast %get3A_1025 : i32 to index
        %get3A_1027 = arith.index_cast %add3A_1012 : i32 to index
        %get3A_1028 = arith.constant 16 : index
        %get3A_1029 = tpu.vector_load %arg8[%get3A_1026, %get3A_1027, %get3A_1028] {strides = array<i32>} : memref<2x256x128xf32, #tpu.memory_space<vmem>>, vector<1x1x16xf32>,
        %get3A_1030 = vector.shape_cast %get3A_1029 : vector<1x1x16xf32> to vector<16xf32>
        %mul3A_1031 = arith.mulf %gather3A_1016, %get3A_1030 : vector<16xf32>
        %add3A_1032 = arith.addf %add3A_960, %mul3A_1031 : vector<16xf32>
        %get3A_1033 = arith.constant 0 : i32
        %get3A_1034 = arith.index_cast %get3A_1033 : i32 to index
        %get3A_1035 = arith.index_cast %add3A_1012 : i32 to index
        %get3A_1036 = arith.constant 32 : index
        %get3A_1037 = tpu.vector_load %arg8[%get3A_1034, %get3A_1035, %get3A_1036] {strides = array<i32>} : memref<2x256x128xf32, #tpu.memory_space<vmem>>, vector<1x1x16xf32>,
        %get3A_1038 = vector.shape_cast %get3A_1037 : vector<1x1x16xf32> to vector<16xf32>
        %mul3A_1039 = arith.mulf %gather3A_1016, %get3A_1038 : vector<16xf32>
        %add3A_1040 = arith.addf %add3A_968, %mul3A_1039 : vector<16xf32>
        %get3A_1041 = arith.constant 0 : i32
        %get3A_1042 = arith.index_cast %get3A_1041 : i32 to index
        %get3A_1043 = arith.index_cast %add3A_1012 : i32 to index
        %get3A_1044 = arith.constant 48 : index
        %get3A_1045 = tpu.vector_load %arg8[%get3A_1042, %get3A_1043, %get3A_1044] {strides = array<i32>} : memref<2x256x128xf32, #tpu.memory_space<vmem>>, vector<1x1x16xf32>,
        %get3A_1046 = vector.shape_cast %get3A_1045 : vector<1x1x16xf32> to vector<16xf32>
        %mul3A_1047 = arith.mulf %gather3A_1016, %get3A_1046 : vector<16xf32>
        %add3A_1048 = arith.addf %add3A_976, %mul3A_1047 : vector<16xf32>
        %get3A_1049 = arith.constant 0 : i32
        %get3A_1050 = arith.index_cast %get3A_1049 : i32 to index
        %get3A_1051 = arith.index_cast %add3A_1012 : i32 to index
        %get3A_1052 = arith.constant 64 : index
        %get3A_1053 = tpu.vector_load %arg8[%get3A_1050, %get3A_1051, %get3A_1052] {strides = array<i32>} : memref<2x256x128xf32, #tpu.memory_space<vmem>>, vector<1x1x16xf32>,
        %get3A_1054 = vector.shape_cast %get3A_1053 : vector<1x1x16xf32> to vector<16xf32>
        %mul3A_1055 = arith.mulf %gather3A_1016, %get3A_1054 : vector<16xf32>
        %add3A_1056 = arith.addf %add3A_984, %mul3A_1055 : vector<16xf32>
        %get3A_1057 = arith.constant 0 : i32
        %get3A_1058 = arith.index_cast %get3A_1057 : i32 to index
        %get3A_1059 = arith.index_cast %add3A_1012 : i32 to index
        %get3A_1060 = arith.constant 80 : index
        %get3A_1061 = tpu.vector_load %arg8[%get3A_1058, %get3A_1059, %get3A_1060] {strides = array<i32>} : memref<2x256x128xf32, #tpu.memory_space<vmem>>, vector<1x1x16xf32>,
        %get3A_1062 = vector.shape_cast %get3A_1061 : vector<1x1x16xf32> to vector<16xf32>
        %mul3A_1063 = arith.mulf %gather3A_1016, %get3A_1062 : vector<16xf32>
        %add3A_1064 = arith.addf %add3A_992, %mul3A_1063 : vector<16xf32>
        %get3A_1065 = arith.constant 0 : i32
        %get3A_1066 = arith.index_cast %get3A_1065 : i32 to index
        %get3A_1067 = arith.index_cast %add3A_1012 : i32 to index
        %get3A_1068 = arith.constant 96 : index
        %get3A_1069 = tpu.vector_load %arg8[%get3A_1066, %get3A_1067, %get3A_1068] {strides = array<i32>} : memref<2x256x128xf32, #tpu.memory_space<vmem>>, vector<1x1x16xf32>,
        %get3A_1070 = vector.shape_cast %get3A_1069 : vector<1x1x16xf32> to vector<16xf32>
        %mul3A_1071 = arith.mulf %gather3A_1016, %get3A_1070 : vector<16xf32>
        %add3A_1072 = arith.addf %add3A_1000, %mul3A_1071 : vector<16xf32>
        %get3A_1073 = arith.constant 0 : i32
        %get3A_1074 = arith.index_cast %get3A_1073 : i32 to index
        %get3A_1075 = arith.index_cast %add3A_1012 : i32 to index
        %get3A_1076 = arith.constant 112 : index
        %get3A_1077 = tpu.vector_load %arg8[%get3A_1074, %get3A_1075, %get3A_1076] {strides = array<i32>} : memref<2x256x128xf32, #tpu.memory_space<vmem>>, vector<1x1x16xf32>,
        %get3A_1078 = vector.shape_cast %get3A_1077 : vector<1x1x16xf32> to vector<16xf32>
        %mul3A_1079 = arith.mulf %gather3A_1016, %get3A_1078 : vector<16xf32>
        %add3A_1080 = arith.addf %add3A_1008, %mul3A_1079 : vector<16xf32>
        %mul3A_1081 = arith.constant 16 : i32
        %mul3A_1082 = arith.muli %scan3A_148, %mul3A_1081 : i32
        %add3A_1083 = arith.constant 13 : i32
        %add3A_1084 = arith.addi %mul3A_1082, %add3A_1083 : i32
        %broadcast_in_dim3A_1085 = arith.constant 13 : i32
        %broadcast_in_dim3A_1086 = vector.broadcast %broadcast_in_dim3A_1085 : i32 to vector<16x1xi32>
        %gather3A_1087 = vector.shape_cast %broadcast_in_dim3A_1086 : vector<16x1xi32> to vector<16xi32>
        %gather3A_1088 = tpu.dynamic_gather %get3A_154[%gather3A_1087] in [0] : vector<16xf32>, vector<16xi32> -> vector<16xf32>
        %get3A_1089 = arith.constant 0 : i32
        %get3A_1090 = arith.index_cast %get3A_1089 : i32 to index
        %get3A_1091 = arith.index_cast %add3A_1084 : i32 to index
        %get3A_1092 = arith.constant 0 : index
        %get3A_1093 = tpu.vector_load %arg8[%get3A_1090, %get3A_1091, %get3A_1092] {strides = array<i32>} : memref<2x256x128xf32, #tpu.memory_space<vmem>>, vector<1x1x16xf32>,
        %get3A_1094 = vector.shape_cast %get3A_1093 : vector<1x1x16xf32> to vector<16xf32>
        %mul3A_1095 = arith.mulf %gather3A_1088, %get3A_1094 : vector<16xf32>
        %add3A_1096 = arith.addf %add3A_1024, %mul3A_1095 : vector<16xf32>
        %get3A_1097 = arith.constant 0 : i32
        %get3A_1098 = arith.index_cast %get3A_1097 : i32 to index
        %get3A_1099 = arith.index_cast %add3A_1084 : i32 to index
        %get3A_1100 = arith.constant 16 : index
        %get3A_1101 = tpu.vector_load %arg8[%get3A_1098, %get3A_1099, %get3A_1100] {strides = array<i32>} : memref<2x256x128xf32, #tpu.memory_space<vmem>>, vector<1x1x16xf32>,
        %get3A_1102 = vector.shape_cast %get3A_1101 : vector<1x1x16xf32> to vector<16xf32>
        %mul3A_1103 = arith.mulf %gather3A_1088, %get3A_1102 : vector<16xf32>
        %add3A_1104 = arith.addf %add3A_1032, %mul3A_1103 : vector<16xf32>
        %get3A_1105 = arith.constant 0 : i32
        %get3A_1106 = arith.index_cast %get3A_1105 : i32 to index
        %get3A_1107 = arith.index_cast %add3A_1084 : i32 to index
        %get3A_1108 = arith.constant 32 : index
        %get3A_1109 = tpu.vector_load %arg8[%get3A_1106, %get3A_1107, %get3A_1108] {strides = array<i32>} : memref<2x256x128xf32, #tpu.memory_space<vmem>>, vector<1x1x16xf32>,
        %get3A_1110 = vector.shape_cast %get3A_1109 : vector<1x1x16xf32> to vector<16xf32>
        %mul3A_1111 = arith.mulf %gather3A_1088, %get3A_1110 : vector<16xf32>
        %add3A_1112 = arith.addf %add3A_1040, %mul3A_1111 : vector<16xf32>
        %get3A_1113 = arith.constant 0 : i32
        %get3A_1114 = arith.index_cast %get3A_1113 : i32 to index
        %get3A_1115 = arith.index_cast %add3A_1084 : i32 to index
        %get3A_1116 = arith.constant 48 : index
        %get3A_1117 = tpu.vector_load %arg8[%get3A_1114, %get3A_1115, %get3A_1116] {strides = array<i32>} : memref<2x256x128xf32, #tpu.memory_space<vmem>>, vector<1x1x16xf32>,
        %get3A_1118 = vector.shape_cast %get3A_1117 : vector<1x1x16xf32> to vector<16xf32>
        %mul3A_1119 = arith.mulf %gather3A_1088, %get3A_1118 : vector<16xf32>
        %add3A_1120 = arith.addf %add3A_1048, %mul3A_1119 : vector<16xf32>
        %get3A_1121 = arith.constant 0 : i32
        %get3A_1122 = arith.index_cast %get3A_1121 : i32 to index
        %get3A_1123 = arith.index_cast %add3A_1084 : i32 to index
        %get3A_1124 = arith.constant 64 : index
        %get3A_1125 = tpu.vector_load %arg8[%get3A_1122, %get3A_1123, %get3A_1124] {strides = array<i32>} : memref<2x256x128xf32, #tpu.memory_space<vmem>>, vector<1x1x16xf32>,
        %get3A_1126 = vector.shape_cast %get3A_1125 : vector<1x1x16xf32> to vector<16xf32>
        %mul3A_1127 = arith.mulf %gather3A_1088, %get3A_1126 : vector<16xf32>
        %add3A_1128 = arith.addf %add3A_1056, %mul3A_1127 : vector<16xf32>
        %get3A_1129 = arith.constant 0 : i32
        %get3A_1130 = arith.index_cast %get3A_1129 : i32 to index
        %get3A_1131 = arith.index_cast %add3A_1084 : i32 to index
        %get3A_1132 = arith.constant 80 : index
        %get3A_1133 = tpu.vector_load %arg8[%get3A_1130, %get3A_1131, %get3A_1132] {strides = array<i32>} : memref<2x256x128xf32, #tpu.memory_space<vmem>>, vector<1x1x16xf32>,
        %get3A_1134 = vector.shape_cast %get3A_1133 : vector<1x1x16xf32> to vector<16xf32>
        %mul3A_1135 = arith.mulf %gather3A_1088, %get3A_1134 : vector<16xf32>
        %add3A_1136 = arith.addf %add3A_1064, %mul3A_1135 : vector<16xf32>
        %get3A_1137 = arith.constant 0 : i32
        %get3A_1138 = arith.index_cast %get3A_1137 : i32 to index
        %get3A_1139 = arith.index_cast %add3A_1084 : i32 to index
        %get3A_1140 = arith.constant 96 : index
        %get3A_1141 = tpu.vector_load %arg8[%get3A_1138, %get3A_1139, %get3A_1140] {strides = array<i32>} : memref<2x256x128xf32, #tpu.memory_space<vmem>>, vector<1x1x16xf32>,
        %get3A_1142 = vector.shape_cast %get3A_1141 : vector<1x1x16xf32> to vector<16xf32>
        %mul3A_1143 = arith.mulf %gather3A_1088, %get3A_1142 : vector<16xf32>
        %add3A_1144 = arith.addf %add3A_1072, %mul3A_1143 : vector<16xf32>
        %get3A_1145 = arith.constant 0 : i32
        %get3A_1146 = arith.index_cast %get3A_1145 : i32 to index
        %get3A_1147 = arith.index_cast %add3A_1084 : i32 to index
        %get3A_1148 = arith.constant 112 : index
        %get3A_1149 = tpu.vector_load %arg8[%get3A_1146, %get3A_1147, %get3A_1148] {strides = array<i32>} : memref<2x256x128xf32, #tpu.memory_space<vmem>>, vector<1x1x16xf32>,
        %get3A_1150 = vector.shape_cast %get3A_1149 : vector<1x1x16xf32> to vector<16xf32>
        %mul3A_1151 = arith.mulf %gather3A_1088, %get3A_1150 : vector<16xf32>
        %add3A_1152 = arith.addf %add3A_1080, %mul3A_1151 : vector<16xf32>
        %mul3A_1153 = arith.constant 16 : i32
        %mul3A_1154 = arith.muli %scan3A_148, %mul3A_1153 : i32
        %add3A_1155 = arith.constant 14 : i32
        %add3A_1156 = arith.addi %mul3A_1154, %add3A_1155 : i32
        %broadcast_in_dim3A_1157 = arith.constant 14 : i32
        %broadcast_in_dim3A_1158 = vector.broadcast %broadcast_in_dim3A_1157 : i32 to vector<16x1xi32>
        %gather3A_1159 = vector.shape_cast %broadcast_in_dim3A_1158 : vector<16x1xi32> to vector<16xi32>
        %gather3A_1160 = tpu.dynamic_gather %get3A_154[%gather3A_1159] in [0] : vector<16xf32>, vector<16xi32> -> vector<16xf32>
        %get3A_1161 = arith.constant 0 : i32
        %get3A_1162 = arith.index_cast %get3A_1161 : i32 to index
        %get3A_1163 = arith.index_cast %add3A_1156 : i32 to index
        %get3A_1164 = arith.constant 0 : index
        %get3A_1165 = tpu.vector_load %arg8[%get3A_1162, %get3A_1163, %get3A_1164] {strides = array<i32>} : memref<2x256x128xf32, #tpu.memory_space<vmem>>, vector<1x1x16xf32>,
        %get3A_1166 = vector.shape_cast %get3A_1165 : vector<1x1x16xf32> to vector<16xf32>
        %mul3A_1167 = arith.mulf %gather3A_1160, %get3A_1166 : vector<16xf32>
        %add3A_1168 = arith.addf %add3A_1096, %mul3A_1167 : vector<16xf32>
        %get3A_1169 = arith.constant 0 : i32
        %get3A_1170 = arith.index_cast %get3A_1169 : i32 to index
        %get3A_1171 = arith.index_cast %add3A_1156 : i32 to index
        %get3A_1172 = arith.constant 16 : index
        %get3A_1173 = tpu.vector_load %arg8[%get3A_1170, %get3A_1171, %get3A_1172] {strides = array<i32>} : memref<2x256x128xf32, #tpu.memory_space<vmem>>, vector<1x1x16xf32>,
        %get3A_1174 = vector.shape_cast %get3A_1173 : vector<1x1x16xf32> to vector<16xf32>
        %mul3A_1175 = arith.mulf %gather3A_1160, %get3A_1174 : vector<16xf32>
        %add3A_1176 = arith.addf %add3A_1104, %mul3A_1175 : vector<16xf32>
        %get3A_1177 = arith.constant 0 : i32
        %get3A_1178 = arith.index_cast %get3A_1177 : i32 to index
        %get3A_1179 = arith.index_cast %add3A_1156 : i32 to index
        %get3A_1180 = arith.constant 32 : index
        %get3A_1181 = tpu.vector_load %arg8[%get3A_1178, %get3A_1179, %get3A_1180] {strides = array<i32>} : memref<2x256x128xf32, #tpu.memory_space<vmem>>, vector<1x1x16xf32>,
        %get3A_1182 = vector.shape_cast %get3A_1181 : vector<1x1x16xf32> to vector<16xf32>
        %mul3A_1183 = arith.mulf %gather3A_1160, %get3A_1182 : vector<16xf32>
        %add3A_1184 = arith.addf %add3A_1112, %mul3A_1183 : vector<16xf32>
        %get3A_1185 = arith.constant 0 : i32
        %get3A_1186 = arith.index_cast %get3A_1185 : i32 to index
        %get3A_1187 = arith.index_cast %add3A_1156 : i32 to index
        %get3A_1188 = arith.constant 48 : index
        %get3A_1189 = tpu.vector_load %arg8[%get3A_1186, %get3A_1187, %get3A_1188] {strides = array<i32>} : memref<2x256x128xf32, #tpu.memory_space<vmem>>, vector<1x1x16xf32>,
        %get3A_1190 = vector.shape_cast %get3A_1189 : vector<1x1x16xf32> to vector<16xf32>
        %mul3A_1191 = arith.mulf %gather3A_1160, %get3A_1190 : vector<16xf32>
        %add3A_1192 = arith.addf %add3A_1120, %mul3A_1191 : vector<16xf32>
        %get3A_1193 = arith.constant 0 : i32
        %get3A_1194 = arith.index_cast %get3A_1193 : i32 to index
        %get3A_1195 = arith.index_cast %add3A_1156 : i32 to index
        %get3A_1196 = arith.constant 64 : index
        %get3A_1197 = tpu.vector_load %arg8[%get3A_1194, %get3A_1195, %get3A_1196] {strides = array<i32>} : memref<2x256x128xf32, #tpu.memory_space<vmem>>, vector<1x1x16xf32>,
        %get3A_1198 = vector.shape_cast %get3A_1197 : vector<1x1x16xf32> to vector<16xf32>
        %mul3A_1199 = arith.mulf %gather3A_1160, %get3A_1198 : vector<16xf32>
        %add3A_1200 = arith.addf %add3A_1128, %mul3A_1199 : vector<16xf32>
        %get3A_1201 = arith.constant 0 : i32
        %get3A_1202 = arith.index_cast %get3A_1201 : i32 to index
        %get3A_1203 = arith.index_cast %add3A_1156 : i32 to index
        %get3A_1204 = arith.constant 80 : index
        %get3A_1205 = tpu.vector_load %arg8[%get3A_1202, %get3A_1203, %get3A_1204] {strides = array<i32>} : memref<2x256x128xf32, #tpu.memory_space<vmem>>, vector<1x1x16xf32>,
        %get3A_1206 = vector.shape_cast %get3A_1205 : vector<1x1x16xf32> to vector<16xf32>
        %mul3A_1207 = arith.mulf %gather3A_1160, %get3A_1206 : vector<16xf32>
        %add3A_1208 = arith.addf %add3A_1136, %mul3A_1207 : vector<16xf32>
        %get3A_1209 = arith.constant 0 : i32
        %get3A_1210 = arith.index_cast %get3A_1209 : i32 to index
        %get3A_1211 = arith.index_cast %add3A_1156 : i32 to index
        %get3A_1212 = arith.constant 96 : index
        %get3A_1213 = tpu.vector_load %arg8[%get3A_1210, %get3A_1211, %get3A_1212] {strides = array<i32>} : memref<2x256x128xf32, #tpu.memory_space<vmem>>, vector<1x1x16xf32>,
        %get3A_1214 = vector.shape_cast %get3A_1213 : vector<1x1x16xf32> to vector<16xf32>
        %mul3A_1215 = arith.mulf %gather3A_1160, %get3A_1214 : vector<16xf32>
        %add3A_1216 = arith.addf %add3A_1144, %mul3A_1215 : vector<16xf32>
        %get3A_1217 = arith.constant 0 : i32
        %get3A_1218 = arith.index_cast %get3A_1217 : i32 to index
        %get3A_1219 = arith.index_cast %add3A_1156 : i32 to index
        %get3A_1220 = arith.constant 112 : index
        %get3A_1221 = tpu.vector_load %arg8[%get3A_1218, %get3A_1219, %get3A_1220] {strides = array<i32>} : memref<2x256x128xf32, #tpu.memory_space<vmem>>, vector<1x1x16xf32>,
        %get3A_1222 = vector.shape_cast %get3A_1221 : vector<1x1x16xf32> to vector<16xf32>
        %mul3A_1223 = arith.mulf %gather3A_1160, %get3A_1222 : vector<16xf32>
        %add3A_1224 = arith.addf %add3A_1152, %mul3A_1223 : vector<16xf32>
        %mul3A_1225 = arith.constant 16 : i32
        %mul3A_1226 = arith.muli %scan3A_148, %mul3A_1225 : i32
        %add3A_1227 = arith.constant 15 : i32
        %add3A_1228 = arith.addi %mul3A_1226, %add3A_1227 : i32
        %broadcast_in_dim3A_1229 = arith.constant 15 : i32
        %broadcast_in_dim3A_1230 = vector.broadcast %broadcast_in_dim3A_1229 : i32 to vector<16x1xi32>
        %gather3A_1231 = vector.shape_cast %broadcast_in_dim3A_1230 : vector<16x1xi32> to vector<16xi32>
        %gather3A_1232 = tpu.dynamic_gather %get3A_154[%gather3A_1231] in [0] : vector<16xf32>, vector<16xi32> -> vector<16xf32>
        %get3A_1233 = arith.constant 0 : i32
        %get3A_1234 = arith.index_cast %get3A_1233 : i32 to index
        %get3A_1235 = arith.index_cast %add3A_1228 : i32 to index
        %get3A_1236 = arith.constant 0 : index
        %get3A_1237 = tpu.vector_load %arg8[%get3A_1234, %get3A_1235, %get3A_1236] {strides = array<i32>} : memref<2x256x128xf32, #tpu.memory_space<vmem>>, vector<1x1x16xf32>,
        %get3A_1238 = vector.shape_cast %get3A_1237 : vector<1x1x16xf32> to vector<16xf32>
        %mul3A_1239 = arith.mulf %gather3A_1232, %get3A_1238 : vector<16xf32>
        %add3A_1240 = arith.addf %add3A_1168, %mul3A_1239 : vector<16xf32>
        %get3A_1241 = arith.constant 0 : i32
        %get3A_1242 = arith.index_cast %get3A_1241 : i32 to index
        %get3A_1243 = arith.index_cast %add3A_1228 : i32 to index
        %get3A_1244 = arith.constant 16 : index
        %get3A_1245 = tpu.vector_load %arg8[%get3A_1242, %get3A_1243, %get3A_1244] {strides = array<i32>} : memref<2x256x128xf32, #tpu.memory_space<vmem>>, vector<1x1x16xf32>,
        %get3A_1246 = vector.shape_cast %get3A_1245 : vector<1x1x16xf32> to vector<16xf32>
        %mul3A_1247 = arith.mulf %gather3A_1232, %get3A_1246 : vector<16xf32>
        %add3A_1248 = arith.addf %add3A_1176, %mul3A_1247 : vector<16xf32>
        %get3A_1249 = arith.constant 0 : i32
        %get3A_1250 = arith.index_cast %get3A_1249 : i32 to index
        %get3A_1251 = arith.index_cast %add3A_1228 : i32 to index
        %get3A_1252 = arith.constant 32 : index
        %get3A_1253 = tpu.vector_load %arg8[%get3A_1250, %get3A_1251, %get3A_1252] {strides = array<i32>} : memref<2x256x128xf32, #tpu.memory_space<vmem>>, vector<1x1x16xf32>,
        %get3A_1254 = vector.shape_cast %get3A_1253 : vector<1x1x16xf32> to vector<16xf32>
        %mul3A_1255 = arith.mulf %gather3A_1232, %get3A_1254 : vector<16xf32>
        %add3A_1256 = arith.addf %add3A_1184, %mul3A_1255 : vector<16xf32>
        %get3A_1257 = arith.constant 0 : i32
        %get3A_1258 = arith.index_cast %get3A_1257 : i32 to index
        %get3A_1259 = arith.index_cast %add3A_1228 : i32 to index
        %get3A_1260 = arith.constant 48 : index
        %get3A_1261 = tpu.vector_load %arg8[%get3A_1258, %get3A_1259, %get3A_1260] {strides = array<i32>} : memref<2x256x128xf32, #tpu.memory_space<vmem>>, vector<1x1x16xf32>,
        %get3A_1262 = vector.shape_cast %get3A_1261 : vector<1x1x16xf32> to vector<16xf32>
        %mul3A_1263 = arith.mulf %gather3A_1232, %get3A_1262 : vector<16xf32>
        %add3A_1264 = arith.addf %add3A_1192, %mul3A_1263 : vector<16xf32>
        %get3A_1265 = arith.constant 0 : i32
        %get3A_1266 = arith.index_cast %get3A_1265 : i32 to index
        %get3A_1267 = arith.index_cast %add3A_1228 : i32 to index
        %get3A_1268 = arith.constant 64 : index
        %get3A_1269 = tpu.vector_load %arg8[%get3A_1266, %get3A_1267, %get3A_1268] {strides = array<i32>} : memref<2x256x128xf32, #tpu.memory_space<vmem>>, vector<1x1x16xf32>,
        %get3A_1270 = vector.shape_cast %get3A_1269 : vector<1x1x16xf32> to vector<16xf32>
        %mul3A_1271 = arith.mulf %gather3A_1232, %get3A_1270 : vector<16xf32>
        %add3A_1272 = arith.addf %add3A_1200, %mul3A_1271 : vector<16xf32>
        %get3A_1273 = arith.constant 0 : i32
        %get3A_1274 = arith.index_cast %get3A_1273 : i32 to index
        %get3A_1275 = arith.index_cast %add3A_1228 : i32 to index
        %get3A_1276 = arith.constant 80 : index
        %get3A_1277 = tpu.vector_load %arg8[%get3A_1274, %get3A_1275, %get3A_1276] {strides = array<i32>} : memref<2x256x128xf32, #tpu.memory_space<vmem>>, vector<1x1x16xf32>,
        %get3A_1278 = vector.shape_cast %get3A_1277 : vector<1x1x16xf32> to vector<16xf32>
        %mul3A_1279 = arith.mulf %gather3A_1232, %get3A_1278 : vector<16xf32>
        %add3A_1280 = arith.addf %add3A_1208, %mul3A_1279 : vector<16xf32>
        %get3A_1281 = arith.constant 0 : i32
        %get3A_1282 = arith.index_cast %get3A_1281 : i32 to index
        %get3A_1283 = arith.index_cast %add3A_1228 : i32 to index
        %get3A_1284 = arith.constant 96 : index
        %get3A_1285 = tpu.vector_load %arg8[%get3A_1282, %get3A_1283, %get3A_1284] {strides = array<i32>} : memref<2x256x128xf32, #tpu.memory_space<vmem>>, vector<1x1x16xf32>,
        %get3A_1286 = vector.shape_cast %get3A_1285 : vector<1x1x16xf32> to vector<16xf32>
        %mul3A_1287 = arith.mulf %gather3A_1232, %get3A_1286 : vector<16xf32>
        %add3A_1288 = arith.addf %add3A_1216, %mul3A_1287 : vector<16xf32>
        %get3A_1289 = arith.constant 0 : i32
        %get3A_1290 = arith.index_cast %get3A_1289 : i32 to index
        %get3A_1291 = arith.index_cast %add3A_1228 : i32 to index
        %get3A_1292 = arith.constant 112 : index
        %get3A_1293 = tpu.vector_load %arg8[%get3A_1290, %get3A_1291, %get3A_1292] {strides = array<i32>} : memref<2x256x128xf32, #tpu.memory_space<vmem>>, vector<1x1x16xf32>,
        %get3A_1294 = vector.shape_cast %get3A_1293 : vector<1x1x16xf32> to vector<16xf32>
        %mul3A_1295 = arith.mulf %gather3A_1232, %get3A_1294 : vector<16xf32>
        %add3A_1296 = arith.addf %add3A_1224, %mul3A_1295 : vector<16xf32>
        %swap3A = arith.constant 0 : i32
        %swap3A_1297 = arith.index_cast %swap3A : i32 to index
        %swap3A_1298 = arith.index_cast %scan3A_148 : i32 to index
        %swap3A_1299 = arith.constant 0 : index
        %swap3A_1300 = tpu.vector_load %arg10[%swap3A_1297, %swap3A_1298, %swap3A_1299] {strides = array<i32>} : memref<2x16x128xf32, #tpu.memory_space<vmem>>, vector<1x1x16xf32>,
        %swap3A_1301 = vector.shape_cast %swap3A_1300 : vector<1x1x16xf32> to vector<16xf32>
        %swap3A_1302 = vector.shape_cast %add3A_1240 : vector<16xf32> to vector<1x1x16xf32>
        tpu.vector_store %arg10[%swap3A_1297, %swap3A_1298, %swap3A_1299], %swap3A_1302 {strides = array<i32>} : memref<2x16x128xf32, #tpu.memory_space<vmem>>, vector<1x1x16xf32>,
        %swap3A_1303 = arith.constant 0 : i32
        %swap3A_1304 = arith.index_cast %swap3A_1303 : i32 to index
        %swap3A_1305 = arith.index_cast %scan3A_148 : i32 to index
        %swap3A_1306 = arith.constant 16 : index
        %swap3A_1307 = tpu.vector_load %arg10[%swap3A_1304, %swap3A_1305, %swap3A_1306] {strides = array<i32>} : memref<2x16x128xf32, #tpu.memory_space<vmem>>, vector<1x1x16xf32>,
        %swap3A_1308 = vector.shape_cast %swap3A_1307 : vector<1x1x16xf32> to vector<16xf32>
        %swap3A_1309 = vector.shape_cast %add3A_1248 : vector<16xf32> to vector<1x1x16xf32>
        tpu.vector_store %arg10[%swap3A_1304, %swap3A_1305, %swap3A_1306], %swap3A_1309 {strides = array<i32>} : memref<2x16x128xf32, #tpu.memory_space<vmem>>, vector<1x1x16xf32>,
        %swap3A_1310 = arith.constant 0 : i32
        %swap3A_1311 = arith.index_cast %swap3A_1310 : i32 to index
        %swap3A_1312 = arith.index_cast %scan3A_148 : i32 to index
        %swap3A_1313 = arith.constant 32 : index
        %swap3A_1314 = tpu.vector_load %arg10[%swap3A_1311, %swap3A_1312, %swap3A_1313] {strides = array<i32>} : memref<2x16x128xf32, #tpu.memory_space<vmem>>, vector<1x1x16xf32>,
        %swap3A_1315 = vector.shape_cast %swap3A_1314 : vector<1x1x16xf32> to vector<16xf32>
        %swap3A_1316 = vector.shape_cast %add3A_1256 : vector<16xf32> to vector<1x1x16xf32>
        tpu.vector_store %arg10[%swap3A_1311, %swap3A_1312, %swap3A_1313], %swap3A_1316 {strides = array<i32>} : memref<2x16x128xf32, #tpu.memory_space<vmem>>, vector<1x1x16xf32>,
        %swap3A_1317 = arith.constant 0 : i32
        %swap3A_1318 = arith.index_cast %swap3A_1317 : i32 to index
        %swap3A_1319 = arith.index_cast %scan3A_148 : i32 to index
        %swap3A_1320 = arith.constant 48 : index
        %swap3A_1321 = tpu.vector_load %arg10[%swap3A_1318, %swap3A_1319, %swap3A_1320] {strides = array<i32>} : memref<2x16x128xf32, #tpu.memory_space<vmem>>, vector<1x1x16xf32>,
        %swap3A_1322 = vector.shape_cast %swap3A_1321 : vector<1x1x16xf32> to vector<16xf32>
        %swap3A_1323 = vector.shape_cast %add3A_1264 : vector<16xf32> to vector<1x1x16xf32>
        tpu.vector_store %arg10[%swap3A_1318, %swap3A_1319, %swap3A_1320], %swap3A_1323 {strides = array<i32>} : memref<2x16x128xf32, #tpu.memory_space<vmem>>, vector<1x1x16xf32>,
        %swap3A_1324 = arith.constant 0 : i32
        %swap3A_1325 = arith.index_cast %swap3A_1324 : i32 to index
        %swap3A_1326 = arith.index_cast %scan3A_148 : i32 to index
        %swap3A_1327 = arith.constant 64 : index
        %swap3A_1328 = tpu.vector_load %arg10[%swap3A_1325, %swap3A_1326, %swap3A_1327] {strides = array<i32>} : memref<2x16x128xf32, #tpu.memory_space<vmem>>, vector<1x1x16xf32>,
        %swap3A_1329 = vector.shape_cast %swap3A_1328 : vector<1x1x16xf32> to vector<16xf32>
        %swap3A_1330 = vector.shape_cast %add3A_1272 : vector<16xf32> to vector<1x1x16xf32>
        tpu.vector_store %arg10[%swap3A_1325, %swap3A_1326, %swap3A_1327], %swap3A_1330 {strides = array<i32>} : memref<2x16x128xf32, #tpu.memory_space<vmem>>, vector<1x1x16xf32>,
        %swap3A_1331 = arith.constant 0 : i32
        %swap3A_1332 = arith.index_cast %swap3A_1331 : i32 to index
        %swap3A_1333 = arith.index_cast %scan3A_148 : i32 to index
        %swap3A_1334 = arith.constant 80 : index
        %swap3A_1335 = tpu.vector_load %arg10[%swap3A_1332, %swap3A_1333, %swap3A_1334] {strides = array<i32>} : memref<2x16x128xf32, #tpu.memory_space<vmem>>, vector<1x1x16xf32>,
        %swap3A_1336 = vector.shape_cast %swap3A_1335 : vector<1x1x16xf32> to vector<16xf32>
        %swap3A_1337 = vector.shape_cast %add3A_1280 : vector<16xf32> to vector<1x1x16xf32>
        tpu.vector_store %arg10[%swap3A_1332, %swap3A_1333, %swap3A_1334], %swap3A_1337 {strides = array<i32>} : memref<2x16x128xf32, #tpu.memory_space<vmem>>, vector<1x1x16xf32>,
        %swap3A_1338 = arith.constant 0 : i32
        %swap3A_1339 = arith.index_cast %swap3A_1338 : i32 to index
        %swap3A_1340 = arith.index_cast %scan3A_148 : i32 to index
        %swap3A_1341 = arith.constant 96 : index
        %swap3A_1342 = tpu.vector_load %arg10[%swap3A_1339, %swap3A_1340, %swap3A_1341] {strides = array<i32>} : memref<2x16x128xf32, #tpu.memory_space<vmem>>, vector<1x1x16xf32>,
        %swap3A_1343 = vector.shape_cast %swap3A_1342 : vector<1x1x16xf32> to vector<16xf32>
        %swap3A_1344 = vector.shape_cast %add3A_1288 : vector<16xf32> to vector<1x1x16xf32>
        tpu.vector_store %arg10[%swap3A_1339, %swap3A_1340, %swap3A_1341], %swap3A_1344 {strides = array<i32>} : memref<2x16x128xf32, #tpu.memory_space<vmem>>, vector<1x1x16xf32>,
        %swap3A_1345 = arith.constant 0 : i32
        %swap3A_1346 = arith.index_cast %swap3A_1345 : i32 to index
        %swap3A_1347 = arith.index_cast %scan3A_148 : i32 to index
        %swap3A_1348 = arith.constant 112 : index
        %swap3A_1349 = tpu.vector_load %arg10[%swap3A_1346, %swap3A_1347, %swap3A_1348] {strides = array<i32>} : memref<2x16x128xf32, #tpu.memory_space<vmem>>, vector<1x1x16xf32>,
        %swap3A_1350 = vector.shape_cast %swap3A_1349 : vector<1x1x16xf32> to vector<16xf32>
        %swap3A_1351 = vector.shape_cast %add3A_1296 : vector<16xf32> to vector<1x1x16xf32>
        tpu.vector_store %arg10[%swap3A_1346, %swap3A_1347, %swap3A_1348], %swap3A_1351 {strides = array<i32>} : memref<2x16x128xf32, #tpu.memory_space<vmem>>, vector<1x1x16xf32>,
      }
      %scan3A_81 = arith.constant 16 : i32
      %ge3A = arith.constant 2 : i32
      %ge3A_82 = arith.cmpi sge, %add3A_57, %ge3A : i32
      %convert_element_type3A_83 = arith.extui %ge3A_82 : i1 to i32
      %cond3A_84 = arith.constant 0 : i32
      %cond3A_85 = arith.cmpi ne, %convert_element_type3A_83, %cond3A_84 : i32
      scf.if %cond3A_85 {
        %dma_wait3A_148 = arith.constant 0 : i32
        %dma_wait3A_149 = arith.constant 0 : i32
        %dma_wait3A_150 = arith.constant 0 : i32
        %dma_wait3A_151 = arith.constant 0 : i32
        %dma_wait3A_152 = tpu.memref_slice %arg10[%dma_wait3A_148, %dma_wait3A_150, %dma_wait3A_151] : memref<2x16x128xf32, #tpu.memory_space<vmem>> -> memref<1x16x128xf32, #tpu.memory_space<vmem>>
        %dma_wait3A_153 = tpu.memref_squeeze %dma_wait3A_152 : memref<1x16x128xf32, #tpu.memory_space<vmem>> -> memref<16x128xf32, #tpu.memory_space<vmem>>
        %dma_wait3A_154 = arith.constant 0 : i32
        %dma_wait3A_155 = tpu.memref_slice %arg5[%mul3A_2, %dma_wait3A_154] : memref<10000x128xf32, #tpu.memory_space<hbm>> -> memref<16x128xf32, #tpu.memory_space<hbm>>
        %dma_wait3A_156 = tpu.memref_slice %arg12[%dma_wait3A_149] : memref<2x!tpu.dma_semaphore, #tpu.memory_space<semaphore_mem>> -> memref<1x!tpu.dma_semaphore, #tpu.memory_space<semaphore_mem>>
        %dma_wait3A_157 = tpu.memref_squeeze %dma_wait3A_156 : memref<1x!tpu.dma_semaphore, #tpu.memory_space<semaphore_mem>> -> memref<!tpu.dma_semaphore, #tpu.memory_space<semaphore_mem>>
        %dma_wait3A_158 = arith.constant 0 : i32
        %dma_wait3A_159 = tpu.memref_slice %arg5[%mul3A_2, %dma_wait3A_158] : memref<10000x128xf32, #tpu.memory_space<hbm>> -> memref<16x128xf32, #tpu.memory_space<hbm>>
        %dma_wait3A_160 = arith.constant 0 : i32
        %dma_wait3A_161 = arith.constant 0 : i32
        %dma_wait3A_162 = tpu.memref_slice %arg10[%dma_wait3A_148, %dma_wait3A_160, %dma_wait3A_161] : memref<2x16x128xf32, #tpu.memory_space<vmem>> -> memref<1x16x128xf32, #tpu.memory_space<vmem>>
        %dma_wait3A_163 = tpu.memref_squeeze %dma_wait3A_162 : memref<1x16x128xf32, #tpu.memory_space<vmem>> -> memref<16x128xf32, #tpu.memory_space<vmem>>
        tpu.wait_dma2 semaphore(%dma_wait3A_157 : memref<!tpu.dma_semaphore, #tpu.memory_space<semaphore_mem>>) src(%dma_wait3A_163 : memref<16x128xf32, #tpu.memory_space<vmem>>) dst(%dma_wait3A_159 : memref<16x128xf32, #tpu.memory_space<hbm>>)
      } else {
      }
      %mul3A_86 = arith.constant 16 : i32
      %mul3A_87 = arith.muli %add3A_57, %mul3A_86 : i32
      %add3A_88 = arith.addi %mul3A_2, %mul3A_87 : i32
      %lt3A_89 = arith.constant 10000 : i32
      %lt3A_90 = arith.cmpi slt, %add3A_88, %lt3A_89 : i32
      %convert_element_type3A_91 = arith.extui %lt3A_90 : i1 to i32
      %cond3A_92 = arith.constant 0 : i32
      %cond3A_93 = arith.cmpi ne, %convert_element_type3A_91, %cond3A_92 : i32
      scf.if %cond3A_93 {
        %dma_start3A_148 = arith.constant 0 : i32
        %dma_start3A_149 = arith.constant 0 : i32
        %dma_start3A_150 = arith.constant 0 : i32
        %dma_start3A_151 = arith.constant 0 : i32
        %dma_start3A_152 = tpu.memref_slice %arg10[%dma_start3A_148, %dma_start3A_150, %dma_start3A_151] : memref<2x16x128xf32, #tpu.memory_space<vmem>> -> memref<1x16x128xf32, #tpu.memory_space<vmem>>
        %dma_start3A_153 = tpu.memref_squeeze %dma_start3A_152 : memref<1x16x128xf32, #tpu.memory_space<vmem>> -> memref<16x128xf32, #tpu.memory_space<vmem>>
        %dma_start3A_154 = arith.constant 0 : i32
        %dma_start3A_155 = tpu.memref_slice %arg5[%add3A_88, %dma_start3A_154] : memref<10000x128xf32, #tpu.memory_space<hbm>> -> memref<16x128xf32, #tpu.memory_space<hbm>>
        %dma_start3A_156 = tpu.memref_slice %arg12[%dma_start3A_149] : memref<2x!tpu.dma_semaphore, #tpu.memory_space<semaphore_mem>> -> memref<1x!tpu.dma_semaphore, #tpu.memory_space<semaphore_mem>>
        %dma_start3A_157 = tpu.memref_squeeze %dma_start3A_156 : memref<1x!tpu.dma_semaphore, #tpu.memory_space<semaphore_mem>> -> memref<!tpu.dma_semaphore, #tpu.memory_space<semaphore_mem>>
        %dma_start3A_158 = arith.constant 0 : i32
        %dma_start3A_159 = tpu.memref_slice %arg5[%add3A_88, %dma_start3A_158] : memref<10000x128xf32, #tpu.memory_space<hbm>> -> memref<16x128xf32, #tpu.memory_space<hbm>>
        %dma_start3A_160 = arith.constant 0 : i32
        %dma_start3A_161 = arith.constant 0 : i32
        %dma_start3A_162 = tpu.memref_slice %arg10[%dma_start3A_148, %dma_start3A_160, %dma_start3A_161] : memref<2x16x128xf32, #tpu.memory_space<vmem>> -> memref<1x16x128xf32, #tpu.memory_space<vmem>>
        %dma_start3A_163 = tpu.memref_squeeze %dma_start3A_162 : memref<1x16x128xf32, #tpu.memory_space<vmem>> -> memref<16x128xf32, #tpu.memory_space<vmem>>
        tpu.enqueue_dma source(%dma_start3A_163 : memref<16x128xf32, #tpu.memory_space<vmem>>) target(%dma_start3A_159 : memref<16x128xf32, #tpu.memory_space<hbm>>) target_semaphore(%dma_start3A_157 : memref<!tpu.dma_semaphore, #tpu.memory_space<semaphore_mem>>)
      } else {
      }
      %ge3A_94 = arith.constant 10000 : i32
      %ge3A_95 = arith.cmpi sge, %add3A_88, %ge3A_94 : i32
      %convert_element_type3A_96 = arith.extui %ge3A_95 : i1 to i32
      %cond3A_97 = arith.constant 0 : i32
      %cond3A_98 = arith.cmpi ne, %convert_element_type3A_96, %cond3A_97 : i32
      scf.if %cond3A_98 {
        %dma_start3A_148 = arith.constant 0 : i32
        %dma_start3A_149 = arith.constant 0 : i32
        %dma_start3A_150 = arith.constant 0 : i32
        %dma_start3A_151 = arith.constant 0 : i32
        %dma_start3A_152 = tpu.memref_slice %arg10[%dma_start3A_148, %dma_start3A_150, %dma_start3A_151] : memref<2x16x128xf32, #tpu.memory_space<vmem>> -> memref<1x16x128xf32, #tpu.memory_space<vmem>>
        %dma_start3A_153 = tpu.memref_squeeze %dma_start3A_152 : memref<1x16x128xf32, #tpu.memory_space<vmem>> -> memref<16x128xf32, #tpu.memory_space<vmem>>
        %dma_start3A_154 = tpu.memref_slice %arg12[%dma_start3A_149] : memref<2x!tpu.dma_semaphore, #tpu.memory_space<semaphore_mem>> -> memref<1x!tpu.dma_semaphore, #tpu.memory_space<semaphore_mem>>
        %dma_start3A_155 = tpu.memref_squeeze %dma_start3A_154 : memref<1x!tpu.dma_semaphore, #tpu.memory_space<semaphore_mem>> -> memref<!tpu.dma_semaphore, #tpu.memory_space<semaphore_mem>>
        %dma_start3A_156 = arith.constant 0 : i32
        %dma_start3A_157 = arith.constant 0 : i32
        %dma_start3A_158 = tpu.memref_slice %arg10[%dma_start3A_148, %dma_start3A_156, %dma_start3A_157] : memref<2x16x128xf32, #tpu.memory_space<vmem>> -> memref<1x16x128xf32, #tpu.memory_space<vmem>>
        %dma_start3A_159 = tpu.memref_squeeze %dma_start3A_158 : memref<1x16x128xf32, #tpu.memory_space<vmem>> -> memref<16x128xf32, #tpu.memory_space<vmem>>
        tpu.enqueue_dma source(%dma_start3A_159 : memref<16x128xf32, #tpu.memory_space<vmem>>) target(%arg6 : memref<16x128xf32, #tpu.memory_space<hbm>>) target_semaphore(%dma_start3A_155 : memref<!tpu.dma_semaphore, #tpu.memory_space<semaphore_mem>>)
      } else {
      }
      %mul3A_99 = arith.constant 2 : i32
      %mul3A_100 = arith.muli %scan3A_53, %mul3A_99 : i32
      %add3A_101 = arith.constant 1 : i32
      %add3A_102 = arith.addi %mul3A_100, %add3A_101 : i32
      %add3A_103 = arith.constant 1 : i32
      %add3A_104 = arith.addi %add3A_102, %add3A_103 : i32
      %lt3A_105 = arith.constant 20 : i32
      %lt3A_106 = arith.cmpi slt, %add3A_104, %lt3A_105 : i32
      %convert_element_type3A_107 = arith.extui %lt3A_106 : i1 to i32
      %cond3A_108 = arith.constant 0 : i32
      %cond3A_109 = arith.cmpi ne, %convert_element_type3A_107, %cond3A_108 : i32
      scf.if %cond3A_109 {
        %add3A_148 = arith.constant 1 : i32
        %add3A_149 = arith.addi %add3A_102, %add3A_148 : i32
        %mul3A_150 = arith.constant 256 : i32
        %mul3A_151 = arith.muli %add3A_149, %mul3A_150 : i32
        %dma_start3A_152 = arith.constant 0 : i32
        %dma_start3A_153 = arith.constant 0 : i32
        %dma_start3A_154 = arith.constant 0 : i32
        %dma_start3A_155 = arith.constant 0 : i32
        %dma_start3A_156 = tpu.memref_slice %arg8[%dma_start3A_152, %dma_start3A_154, %dma_start3A_155] : memref<2x256x128xf32, #tpu.memory_space<vmem>> -> memref<1x256x128xf32, #tpu.memory_space<vmem>>
        %dma_start3A_157 = tpu.memref_squeeze %dma_start3A_156 : memref<1x256x128xf32, #tpu.memory_space<vmem>> -> memref<256x128xf32, #tpu.memory_space<vmem>>
        %dma_start3A_158 = tpu.memref_slice %arg7[%mul3A_151] : memref<5120xi32, #tpu.memory_space<vmem>> -> memref<256xi32, #tpu.memory_space<vmem>>
        %dma_start3A_159 = arith.constant 0 : i32
        %dma_start3A_160 = arith.constant 0 : i32
        %dma_start3A_161 = tpu.memref_slice %arg2[%dma_start3A_159, %dma_start3A_160] : memref<10000x128xf32, #tpu.memory_space<hbm>> -> memref<10000x128xf32, #tpu.memory_space<hbm>>
        %dma_start3A_162 = tpu.memref_slice %arg11[%dma_start3A_153] : memref<2x!tpu.dma_semaphore, #tpu.memory_space<semaphore_mem>> -> memref<1x!tpu.dma_semaphore, #tpu.memory_space<semaphore_mem>>
        %dma_start3A_163 = tpu.memref_squeeze %dma_start3A_162 : memref<1x!tpu.dma_semaphore, #tpu.memory_space<semaphore_mem>> -> memref<!tpu.dma_semaphore, #tpu.memory_space<semaphore_mem>>
        tpu.enqueue_indirect_dma source(%dma_start3A_161 : memref<10000x128xf32, #tpu.memory_space<hbm>>) target(%dma_start3A_157 : memref<256x128xf32, #tpu.memory_space<vmem>>) offsets(%dma_start3A_158 : memref<256xi32, #tpu.memory_space<vmem>>) semaphore(%dma_start3A_163 : memref<!tpu.dma_semaphore, #tpu.memory_space<semaphore_mem>>)
      } else {
      }
      %mul3A_110 = arith.constant 256 : i32
      %mul3A_111 = arith.muli %add3A_102, %mul3A_110 : i32
      %dma_wait3A_112 = arith.constant 1 : i32
      %dma_wait3A_113 = arith.constant 1 : i32
      %dma_wait3A_114 = arith.constant 0 : i32
      %dma_wait3A_115 = arith.constant 0 : i32
      %dma_wait3A_116 = tpu.memref_slice %arg8[%dma_wait3A_112, %dma_wait3A_114, %dma_wait3A_115] : memref<2x256x128xf32, #tpu.memory_space<vmem>> -> memref<1x256x128xf32, #tpu.memory_space<vmem>>
      %dma_wait3A_117 = tpu.memref_squeeze %dma_wait3A_116 : memref<1x256x128xf32, #tpu.memory_space<vmem>> -> memref<256x128xf32, #tpu.memory_space<vmem>>
      %dma_wait3A_118 = tpu.memref_slice %arg7[%mul3A_111] : memref<5120xi32, #tpu.memory_space<vmem>> -> memref<256xi32, #tpu.memory_space<vmem>>
      %dma_wait3A_119 = arith.constant 0 : i32
      %dma_wait3A_120 = arith.constant 0 : i32
      %dma_wait3A_121 = tpu.memref_slice %arg2[%dma_wait3A_119, %dma_wait3A_120] : memref<10000x128xf32, #tpu.memory_space<hbm>> -> memref<10000x128xf32, #tpu.memory_space<hbm>>
      %dma_wait3A_122 = tpu.memref_slice %arg11[%dma_wait3A_113] : memref<2x!tpu.dma_semaphore, #tpu.memory_space<semaphore_mem>> -> memref<1x!tpu.dma_semaphore, #tpu.memory_space<semaphore_mem>>
      %dma_wait3A_123 = tpu.memref_squeeze %dma_wait3A_122 : memref<1x!tpu.dma_semaphore, #tpu.memory_space<semaphore_mem>> -> memref<!tpu.dma_semaphore, #tpu.memory_space<semaphore_mem>>
      tpu.wait_indirect_dma semaphore(%dma_wait3A_123 : memref<!tpu.dma_semaphore, #tpu.memory_space<semaphore_mem>>) src(%dma_wait3A_121 : memref<10000x128xf32, #tpu.memory_space<hbm>>) dst(%dma_wait3A_117 : memref<256x128xf32, #tpu.memory_space<vmem>>)
      %scan3A_124 = arith.constant 0 : i32
      %scan3A_125 = arith.constant 0 : i32
      %scan3A_126 = arith.constant 16 : i32
      %scan3A_127 = arith.addi %scan3A_125, %scan3A_126 : i32
      %scan3A_128 = arith.constant 1 : i32
      scf.for %scan3A_148 = %scan3A_125 to %scan3A_127 step %scan3A_128  : i32 {
        %mul3A_149 = arith.constant 16 : i32
        %mul3A_150 = arith.muli %add3A_102, %mul3A_149 : i32
        %add3A_151 = arith.addi %mul3A_150, %scan3A_148 : i32
        %get3A = arith.index_cast %add3A_151 : i32 to index
        %get3A_152 = arith.constant 0 : index
        %get3A_153 = tpu.vector_load %arg9[%get3A, %get3A_152] {strides = array<i32>} : memref<320x16xf32, #tpu.memory_space<vmem>>, vector<1x16xf32>,
        %get3A_154 = vector.shape_cast %get3A_153 : vector<1x16xf32> to vector<16xf32>
        %mul3A_155 = arith.constant 16 : i32
        %mul3A_156 = arith.muli %scan3A_148, %mul3A_155 : i32
        %add3A_157 = arith.constant 0 : i32
        %add3A_158 = arith.addi %mul3A_156, %add3A_157 : i32
        %broadcast_in_dim3A = arith.constant 0 : i32
        %broadcast_in_dim3A_159 = vector.broadcast %broadcast_in_dim3A : i32 to vector<16x1xi32>
        %gather3A = vector.shape_cast %broadcast_in_dim3A_159 : vector<16x1xi32> to vector<16xi32>
        %gather3A_160 = tpu.dynamic_gather %get3A_154[%gather3A] in [0] : vector<16xf32>, vector<16xi32> -> vector<16xf32>
        %get3A_161 = arith.constant 1 : i32
        %get3A_162 = arith.index_cast %get3A_161 : i32 to index
        %get3A_163 = arith.index_cast %add3A_158 : i32 to index
        %get3A_164 = arith.constant 0 : index
        %get3A_165 = tpu.vector_load %arg8[%get3A_162, %get3A_163, %get3A_164] {strides = array<i32>} : memref<2x256x128xf32, #tpu.memory_space<vmem>>, vector<1x1x16xf32>,
        %get3A_166 = vector.shape_cast %get3A_165 : vector<1x1x16xf32> to vector<16xf32>
        %mul3A_167 = arith.mulf %gather3A_160, %get3A_166 : vector<16xf32>
        %get3A_168 = arith.constant 1 : i32
        %get3A_169 = arith.index_cast %get3A_168 : i32 to index
        %get3A_170 = arith.index_cast %add3A_158 : i32 to index
        %get3A_171 = arith.constant 16 : index
        %get3A_172 = tpu.vector_load %arg8[%get3A_169, %get3A_170, %get3A_171] {strides = array<i32>} : memref<2x256x128xf32, #tpu.memory_space<vmem>>, vector<1x1x16xf32>,
        %get3A_173 = vector.shape_cast %get3A_172 : vector<1x1x16xf32> to vector<16xf32>
        %mul3A_174 = arith.mulf %gather3A_160, %get3A_173 : vector<16xf32>
        %get3A_175 = arith.constant 1 : i32
        %get3A_176 = arith.index_cast %get3A_175 : i32 to index
        %get3A_177 = arith.index_cast %add3A_158 : i32 to index
        %get3A_178 = arith.constant 32 : index
        %get3A_179 = tpu.vector_load %arg8[%get3A_176, %get3A_177, %get3A_178] {strides = array<i32>} : memref<2x256x128xf32, #tpu.memory_space<vmem>>, vector<1x1x16xf32>,
        %get3A_180 = vector.shape_cast %get3A_179 : vector<1x1x16xf32> to vector<16xf32>
        %mul3A_181 = arith.mulf %gather3A_160, %get3A_180 : vector<16xf32>
        %get3A_182 = arith.constant 1 : i32
        %get3A_183 = arith.index_cast %get3A_182 : i32 to index
        %get3A_184 = arith.index_cast %add3A_158 : i32 to index
        %get3A_185 = arith.constant 48 : index
        %get3A_186 = tpu.vector_load %arg8[%get3A_183, %get3A_184, %get3A_185] {strides = array<i32>} : memref<2x256x128xf32, #tpu.memory_space<vmem>>, vector<1x1x16xf32>,
        %get3A_187 = vector.shape_cast %get3A_186 : vector<1x1x16xf32> to vector<16xf32>
        %mul3A_188 = arith.mulf %gather3A_160, %get3A_187 : vector<16xf32>
        %get3A_189 = arith.constant 1 : i32
        %get3A_190 = arith.index_cast %get3A_189 : i32 to index
        %get3A_191 = arith.index_cast %add3A_158 : i32 to index
        %get3A_192 = arith.constant 64 : index
        %get3A_193 = tpu.vector_load %arg8[%get3A_190, %get3A_191, %get3A_192] {strides = array<i32>} : memref<2x256x128xf32, #tpu.memory_space<vmem>>, vector<1x1x16xf32>,
        %get3A_194 = vector.shape_cast %get3A_193 : vector<1x1x16xf32> to vector<16xf32>
        %mul3A_195 = arith.mulf %gather3A_160, %get3A_194 : vector<16xf32>
        %get3A_196 = arith.constant 1 : i32
        %get3A_197 = arith.index_cast %get3A_196 : i32 to index
        %get3A_198 = arith.index_cast %add3A_158 : i32 to index
        %get3A_199 = arith.constant 80 : index
        %get3A_200 = tpu.vector_load %arg8[%get3A_197, %get3A_198, %get3A_199] {strides = array<i32>} : memref<2x256x128xf32, #tpu.memory_space<vmem>>, vector<1x1x16xf32>,
        %get3A_201 = vector.shape_cast %get3A_200 : vector<1x1x16xf32> to vector<16xf32>
        %mul3A_202 = arith.mulf %gather3A_160, %get3A_201 : vector<16xf32>
        %get3A_203 = arith.constant 1 : i32
        %get3A_204 = arith.index_cast %get3A_203 : i32 to index
        %get3A_205 = arith.index_cast %add3A_158 : i32 to index
        %get3A_206 = arith.constant 96 : index
        %get3A_207 = tpu.vector_load %arg8[%get3A_204, %get3A_205, %get3A_206] {strides = array<i32>} : memref<2x256x128xf32, #tpu.memory_space<vmem>>, vector<1x1x16xf32>,
        %get3A_208 = vector.shape_cast %get3A_207 : vector<1x1x16xf32> to vector<16xf32>
        %mul3A_209 = arith.mulf %gather3A_160, %get3A_208 : vector<16xf32>
        %get3A_210 = arith.constant 1 : i32
        %get3A_211 = arith.index_cast %get3A_210 : i32 to index
        %get3A_212 = arith.index_cast %add3A_158 : i32 to index
        %get3A_213 = arith.constant 112 : index
        %get3A_214 = tpu.vector_load %arg8[%get3A_211, %get3A_212, %get3A_213] {strides = array<i32>} : memref<2x256x128xf32, #tpu.memory_space<vmem>>, vector<1x1x16xf32>,
        %get3A_215 = vector.shape_cast %get3A_214 : vector<1x1x16xf32> to vector<16xf32>
        %mul3A_216 = arith.mulf %gather3A_160, %get3A_215 : vector<16xf32>
        %mul3A_217 = arith.constant 16 : i32
        %mul3A_218 = arith.muli %scan3A_148, %mul3A_217 : i32
        %add3A_219 = arith.constant 1 : i32
        %add3A_220 = arith.addi %mul3A_218, %add3A_219 : i32
        %broadcast_in_dim3A_221 = arith.constant 1 : i32
        %broadcast_in_dim3A_222 = vector.broadcast %broadcast_in_dim3A_221 : i32 to vector<16x1xi32>
        %gather3A_223 = vector.shape_cast %broadcast_in_dim3A_222 : vector<16x1xi32> to vector<16xi32>
        %gather3A_224 = tpu.dynamic_gather %get3A_154[%gather3A_223] in [0] : vector<16xf32>, vector<16xi32> -> vector<16xf32>
        %get3A_225 = arith.constant 1 : i32
        %get3A_226 = arith.index_cast %get3A_225 : i32 to index
        %get3A_227 = arith.index_cast %add3A_220 : i32 to index
        %get3A_228 = arith.constant 0 : index
        %get3A_229 = tpu.vector_load %arg8[%get3A_226, %get3A_227, %get3A_228] {strides = array<i32>} : memref<2x256x128xf32, #tpu.memory_space<vmem>>, vector<1x1x16xf32>,
        %get3A_230 = vector.shape_cast %get3A_229 : vector<1x1x16xf32> to vector<16xf32>
        %mul3A_231 = arith.mulf %gather3A_224, %get3A_230 : vector<16xf32>
        %add3A_232 = arith.addf %mul3A_167, %mul3A_231 : vector<16xf32>
        %get3A_233 = arith.constant 1 : i32
        %get3A_234 = arith.index_cast %get3A_233 : i32 to index
        %get3A_235 = arith.index_cast %add3A_220 : i32 to index
        %get3A_236 = arith.constant 16 : index
        %get3A_237 = tpu.vector_load %arg8[%get3A_234, %get3A_235, %get3A_236] {strides = array<i32>} : memref<2x256x128xf32, #tpu.memory_space<vmem>>, vector<1x1x16xf32>,
        %get3A_238 = vector.shape_cast %get3A_237 : vector<1x1x16xf32> to vector<16xf32>
        %mul3A_239 = arith.mulf %gather3A_224, %get3A_238 : vector<16xf32>
        %add3A_240 = arith.addf %mul3A_174, %mul3A_239 : vector<16xf32>
        %get3A_241 = arith.constant 1 : i32
        %get3A_242 = arith.index_cast %get3A_241 : i32 to index
        %get3A_243 = arith.index_cast %add3A_220 : i32 to index
        %get3A_244 = arith.constant 32 : index
        %get3A_245 = tpu.vector_load %arg8[%get3A_242, %get3A_243, %get3A_244] {strides = array<i32>} : memref<2x256x128xf32, #tpu.memory_space<vmem>>, vector<1x1x16xf32>,
        %get3A_246 = vector.shape_cast %get3A_245 : vector<1x1x16xf32> to vector<16xf32>
        %mul3A_247 = arith.mulf %gather3A_224, %get3A_246 : vector<16xf32>
        %add3A_248 = arith.addf %mul3A_181, %mul3A_247 : vector<16xf32>
        %get3A_249 = arith.constant 1 : i32
        %get3A_250 = arith.index_cast %get3A_249 : i32 to index
        %get3A_251 = arith.index_cast %add3A_220 : i32 to index
        %get3A_252 = arith.constant 48 : index
        %get3A_253 = tpu.vector_load %arg8[%get3A_250, %get3A_251, %get3A_252] {strides = array<i32>} : memref<2x256x128xf32, #tpu.memory_space<vmem>>, vector<1x1x16xf32>,
        %get3A_254 = vector.shape_cast %get3A_253 : vector<1x1x16xf32> to vector<16xf32>
        %mul3A_255 = arith.mulf %gather3A_224, %get3A_254 : vector<16xf32>
        %add3A_256 = arith.addf %mul3A_188, %mul3A_255 : vector<16xf32>
        %get3A_257 = arith.constant 1 : i32
        %get3A_258 = arith.index_cast %get3A_257 : i32 to index
        %get3A_259 = arith.index_cast %add3A_220 : i32 to index
        %get3A_260 = arith.constant 64 : index
        %get3A_261 = tpu.vector_load %arg8[%get3A_258, %get3A_259, %get3A_260] {strides = array<i32>} : memref<2x256x128xf32, #tpu.memory_space<vmem>>, vector<1x1x16xf32>,
        %get3A_262 = vector.shape_cast %get3A_261 : vector<1x1x16xf32> to vector<16xf32>
        %mul3A_263 = arith.mulf %gather3A_224, %get3A_262 : vector<16xf32>
        %add3A_264 = arith.addf %mul3A_195, %mul3A_263 : vector<16xf32>
        %get3A_265 = arith.constant 1 : i32
        %get3A_266 = arith.index_cast %get3A_265 : i32 to index
        %get3A_267 = arith.index_cast %add3A_220 : i32 to index
        %get3A_268 = arith.constant 80 : index
        %get3A_269 = tpu.vector_load %arg8[%get3A_266, %get3A_267, %get3A_268] {strides = array<i32>} : memref<2x256x128xf32, #tpu.memory_space<vmem>>, vector<1x1x16xf32>,
        %get3A_270 = vector.shape_cast %get3A_269 : vector<1x1x16xf32> to vector<16xf32>
        %mul3A_271 = arith.mulf %gather3A_224, %get3A_270 : vector<16xf32>
        %add3A_272 = arith.addf %mul3A_202, %mul3A_271 : vector<16xf32>
        %get3A_273 = arith.constant 1 : i32
        %get3A_274 = arith.index_cast %get3A_273 : i32 to index
        %get3A_275 = arith.index_cast %add3A_220 : i32 to index
        %get3A_276 = arith.constant 96 : index
        %get3A_277 = tpu.vector_load %arg8[%get3A_274, %get3A_275, %get3A_276] {strides = array<i32>} : memref<2x256x128xf32, #tpu.memory_space<vmem>>, vector<1x1x16xf32>,
        %get3A_278 = vector.shape_cast %get3A_277 : vector<1x1x16xf32> to vector<16xf32>
        %mul3A_279 = arith.mulf %gather3A_224, %get3A_278 : vector<16xf32>
        %add3A_280 = arith.addf %mul3A_209, %mul3A_279 : vector<16xf32>
        %get3A_281 = arith.constant 1 : i32
        %get3A_282 = arith.index_cast %get3A_281 : i32 to index
        %get3A_283 = arith.index_cast %add3A_220 : i32 to index
        %get3A_284 = arith.constant 112 : index
        %get3A_285 = tpu.vector_load %arg8[%get3A_282, %get3A_283, %get3A_284] {strides = array<i32>} : memref<2x256x128xf32, #tpu.memory_space<vmem>>, vector<1x1x16xf32>,
        %get3A_286 = vector.shape_cast %get3A_285 : vector<1x1x16xf32> to vector<16xf32>
        %mul3A_287 = arith.mulf %gather3A_224, %get3A_286 : vector<16xf32>
        %add3A_288 = arith.addf %mul3A_216, %mul3A_287 : vector<16xf32>
        %mul3A_289 = arith.constant 16 : i32
        %mul3A_290 = arith.muli %scan3A_148, %mul3A_289 : i32
        %add3A_291 = arith.constant 2 : i32
        %add3A_292 = arith.addi %mul3A_290, %add3A_291 : i32
        %broadcast_in_dim3A_293 = arith.constant 2 : i32
        %broadcast_in_dim3A_294 = vector.broadcast %broadcast_in_dim3A_293 : i32 to vector<16x1xi32>
        %gather3A_295 = vector.shape_cast %broadcast_in_dim3A_294 : vector<16x1xi32> to vector<16xi32>
        %gather3A_296 = tpu.dynamic_gather %get3A_154[%gather3A_295] in [0] : vector<16xf32>, vector<16xi32> -> vector<16xf32>
        %get3A_297 = arith.constant 1 : i32
        %get3A_298 = arith.index_cast %get3A_297 : i32 to index
        %get3A_299 = arith.index_cast %add3A_292 : i32 to index
        %get3A_300 = arith.constant 0 : index
        %get3A_301 = tpu.vector_load %arg8[%get3A_298, %get3A_299, %get3A_300] {strides = array<i32>} : memref<2x256x128xf32, #tpu.memory_space<vmem>>, vector<1x1x16xf32>,
        %get3A_302 = vector.shape_cast %get3A_301 : vector<1x1x16xf32> to vector<16xf32>
        %mul3A_303 = arith.mulf %gather3A_296, %get3A_302 : vector<16xf32>
        %add3A_304 = arith.addf %add3A_232, %mul3A_303 : vector<16xf32>
        %get3A_305 = arith.constant 1 : i32
        %get3A_306 = arith.index_cast %get3A_305 : i32 to index
        %get3A_307 = arith.index_cast %add3A_292 : i32 to index
        %get3A_308 = arith.constant 16 : index
        %get3A_309 = tpu.vector_load %arg8[%get3A_306, %get3A_307, %get3A_308] {strides = array<i32>} : memref<2x256x128xf32, #tpu.memory_space<vmem>>, vector<1x1x16xf32>,
        %get3A_310 = vector.shape_cast %get3A_309 : vector<1x1x16xf32> to vector<16xf32>
        %mul3A_311 = arith.mulf %gather3A_296, %get3A_310 : vector<16xf32>
        %add3A_312 = arith.addf %add3A_240, %mul3A_311 : vector<16xf32>
        %get3A_313 = arith.constant 1 : i32
        %get3A_314 = arith.index_cast %get3A_313 : i32 to index
        %get3A_315 = arith.index_cast %add3A_292 : i32 to index
        %get3A_316 = arith.constant 32 : index
        %get3A_317 = tpu.vector_load %arg8[%get3A_314, %get3A_315, %get3A_316] {strides = array<i32>} : memref<2x256x128xf32, #tpu.memory_space<vmem>>, vector<1x1x16xf32>,
        %get3A_318 = vector.shape_cast %get3A_317 : vector<1x1x16xf32> to vector<16xf32>
        %mul3A_319 = arith.mulf %gather3A_296, %get3A_318 : vector<16xf32>
        %add3A_320 = arith.addf %add3A_248, %mul3A_319 : vector<16xf32>
        %get3A_321 = arith.constant 1 : i32
        %get3A_322 = arith.index_cast %get3A_321 : i32 to index
        %get3A_323 = arith.index_cast %add3A_292 : i32 to index
        %get3A_324 = arith.constant 48 : index
        %get3A_325 = tpu.vector_load %arg8[%get3A_322, %get3A_323, %get3A_324] {strides = array<i32>} : memref<2x256x128xf32, #tpu.memory_space<vmem>>, vector<1x1x16xf32>,
        %get3A_326 = vector.shape_cast %get3A_325 : vector<1x1x16xf32> to vector<16xf32>
        %mul3A_327 = arith.mulf %gather3A_296, %get3A_326 : vector<16xf32>
        %add3A_328 = arith.addf %add3A_256, %mul3A_327 : vector<16xf32>
        %get3A_329 = arith.constant 1 : i32
        %get3A_330 = arith.index_cast %get3A_329 : i32 to index
        %get3A_331 = arith.index_cast %add3A_292 : i32 to index
        %get3A_332 = arith.constant 64 : index
        %get3A_333 = tpu.vector_load %arg8[%get3A_330, %get3A_331, %get3A_332] {strides = array<i32>} : memref<2x256x128xf32, #tpu.memory_space<vmem>>, vector<1x1x16xf32>,
        %get3A_334 = vector.shape_cast %get3A_333 : vector<1x1x16xf32> to vector<16xf32>
        %mul3A_335 = arith.mulf %gather3A_296, %get3A_334 : vector<16xf32>
        %add3A_336 = arith.addf %add3A_264, %mul3A_335 : vector<16xf32>
        %get3A_337 = arith.constant 1 : i32
        %get3A_338 = arith.index_cast %get3A_337 : i32 to index
        %get3A_339 = arith.index_cast %add3A_292 : i32 to index
        %get3A_340 = arith.constant 80 : index
        %get3A_341 = tpu.vector_load %arg8[%get3A_338, %get3A_339, %get3A_340] {strides = array<i32>} : memref<2x256x128xf32, #tpu.memory_space<vmem>>, vector<1x1x16xf32>,
        %get3A_342 = vector.shape_cast %get3A_341 : vector<1x1x16xf32> to vector<16xf32>
        %mul3A_343 = arith.mulf %gather3A_296, %get3A_342 : vector<16xf32>
        %add3A_344 = arith.addf %add3A_272, %mul3A_343 : vector<16xf32>
        %get3A_345 = arith.constant 1 : i32
        %get3A_346 = arith.index_cast %get3A_345 : i32 to index
        %get3A_347 = arith.index_cast %add3A_292 : i32 to index
        %get3A_348 = arith.constant 96 : index
        %get3A_349 = tpu.vector_load %arg8[%get3A_346, %get3A_347, %get3A_348] {strides = array<i32>} : memref<2x256x128xf32, #tpu.memory_space<vmem>>, vector<1x1x16xf32>,
        %get3A_350 = vector.shape_cast %get3A_349 : vector<1x1x16xf32> to vector<16xf32>
        %mul3A_351 = arith.mulf %gather3A_296, %get3A_350 : vector<16xf32>
        %add3A_352 = arith.addf %add3A_280, %mul3A_351 : vector<16xf32>
        %get3A_353 = arith.constant 1 : i32
        %get3A_354 = arith.index_cast %get3A_353 : i32 to index
        %get3A_355 = arith.index_cast %add3A_292 : i32 to index
        %get3A_356 = arith.constant 112 : index
        %get3A_357 = tpu.vector_load %arg8[%get3A_354, %get3A_355, %get3A_356] {strides = array<i32>} : memref<2x256x128xf32, #tpu.memory_space<vmem>>, vector<1x1x16xf32>,
        %get3A_358 = vector.shape_cast %get3A_357 : vector<1x1x16xf32> to vector<16xf32>
        %mul3A_359 = arith.mulf %gather3A_296, %get3A_358 : vector<16xf32>
        %add3A_360 = arith.addf %add3A_288, %mul3A_359 : vector<16xf32>
        %mul3A_361 = arith.constant 16 : i32
        %mul3A_362 = arith.muli %scan3A_148, %mul3A_361 : i32
        %add3A_363 = arith.constant 3 : i32
        %add3A_364 = arith.addi %mul3A_362, %add3A_363 : i32
        %broadcast_in_dim3A_365 = arith.constant 3 : i32
        %broadcast_in_dim3A_366 = vector.broadcast %broadcast_in_dim3A_365 : i32 to vector<16x1xi32>
        %gather3A_367 = vector.shape_cast %broadcast_in_dim3A_366 : vector<16x1xi32> to vector<16xi32>
        %gather3A_368 = tpu.dynamic_gather %get3A_154[%gather3A_367] in [0] : vector<16xf32>, vector<16xi32> -> vector<16xf32>
        %get3A_369 = arith.constant 1 : i32
        %get3A_370 = arith.index_cast %get3A_369 : i32 to index
        %get3A_371 = arith.index_cast %add3A_364 : i32 to index
        %get3A_372 = arith.constant 0 : index
        %get3A_373 = tpu.vector_load %arg8[%get3A_370, %get3A_371, %get3A_372] {strides = array<i32>} : memref<2x256x128xf32, #tpu.memory_space<vmem>>, vector<1x1x16xf32>,
        %get3A_374 = vector.shape_cast %get3A_373 : vector<1x1x16xf32> to vector<16xf32>
        %mul3A_375 = arith.mulf %gather3A_368, %get3A_374 : vector<16xf32>
        %add3A_376 = arith.addf %add3A_304, %mul3A_375 : vector<16xf32>
        %get3A_377 = arith.constant 1 : i32
        %get3A_378 = arith.index_cast %get3A_377 : i32 to index
        %get3A_379 = arith.index_cast %add3A_364 : i32 to index
        %get3A_380 = arith.constant 16 : index
        %get3A_381 = tpu.vector_load %arg8[%get3A_378, %get3A_379, %get3A_380] {strides = array<i32>} : memref<2x256x128xf32, #tpu.memory_space<vmem>>, vector<1x1x16xf32>,
        %get3A_382 = vector.shape_cast %get3A_381 : vector<1x1x16xf32> to vector<16xf32>
        %mul3A_383 = arith.mulf %gather3A_368, %get3A_382 : vector<16xf32>
        %add3A_384 = arith.addf %add3A_312, %mul3A_383 : vector<16xf32>
        %get3A_385 = arith.constant 1 : i32
        %get3A_386 = arith.index_cast %get3A_385 : i32 to index
        %get3A_387 = arith.index_cast %add3A_364 : i32 to index
        %get3A_388 = arith.constant 32 : index
        %get3A_389 = tpu.vector_load %arg8[%get3A_386, %get3A_387, %get3A_388] {strides = array<i32>} : memref<2x256x128xf32, #tpu.memory_space<vmem>>, vector<1x1x16xf32>,
        %get3A_390 = vector.shape_cast %get3A_389 : vector<1x1x16xf32> to vector<16xf32>
        %mul3A_391 = arith.mulf %gather3A_368, %get3A_390 : vector<16xf32>
        %add3A_392 = arith.addf %add3A_320, %mul3A_391 : vector<16xf32>
        %get3A_393 = arith.constant 1 : i32
        %get3A_394 = arith.index_cast %get3A_393 : i32 to index
        %get3A_395 = arith.index_cast %add3A_364 : i32 to index
        %get3A_396 = arith.constant 48 : index
        %get3A_397 = tpu.vector_load %arg8[%get3A_394, %get3A_395, %get3A_396] {strides = array<i32>} : memref<2x256x128xf32, #tpu.memory_space<vmem>>, vector<1x1x16xf32>,
        %get3A_398 = vector.shape_cast %get3A_397 : vector<1x1x16xf32> to vector<16xf32>
        %mul3A_399 = arith.mulf %gather3A_368, %get3A_398 : vector<16xf32>
        %add3A_400 = arith.addf %add3A_328, %mul3A_399 : vector<16xf32>
        %get3A_401 = arith.constant 1 : i32
        %get3A_402 = arith.index_cast %get3A_401 : i32 to index
        %get3A_403 = arith.index_cast %add3A_364 : i32 to index
        %get3A_404 = arith.constant 64 : index
        %get3A_405 = tpu.vector_load %arg8[%get3A_402, %get3A_403, %get3A_404] {strides = array<i32>} : memref<2x256x128xf32, #tpu.memory_space<vmem>>, vector<1x1x16xf32>,
        %get3A_406 = vector.shape_cast %get3A_405 : vector<1x1x16xf32> to vector<16xf32>
        %mul3A_407 = arith.mulf %gather3A_368, %get3A_406 : vector<16xf32>
        %add3A_408 = arith.addf %add3A_336, %mul3A_407 : vector<16xf32>
        %get3A_409 = arith.constant 1 : i32
        %get3A_410 = arith.index_cast %get3A_409 : i32 to index
        %get3A_411 = arith.index_cast %add3A_364 : i32 to index
        %get3A_412 = arith.constant 80 : index
        %get3A_413 = tpu.vector_load %arg8[%get3A_410, %get3A_411, %get3A_412] {strides = array<i32>} : memref<2x256x128xf32, #tpu.memory_space<vmem>>, vector<1x1x16xf32>,
        %get3A_414 = vector.shape_cast %get3A_413 : vector<1x1x16xf32> to vector<16xf32>
        %mul3A_415 = arith.mulf %gather3A_368, %get3A_414 : vector<16xf32>
        %add3A_416 = arith.addf %add3A_344, %mul3A_415 : vector<16xf32>
        %get3A_417 = arith.constant 1 : i32
        %get3A_418 = arith.index_cast %get3A_417 : i32 to index
        %get3A_419 = arith.index_cast %add3A_364 : i32 to index
        %get3A_420 = arith.constant 96 : index
        %get3A_421 = tpu.vector_load %arg8[%get3A_418, %get3A_419, %get3A_420] {strides = array<i32>} : memref<2x256x128xf32, #tpu.memory_space<vmem>>, vector<1x1x16xf32>,
        %get3A_422 = vector.shape_cast %get3A_421 : vector<1x1x16xf32> to vector<16xf32>
        %mul3A_423 = arith.mulf %gather3A_368, %get3A_422 : vector<16xf32>
        %add3A_424 = arith.addf %add3A_352, %mul3A_423 : vector<16xf32>
        %get3A_425 = arith.constant 1 : i32
        %get3A_426 = arith.index_cast %get3A_425 : i32 to index
        %get3A_427 = arith.index_cast %add3A_364 : i32 to index
        %get3A_428 = arith.constant 112 : index
        %get3A_429 = tpu.vector_load %arg8[%get3A_426, %get3A_427, %get3A_428] {strides = array<i32>} : memref<2x256x128xf32, #tpu.memory_space<vmem>>, vector<1x1x16xf32>,
        %get3A_430 = vector.shape_cast %get3A_429 : vector<1x1x16xf32> to vector<16xf32>
        %mul3A_431 = arith.mulf %gather3A_368, %get3A_430 : vector<16xf32>
        %add3A_432 = arith.addf %add3A_360, %mul3A_431 : vector<16xf32>
        %mul3A_433 = arith.constant 16 : i32
        %mul3A_434 = arith.muli %scan3A_148, %mul3A_433 : i32
        %add3A_435 = arith.constant 4 : i32
        %add3A_436 = arith.addi %mul3A_434, %add3A_435 : i32
        %broadcast_in_dim3A_437 = arith.constant 4 : i32
        %broadcast_in_dim3A_438 = vector.broadcast %broadcast_in_dim3A_437 : i32 to vector<16x1xi32>
        %gather3A_439 = vector.shape_cast %broadcast_in_dim3A_438 : vector<16x1xi32> to vector<16xi32>
        %gather3A_440 = tpu.dynamic_gather %get3A_154[%gather3A_439] in [0] : vector<16xf32>, vector<16xi32> -> vector<16xf32>
        %get3A_441 = arith.constant 1 : i32
        %get3A_442 = arith.index_cast %get3A_441 : i32 to index
        %get3A_443 = arith.index_cast %add3A_436 : i32 to index
        %get3A_444 = arith.constant 0 : index
        %get3A_445 = tpu.vector_load %arg8[%get3A_442, %get3A_443, %get3A_444] {strides = array<i32>} : memref<2x256x128xf32, #tpu.memory_space<vmem>>, vector<1x1x16xf32>,
        %get3A_446 = vector.shape_cast %get3A_445 : vector<1x1x16xf32> to vector<16xf32>
        %mul3A_447 = arith.mulf %gather3A_440, %get3A_446 : vector<16xf32>
        %add3A_448 = arith.addf %add3A_376, %mul3A_447 : vector<16xf32>
        %get3A_449 = arith.constant 1 : i32
        %get3A_450 = arith.index_cast %get3A_449 : i32 to index
        %get3A_451 = arith.index_cast %add3A_436 : i32 to index
        %get3A_452 = arith.constant 16 : index
        %get3A_453 = tpu.vector_load %arg8[%get3A_450, %get3A_451, %get3A_452] {strides = array<i32>} : memref<2x256x128xf32, #tpu.memory_space<vmem>>, vector<1x1x16xf32>,
        %get3A_454 = vector.shape_cast %get3A_453 : vector<1x1x16xf32> to vector<16xf32>
        %mul3A_455 = arith.mulf %gather3A_440, %get3A_454 : vector<16xf32>
        %add3A_456 = arith.addf %add3A_384, %mul3A_455 : vector<16xf32>
        %get3A_457 = arith.constant 1 : i32
        %get3A_458 = arith.index_cast %get3A_457 : i32 to index
        %get3A_459 = arith.index_cast %add3A_436 : i32 to index
        %get3A_460 = arith.constant 32 : index
        %get3A_461 = tpu.vector_load %arg8[%get3A_458, %get3A_459, %get3A_460] {strides = array<i32>} : memref<2x256x128xf32, #tpu.memory_space<vmem>>, vector<1x1x16xf32>,
        %get3A_462 = vector.shape_cast %get3A_461 : vector<1x1x16xf32> to vector<16xf32>
        %mul3A_463 = arith.mulf %gather3A_440, %get3A_462 : vector<16xf32>
        %add3A_464 = arith.addf %add3A_392, %mul3A_463 : vector<16xf32>
        %get3A_465 = arith.constant 1 : i32
        %get3A_466 = arith.index_cast %get3A_465 : i32 to index
        %get3A_467 = arith.index_cast %add3A_436 : i32 to index
        %get3A_468 = arith.constant 48 : index
        %get3A_469 = tpu.vector_load %arg8[%get3A_466, %get3A_467, %get3A_468] {strides = array<i32>} : memref<2x256x128xf32, #tpu.memory_space<vmem>>, vector<1x1x16xf32>,
        %get3A_470 = vector.shape_cast %get3A_469 : vector<1x1x16xf32> to vector<16xf32>
        %mul3A_471 = arith.mulf %gather3A_440, %get3A_470 : vector<16xf32>
        %add3A_472 = arith.addf %add3A_400, %mul3A_471 : vector<16xf32>
        %get3A_473 = arith.constant 1 : i32
        %get3A_474 = arith.index_cast %get3A_473 : i32 to index
        %get3A_475 = arith.index_cast %add3A_436 : i32 to index
        %get3A_476 = arith.constant 64 : index
        %get3A_477 = tpu.vector_load %arg8[%get3A_474, %get3A_475, %get3A_476] {strides = array<i32>} : memref<2x256x128xf32, #tpu.memory_space<vmem>>, vector<1x1x16xf32>,
        %get3A_478 = vector.shape_cast %get3A_477 : vector<1x1x16xf32> to vector<16xf32>
        %mul3A_479 = arith.mulf %gather3A_440, %get3A_478 : vector<16xf32>
        %add3A_480 = arith.addf %add3A_408, %mul3A_479 : vector<16xf32>
        %get3A_481 = arith.constant 1 : i32
        %get3A_482 = arith.index_cast %get3A_481 : i32 to index
        %get3A_483 = arith.index_cast %add3A_436 : i32 to index
        %get3A_484 = arith.constant 80 : index
        %get3A_485 = tpu.vector_load %arg8[%get3A_482, %get3A_483, %get3A_484] {strides = array<i32>} : memref<2x256x128xf32, #tpu.memory_space<vmem>>, vector<1x1x16xf32>,
        %get3A_486 = vector.shape_cast %get3A_485 : vector<1x1x16xf32> to vector<16xf32>
        %mul3A_487 = arith.mulf %gather3A_440, %get3A_486 : vector<16xf32>
        %add3A_488 = arith.addf %add3A_416, %mul3A_487 : vector<16xf32>
        %get3A_489 = arith.constant 1 : i32
        %get3A_490 = arith.index_cast %get3A_489 : i32 to index
        %get3A_491 = arith.index_cast %add3A_436 : i32 to index
        %get3A_492 = arith.constant 96 : index
        %get3A_493 = tpu.vector_load %arg8[%get3A_490, %get3A_491, %get3A_492] {strides = array<i32>} : memref<2x256x128xf32, #tpu.memory_space<vmem>>, vector<1x1x16xf32>,
        %get3A_494 = vector.shape_cast %get3A_493 : vector<1x1x16xf32> to vector<16xf32>
        %mul3A_495 = arith.mulf %gather3A_440, %get3A_494 : vector<16xf32>
        %add3A_496 = arith.addf %add3A_424, %mul3A_495 : vector<16xf32>
        %get3A_497 = arith.constant 1 : i32
        %get3A_498 = arith.index_cast %get3A_497 : i32 to index
        %get3A_499 = arith.index_cast %add3A_436 : i32 to index
        %get3A_500 = arith.constant 112 : index
        %get3A_501 = tpu.vector_load %arg8[%get3A_498, %get3A_499, %get3A_500] {strides = array<i32>} : memref<2x256x128xf32, #tpu.memory_space<vmem>>, vector<1x1x16xf32>,
        %get3A_502 = vector.shape_cast %get3A_501 : vector<1x1x16xf32> to vector<16xf32>
        %mul3A_503 = arith.mulf %gather3A_440, %get3A_502 : vector<16xf32>
        %add3A_504 = arith.addf %add3A_432, %mul3A_503 : vector<16xf32>
        %mul3A_505 = arith.constant 16 : i32
        %mul3A_506 = arith.muli %scan3A_148, %mul3A_505 : i32
        %add3A_507 = arith.constant 5 : i32
        %add3A_508 = arith.addi %mul3A_506, %add3A_507 : i32
        %broadcast_in_dim3A_509 = arith.constant 5 : i32
        %broadcast_in_dim3A_510 = vector.broadcast %broadcast_in_dim3A_509 : i32 to vector<16x1xi32>
        %gather3A_511 = vector.shape_cast %broadcast_in_dim3A_510 : vector<16x1xi32> to vector<16xi32>
        %gather3A_512 = tpu.dynamic_gather %get3A_154[%gather3A_511] in [0] : vector<16xf32>, vector<16xi32> -> vector<16xf32>
        %get3A_513 = arith.constant 1 : i32
        %get3A_514 = arith.index_cast %get3A_513 : i32 to index
        %get3A_515 = arith.index_cast %add3A_508 : i32 to index
        %get3A_516 = arith.constant 0 : index
        %get3A_517 = tpu.vector_load %arg8[%get3A_514, %get3A_515, %get3A_516] {strides = array<i32>} : memref<2x256x128xf32, #tpu.memory_space<vmem>>, vector<1x1x16xf32>,
        %get3A_518 = vector.shape_cast %get3A_517 : vector<1x1x16xf32> to vector<16xf32>
        %mul3A_519 = arith.mulf %gather3A_512, %get3A_518 : vector<16xf32>
        %add3A_520 = arith.addf %add3A_448, %mul3A_519 : vector<16xf32>
        %get3A_521 = arith.constant 1 : i32
        %get3A_522 = arith.index_cast %get3A_521 : i32 to index
        %get3A_523 = arith.index_cast %add3A_508 : i32 to index
        %get3A_524 = arith.constant 16 : index
        %get3A_525 = tpu.vector_load %arg8[%get3A_522, %get3A_523, %get3A_524] {strides = array<i32>} : memref<2x256x128xf32, #tpu.memory_space<vmem>>, vector<1x1x16xf32>,
        %get3A_526 = vector.shape_cast %get3A_525 : vector<1x1x16xf32> to vector<16xf32>
        %mul3A_527 = arith.mulf %gather3A_512, %get3A_526 : vector<16xf32>
        %add3A_528 = arith.addf %add3A_456, %mul3A_527 : vector<16xf32>
        %get3A_529 = arith.constant 1 : i32
        %get3A_530 = arith.index_cast %get3A_529 : i32 to index
        %get3A_531 = arith.index_cast %add3A_508 : i32 to index
        %get3A_532 = arith.constant 32 : index
        %get3A_533 = tpu.vector_load %arg8[%get3A_530, %get3A_531, %get3A_532] {strides = array<i32>} : memref<2x256x128xf32, #tpu.memory_space<vmem>>, vector<1x1x16xf32>,
        %get3A_534 = vector.shape_cast %get3A_533 : vector<1x1x16xf32> to vector<16xf32>
        %mul3A_535 = arith.mulf %gather3A_512, %get3A_534 : vector<16xf32>
        %add3A_536 = arith.addf %add3A_464, %mul3A_535 : vector<16xf32>
        %get3A_537 = arith.constant 1 : i32
        %get3A_538 = arith.index_cast %get3A_537 : i32 to index
        %get3A_539 = arith.index_cast %add3A_508 : i32 to index
        %get3A_540 = arith.constant 48 : index
        %get3A_541 = tpu.vector_load %arg8[%get3A_538, %get3A_539, %get3A_540] {strides = array<i32>} : memref<2x256x128xf32, #tpu.memory_space<vmem>>, vector<1x1x16xf32>,
        %get3A_542 = vector.shape_cast %get3A_541 : vector<1x1x16xf32> to vector<16xf32>
        %mul3A_543 = arith.mulf %gather3A_512, %get3A_542 : vector<16xf32>
        %add3A_544 = arith.addf %add3A_472, %mul3A_543 : vector<16xf32>
        %get3A_545 = arith.constant 1 : i32
        %get3A_546 = arith.index_cast %get3A_545 : i32 to index
        %get3A_547 = arith.index_cast %add3A_508 : i32 to index
        %get3A_548 = arith.constant 64 : index
        %get3A_549 = tpu.vector_load %arg8[%get3A_546, %get3A_547, %get3A_548] {strides = array<i32>} : memref<2x256x128xf32, #tpu.memory_space<vmem>>, vector<1x1x16xf32>,
        %get3A_550 = vector.shape_cast %get3A_549 : vector<1x1x16xf32> to vector<16xf32>
        %mul3A_551 = arith.mulf %gather3A_512, %get3A_550 : vector<16xf32>
        %add3A_552 = arith.addf %add3A_480, %mul3A_551 : vector<16xf32>
        %get3A_553 = arith.constant 1 : i32
        %get3A_554 = arith.index_cast %get3A_553 : i32 to index
        %get3A_555 = arith.index_cast %add3A_508 : i32 to index
        %get3A_556 = arith.constant 80 : index
        %get3A_557 = tpu.vector_load %arg8[%get3A_554, %get3A_555, %get3A_556] {strides = array<i32>} : memref<2x256x128xf32, #tpu.memory_space<vmem>>, vector<1x1x16xf32>,
        %get3A_558 = vector.shape_cast %get3A_557 : vector<1x1x16xf32> to vector<16xf32>
        %mul3A_559 = arith.mulf %gather3A_512, %get3A_558 : vector<16xf32>
        %add3A_560 = arith.addf %add3A_488, %mul3A_559 : vector<16xf32>
        %get3A_561 = arith.constant 1 : i32
        %get3A_562 = arith.index_cast %get3A_561 : i32 to index
        %get3A_563 = arith.index_cast %add3A_508 : i32 to index
        %get3A_564 = arith.constant 96 : index
        %get3A_565 = tpu.vector_load %arg8[%get3A_562, %get3A_563, %get3A_564] {strides = array<i32>} : memref<2x256x128xf32, #tpu.memory_space<vmem>>, vector<1x1x16xf32>,
        %get3A_566 = vector.shape_cast %get3A_565 : vector<1x1x16xf32> to vector<16xf32>
        %mul3A_567 = arith.mulf %gather3A_512, %get3A_566 : vector<16xf32>
        %add3A_568 = arith.addf %add3A_496, %mul3A_567 : vector<16xf32>
        %get3A_569 = arith.constant 1 : i32
        %get3A_570 = arith.index_cast %get3A_569 : i32 to index
        %get3A_571 = arith.index_cast %add3A_508 : i32 to index
        %get3A_572 = arith.constant 112 : index
        %get3A_573 = tpu.vector_load %arg8[%get3A_570, %get3A_571, %get3A_572] {strides = array<i32>} : memref<2x256x128xf32, #tpu.memory_space<vmem>>, vector<1x1x16xf32>,
        %get3A_574 = vector.shape_cast %get3A_573 : vector<1x1x16xf32> to vector<16xf32>
        %mul3A_575 = arith.mulf %gather3A_512, %get3A_574 : vector<16xf32>
        %add3A_576 = arith.addf %add3A_504, %mul3A_575 : vector<16xf32>
        %mul3A_577 = arith.constant 16 : i32
        %mul3A_578 = arith.muli %scan3A_148, %mul3A_577 : i32
        %add3A_579 = arith.constant 6 : i32
        %add3A_580 = arith.addi %mul3A_578, %add3A_579 : i32
        %broadcast_in_dim3A_581 = arith.constant 6 : i32
        %broadcast_in_dim3A_582 = vector.broadcast %broadcast_in_dim3A_581 : i32 to vector<16x1xi32>
        %gather3A_583 = vector.shape_cast %broadcast_in_dim3A_582 : vector<16x1xi32> to vector<16xi32>
        %gather3A_584 = tpu.dynamic_gather %get3A_154[%gather3A_583] in [0] : vector<16xf32>, vector<16xi32> -> vector<16xf32>
        %get3A_585 = arith.constant 1 : i32
        %get3A_586 = arith.index_cast %get3A_585 : i32 to index
        %get3A_587 = arith.index_cast %add3A_580 : i32 to index
        %get3A_588 = arith.constant 0 : index
        %get3A_589 = tpu.vector_load %arg8[%get3A_586, %get3A_587, %get3A_588] {strides = array<i32>} : memref<2x256x128xf32, #tpu.memory_space<vmem>>, vector<1x1x16xf32>,
        %get3A_590 = vector.shape_cast %get3A_589 : vector<1x1x16xf32> to vector<16xf32>
        %mul3A_591 = arith.mulf %gather3A_584, %get3A_590 : vector<16xf32>
        %add3A_592 = arith.addf %add3A_520, %mul3A_591 : vector<16xf32>
        %get3A_593 = arith.constant 1 : i32
        %get3A_594 = arith.index_cast %get3A_593 : i32 to index
        %get3A_595 = arith.index_cast %add3A_580 : i32 to index
        %get3A_596 = arith.constant 16 : index
        %get3A_597 = tpu.vector_load %arg8[%get3A_594, %get3A_595, %get3A_596] {strides = array<i32>} : memref<2x256x128xf32, #tpu.memory_space<vmem>>, vector<1x1x16xf32>,
        %get3A_598 = vector.shape_cast %get3A_597 : vector<1x1x16xf32> to vector<16xf32>
        %mul3A_599 = arith.mulf %gather3A_584, %get3A_598 : vector<16xf32>
        %add3A_600 = arith.addf %add3A_528, %mul3A_599 : vector<16xf32>
        %get3A_601 = arith.constant 1 : i32
        %get3A_602 = arith.index_cast %get3A_601 : i32 to index
        %get3A_603 = arith.index_cast %add3A_580 : i32 to index
        %get3A_604 = arith.constant 32 : index
        %get3A_605 = tpu.vector_load %arg8[%get3A_602, %get3A_603, %get3A_604] {strides = array<i32>} : memref<2x256x128xf32, #tpu.memory_space<vmem>>, vector<1x1x16xf32>,
        %get3A_606 = vector.shape_cast %get3A_605 : vector<1x1x16xf32> to vector<16xf32>
        %mul3A_607 = arith.mulf %gather3A_584, %get3A_606 : vector<16xf32>
        %add3A_608 = arith.addf %add3A_536, %mul3A_607 : vector<16xf32>
        %get3A_609 = arith.constant 1 : i32
        %get3A_610 = arith.index_cast %get3A_609 : i32 to index
        %get3A_611 = arith.index_cast %add3A_580 : i32 to index
        %get3A_612 = arith.constant 48 : index
        %get3A_613 = tpu.vector_load %arg8[%get3A_610, %get3A_611, %get3A_612] {strides = array<i32>} : memref<2x256x128xf32, #tpu.memory_space<vmem>>, vector<1x1x16xf32>,
        %get3A_614 = vector.shape_cast %get3A_613 : vector<1x1x16xf32> to vector<16xf32>
        %mul3A_615 = arith.mulf %gather3A_584, %get3A_614 : vector<16xf32>
        %add3A_616 = arith.addf %add3A_544, %mul3A_615 : vector<16xf32>
        %get3A_617 = arith.constant 1 : i32
        %get3A_618 = arith.index_cast %get3A_617 : i32 to index
        %get3A_619 = arith.index_cast %add3A_580 : i32 to index
        %get3A_620 = arith.constant 64 : index
        %get3A_621 = tpu.vector_load %arg8[%get3A_618, %get3A_619, %get3A_620] {strides = array<i32>} : memref<2x256x128xf32, #tpu.memory_space<vmem>>, vector<1x1x16xf32>,
        %get3A_622 = vector.shape_cast %get3A_621 : vector<1x1x16xf32> to vector<16xf32>
        %mul3A_623 = arith.mulf %gather3A_584, %get3A_622 : vector<16xf32>
        %add3A_624 = arith.addf %add3A_552, %mul3A_623 : vector<16xf32>
        %get3A_625 = arith.constant 1 : i32
        %get3A_626 = arith.index_cast %get3A_625 : i32 to index
        %get3A_627 = arith.index_cast %add3A_580 : i32 to index
        %get3A_628 = arith.constant 80 : index
        %get3A_629 = tpu.vector_load %arg8[%get3A_626, %get3A_627, %get3A_628] {strides = array<i32>} : memref<2x256x128xf32, #tpu.memory_space<vmem>>, vector<1x1x16xf32>,
        %get3A_630 = vector.shape_cast %get3A_629 : vector<1x1x16xf32> to vector<16xf32>
        %mul3A_631 = arith.mulf %gather3A_584, %get3A_630 : vector<16xf32>
        %add3A_632 = arith.addf %add3A_560, %mul3A_631 : vector<16xf32>
        %get3A_633 = arith.constant 1 : i32
        %get3A_634 = arith.index_cast %get3A_633 : i32 to index
        %get3A_635 = arith.index_cast %add3A_580 : i32 to index
        %get3A_636 = arith.constant 96 : index
        %get3A_637 = tpu.vector_load %arg8[%get3A_634, %get3A_635, %get3A_636] {strides = array<i32>} : memref<2x256x128xf32, #tpu.memory_space<vmem>>, vector<1x1x16xf32>,
        %get3A_638 = vector.shape_cast %get3A_637 : vector<1x1x16xf32> to vector<16xf32>
        %mul3A_639 = arith.mulf %gather3A_584, %get3A_638 : vector<16xf32>
        %add3A_640 = arith.addf %add3A_568, %mul3A_639 : vector<16xf32>
        %get3A_641 = arith.constant 1 : i32
        %get3A_642 = arith.index_cast %get3A_641 : i32 to index
        %get3A_643 = arith.index_cast %add3A_580 : i32 to index
        %get3A_644 = arith.constant 112 : index
        %get3A_645 = tpu.vector_load %arg8[%get3A_642, %get3A_643, %get3A_644] {strides = array<i32>} : memref<2x256x128xf32, #tpu.memory_space<vmem>>, vector<1x1x16xf32>,
        %get3A_646 = vector.shape_cast %get3A_645 : vector<1x1x16xf32> to vector<16xf32>
        %mul3A_647 = arith.mulf %gather3A_584, %get3A_646 : vector<16xf32>
        %add3A_648 = arith.addf %add3A_576, %mul3A_647 : vector<16xf32>
        %mul3A_649 = arith.constant 16 : i32
        %mul3A_650 = arith.muli %scan3A_148, %mul3A_649 : i32
        %add3A_651 = arith.constant 7 : i32
        %add3A_652 = arith.addi %mul3A_650, %add3A_651 : i32
        %broadcast_in_dim3A_653 = arith.constant 7 : i32
        %broadcast_in_dim3A_654 = vector.broadcast %broadcast_in_dim3A_653 : i32 to vector<16x1xi32>
        %gather3A_655 = vector.shape_cast %broadcast_in_dim3A_654 : vector<16x1xi32> to vector<16xi32>
        %gather3A_656 = tpu.dynamic_gather %get3A_154[%gather3A_655] in [0] : vector<16xf32>, vector<16xi32> -> vector<16xf32>
        %get3A_657 = arith.constant 1 : i32
        %get3A_658 = arith.index_cast %get3A_657 : i32 to index
        %get3A_659 = arith.index_cast %add3A_652 : i32 to index
        %get3A_660 = arith.constant 0 : index
        %get3A_661 = tpu.vector_load %arg8[%get3A_658, %get3A_659, %get3A_660] {strides = array<i32>} : memref<2x256x128xf32, #tpu.memory_space<vmem>>, vector<1x1x16xf32>,
        %get3A_662 = vector.shape_cast %get3A_661 : vector<1x1x16xf32> to vector<16xf32>
        %mul3A_663 = arith.mulf %gather3A_656, %get3A_662 : vector<16xf32>
        %add3A_664 = arith.addf %add3A_592, %mul3A_663 : vector<16xf32>
        %get3A_665 = arith.constant 1 : i32
        %get3A_666 = arith.index_cast %get3A_665 : i32 to index
        %get3A_667 = arith.index_cast %add3A_652 : i32 to index
        %get3A_668 = arith.constant 16 : index
        %get3A_669 = tpu.vector_load %arg8[%get3A_666, %get3A_667, %get3A_668] {strides = array<i32>} : memref<2x256x128xf32, #tpu.memory_space<vmem>>, vector<1x1x16xf32>,
        %get3A_670 = vector.shape_cast %get3A_669 : vector<1x1x16xf32> to vector<16xf32>
        %mul3A_671 = arith.mulf %gather3A_656, %get3A_670 : vector<16xf32>
        %add3A_672 = arith.addf %add3A_600, %mul3A_671 : vector<16xf32>
        %get3A_673 = arith.constant 1 : i32
        %get3A_674 = arith.index_cast %get3A_673 : i32 to index
        %get3A_675 = arith.index_cast %add3A_652 : i32 to index
        %get3A_676 = arith.constant 32 : index
        %get3A_677 = tpu.vector_load %arg8[%get3A_674, %get3A_675, %get3A_676] {strides = array<i32>} : memref<2x256x128xf32, #tpu.memory_space<vmem>>, vector<1x1x16xf32>,
        %get3A_678 = vector.shape_cast %get3A_677 : vector<1x1x16xf32> to vector<16xf32>
        %mul3A_679 = arith.mulf %gather3A_656, %get3A_678 : vector<16xf32>
        %add3A_680 = arith.addf %add3A_608, %mul3A_679 : vector<16xf32>
        %get3A_681 = arith.constant 1 : i32
        %get3A_682 = arith.index_cast %get3A_681 : i32 to index
        %get3A_683 = arith.index_cast %add3A_652 : i32 to index
        %get3A_684 = arith.constant 48 : index
        %get3A_685 = tpu.vector_load %arg8[%get3A_682, %get3A_683, %get3A_684] {strides = array<i32>} : memref<2x256x128xf32, #tpu.memory_space<vmem>>, vector<1x1x16xf32>,
        %get3A_686 = vector.shape_cast %get3A_685 : vector<1x1x16xf32> to vector<16xf32>
        %mul3A_687 = arith.mulf %gather3A_656, %get3A_686 : vector<16xf32>
        %add3A_688 = arith.addf %add3A_616, %mul3A_687 : vector<16xf32>
        %get3A_689 = arith.constant 1 : i32
        %get3A_690 = arith.index_cast %get3A_689 : i32 to index
        %get3A_691 = arith.index_cast %add3A_652 : i32 to index
        %get3A_692 = arith.constant 64 : index
        %get3A_693 = tpu.vector_load %arg8[%get3A_690, %get3A_691, %get3A_692] {strides = array<i32>} : memref<2x256x128xf32, #tpu.memory_space<vmem>>, vector<1x1x16xf32>,
        %get3A_694 = vector.shape_cast %get3A_693 : vector<1x1x16xf32> to vector<16xf32>
        %mul3A_695 = arith.mulf %gather3A_656, %get3A_694 : vector<16xf32>
        %add3A_696 = arith.addf %add3A_624, %mul3A_695 : vector<16xf32>
        %get3A_697 = arith.constant 1 : i32
        %get3A_698 = arith.index_cast %get3A_697 : i32 to index
        %get3A_699 = arith.index_cast %add3A_652 : i32 to index
        %get3A_700 = arith.constant 80 : index
        %get3A_701 = tpu.vector_load %arg8[%get3A_698, %get3A_699, %get3A_700] {strides = array<i32>} : memref<2x256x128xf32, #tpu.memory_space<vmem>>, vector<1x1x16xf32>,
        %get3A_702 = vector.shape_cast %get3A_701 : vector<1x1x16xf32> to vector<16xf32>
        %mul3A_703 = arith.mulf %gather3A_656, %get3A_702 : vector<16xf32>
        %add3A_704 = arith.addf %add3A_632, %mul3A_703 : vector<16xf32>
        %get3A_705 = arith.constant 1 : i32
        %get3A_706 = arith.index_cast %get3A_705 : i32 to index
        %get3A_707 = arith.index_cast %add3A_652 : i32 to index
        %get3A_708 = arith.constant 96 : index
        %get3A_709 = tpu.vector_load %arg8[%get3A_706, %get3A_707, %get3A_708] {strides = array<i32>} : memref<2x256x128xf32, #tpu.memory_space<vmem>>, vector<1x1x16xf32>,
        %get3A_710 = vector.shape_cast %get3A_709 : vector<1x1x16xf32> to vector<16xf32>
        %mul3A_711 = arith.mulf %gather3A_656, %get3A_710 : vector<16xf32>
        %add3A_712 = arith.addf %add3A_640, %mul3A_711 : vector<16xf32>
        %get3A_713 = arith.constant 1 : i32
        %get3A_714 = arith.index_cast %get3A_713 : i32 to index
        %get3A_715 = arith.index_cast %add3A_652 : i32 to index
        %get3A_716 = arith.constant 112 : index
        %get3A_717 = tpu.vector_load %arg8[%get3A_714, %get3A_715, %get3A_716] {strides = array<i32>} : memref<2x256x128xf32, #tpu.memory_space<vmem>>, vector<1x1x16xf32>,
        %get3A_718 = vector.shape_cast %get3A_717 : vector<1x1x16xf32> to vector<16xf32>
        %mul3A_719 = arith.mulf %gather3A_656, %get3A_718 : vector<16xf32>
        %add3A_720 = arith.addf %add3A_648, %mul3A_719 : vector<16xf32>
        %mul3A_721 = arith.constant 16 : i32
        %mul3A_722 = arith.muli %scan3A_148, %mul3A_721 : i32
        %add3A_723 = arith.constant 8 : i32
        %add3A_724 = arith.addi %mul3A_722, %add3A_723 : i32
        %broadcast_in_dim3A_725 = arith.constant 8 : i32
        %broadcast_in_dim3A_726 = vector.broadcast %broadcast_in_dim3A_725 : i32 to vector<16x1xi32>
        %gather3A_727 = vector.shape_cast %broadcast_in_dim3A_726 : vector<16x1xi32> to vector<16xi32>
        %gather3A_728 = tpu.dynamic_gather %get3A_154[%gather3A_727] in [0] : vector<16xf32>, vector<16xi32> -> vector<16xf32>
        %get3A_729 = arith.constant 1 : i32
        %get3A_730 = arith.index_cast %get3A_729 : i32 to index
        %get3A_731 = arith.index_cast %add3A_724 : i32 to index
        %get3A_732 = arith.constant 0 : index
        %get3A_733 = tpu.vector_load %arg8[%get3A_730, %get3A_731, %get3A_732] {strides = array<i32>} : memref<2x256x128xf32, #tpu.memory_space<vmem>>, vector<1x1x16xf32>,
        %get3A_734 = vector.shape_cast %get3A_733 : vector<1x1x16xf32> to vector<16xf32>
        %mul3A_735 = arith.mulf %gather3A_728, %get3A_734 : vector<16xf32>
        %add3A_736 = arith.addf %add3A_664, %mul3A_735 : vector<16xf32>
        %get3A_737 = arith.constant 1 : i32
        %get3A_738 = arith.index_cast %get3A_737 : i32 to index
        %get3A_739 = arith.index_cast %add3A_724 : i32 to index
        %get3A_740 = arith.constant 16 : index
        %get3A_741 = tpu.vector_load %arg8[%get3A_738, %get3A_739, %get3A_740] {strides = array<i32>} : memref<2x256x128xf32, #tpu.memory_space<vmem>>, vector<1x1x16xf32>,
        %get3A_742 = vector.shape_cast %get3A_741 : vector<1x1x16xf32> to vector<16xf32>
        %mul3A_743 = arith.mulf %gather3A_728, %get3A_742 : vector<16xf32>
        %add3A_744 = arith.addf %add3A_672, %mul3A_743 : vector<16xf32>
        %get3A_745 = arith.constant 1 : i32
        %get3A_746 = arith.index_cast %get3A_745 : i32 to index
        %get3A_747 = arith.index_cast %add3A_724 : i32 to index
        %get3A_748 = arith.constant 32 : index
        %get3A_749 = tpu.vector_load %arg8[%get3A_746, %get3A_747, %get3A_748] {strides = array<i32>} : memref<2x256x128xf32, #tpu.memory_space<vmem>>, vector<1x1x16xf32>,
        %get3A_750 = vector.shape_cast %get3A_749 : vector<1x1x16xf32> to vector<16xf32>
        %mul3A_751 = arith.mulf %gather3A_728, %get3A_750 : vector<16xf32>
        %add3A_752 = arith.addf %add3A_680, %mul3A_751 : vector<16xf32>
        %get3A_753 = arith.constant 1 : i32
        %get3A_754 = arith.index_cast %get3A_753 : i32 to index
        %get3A_755 = arith.index_cast %add3A_724 : i32 to index
        %get3A_756 = arith.constant 48 : index
        %get3A_757 = tpu.vector_load %arg8[%get3A_754, %get3A_755, %get3A_756] {strides = array<i32>} : memref<2x256x128xf32, #tpu.memory_space<vmem>>, vector<1x1x16xf32>,
        %get3A_758 = vector.shape_cast %get3A_757 : vector<1x1x16xf32> to vector<16xf32>
        %mul3A_759 = arith.mulf %gather3A_728, %get3A_758 : vector<16xf32>
        %add3A_760 = arith.addf %add3A_688, %mul3A_759 : vector<16xf32>
        %get3A_761 = arith.constant 1 : i32
        %get3A_762 = arith.index_cast %get3A_761 : i32 to index
        %get3A_763 = arith.index_cast %add3A_724 : i32 to index
        %get3A_764 = arith.constant 64 : index
        %get3A_765 = tpu.vector_load %arg8[%get3A_762, %get3A_763, %get3A_764] {strides = array<i32>} : memref<2x256x128xf32, #tpu.memory_space<vmem>>, vector<1x1x16xf32>,
        %get3A_766 = vector.shape_cast %get3A_765 : vector<1x1x16xf32> to vector<16xf32>
        %mul3A_767 = arith.mulf %gather3A_728, %get3A_766 : vector<16xf32>
        %add3A_768 = arith.addf %add3A_696, %mul3A_767 : vector<16xf32>
        %get3A_769 = arith.constant 1 : i32
        %get3A_770 = arith.index_cast %get3A_769 : i32 to index
        %get3A_771 = arith.index_cast %add3A_724 : i32 to index
        %get3A_772 = arith.constant 80 : index
        %get3A_773 = tpu.vector_load %arg8[%get3A_770, %get3A_771, %get3A_772] {strides = array<i32>} : memref<2x256x128xf32, #tpu.memory_space<vmem>>, vector<1x1x16xf32>,
        %get3A_774 = vector.shape_cast %get3A_773 : vector<1x1x16xf32> to vector<16xf32>
        %mul3A_775 = arith.mulf %gather3A_728, %get3A_774 : vector<16xf32>
        %add3A_776 = arith.addf %add3A_704, %mul3A_775 : vector<16xf32>
        %get3A_777 = arith.constant 1 : i32
        %get3A_778 = arith.index_cast %get3A_777 : i32 to index
        %get3A_779 = arith.index_cast %add3A_724 : i32 to index
        %get3A_780 = arith.constant 96 : index
        %get3A_781 = tpu.vector_load %arg8[%get3A_778, %get3A_779, %get3A_780] {strides = array<i32>} : memref<2x256x128xf32, #tpu.memory_space<vmem>>, vector<1x1x16xf32>,
        %get3A_782 = vector.shape_cast %get3A_781 : vector<1x1x16xf32> to vector<16xf32>
        %mul3A_783 = arith.mulf %gather3A_728, %get3A_782 : vector<16xf32>
        %add3A_784 = arith.addf %add3A_712, %mul3A_783 : vector<16xf32>
        %get3A_785 = arith.constant 1 : i32
        %get3A_786 = arith.index_cast %get3A_785 : i32 to index
        %get3A_787 = arith.index_cast %add3A_724 : i32 to index
        %get3A_788 = arith.constant 112 : index
        %get3A_789 = tpu.vector_load %arg8[%get3A_786, %get3A_787, %get3A_788] {strides = array<i32>} : memref<2x256x128xf32, #tpu.memory_space<vmem>>, vector<1x1x16xf32>,
        %get3A_790 = vector.shape_cast %get3A_789 : vector<1x1x16xf32> to vector<16xf32>
        %mul3A_791 = arith.mulf %gather3A_728, %get3A_790 : vector<16xf32>
        %add3A_792 = arith.addf %add3A_720, %mul3A_791 : vector<16xf32>
        %mul3A_793 = arith.constant 16 : i32
        %mul3A_794 = arith.muli %scan3A_148, %mul3A_793 : i32
        %add3A_795 = arith.constant 9 : i32
        %add3A_796 = arith.addi %mul3A_794, %add3A_795 : i32
        %broadcast_in_dim3A_797 = arith.constant 9 : i32
        %broadcast_in_dim3A_798 = vector.broadcast %broadcast_in_dim3A_797 : i32 to vector<16x1xi32>
        %gather3A_799 = vector.shape_cast %broadcast_in_dim3A_798 : vector<16x1xi32> to vector<16xi32>
        %gather3A_800 = tpu.dynamic_gather %get3A_154[%gather3A_799] in [0] : vector<16xf32>, vector<16xi32> -> vector<16xf32>
        %get3A_801 = arith.constant 1 : i32
        %get3A_802 = arith.index_cast %get3A_801 : i32 to index
        %get3A_803 = arith.index_cast %add3A_796 : i32 to index
        %get3A_804 = arith.constant 0 : index
        %get3A_805 = tpu.vector_load %arg8[%get3A_802, %get3A_803, %get3A_804] {strides = array<i32>} : memref<2x256x128xf32, #tpu.memory_space<vmem>>, vector<1x1x16xf32>,
        %get3A_806 = vector.shape_cast %get3A_805 : vector<1x1x16xf32> to vector<16xf32>
        %mul3A_807 = arith.mulf %gather3A_800, %get3A_806 : vector<16xf32>
        %add3A_808 = arith.addf %add3A_736, %mul3A_807 : vector<16xf32>
        %get3A_809 = arith.constant 1 : i32
        %get3A_810 = arith.index_cast %get3A_809 : i32 to index
        %get3A_811 = arith.index_cast %add3A_796 : i32 to index
        %get3A_812 = arith.constant 16 : index
        %get3A_813 = tpu.vector_load %arg8[%get3A_810, %get3A_811, %get3A_812] {strides = array<i32>} : memref<2x256x128xf32, #tpu.memory_space<vmem>>, vector<1x1x16xf32>,
        %get3A_814 = vector.shape_cast %get3A_813 : vector<1x1x16xf32> to vector<16xf32>
        %mul3A_815 = arith.mulf %gather3A_800, %get3A_814 : vector<16xf32>
        %add3A_816 = arith.addf %add3A_744, %mul3A_815 : vector<16xf32>
        %get3A_817 = arith.constant 1 : i32
        %get3A_818 = arith.index_cast %get3A_817 : i32 to index
        %get3A_819 = arith.index_cast %add3A_796 : i32 to index
        %get3A_820 = arith.constant 32 : index
        %get3A_821 = tpu.vector_load %arg8[%get3A_818, %get3A_819, %get3A_820] {strides = array<i32>} : memref<2x256x128xf32, #tpu.memory_space<vmem>>, vector<1x1x16xf32>,
        %get3A_822 = vector.shape_cast %get3A_821 : vector<1x1x16xf32> to vector<16xf32>
        %mul3A_823 = arith.mulf %gather3A_800, %get3A_822 : vector<16xf32>
        %add3A_824 = arith.addf %add3A_752, %mul3A_823 : vector<16xf32>
        %get3A_825 = arith.constant 1 : i32
        %get3A_826 = arith.index_cast %get3A_825 : i32 to index
        %get3A_827 = arith.index_cast %add3A_796 : i32 to index
        %get3A_828 = arith.constant 48 : index
        %get3A_829 = tpu.vector_load %arg8[%get3A_826, %get3A_827, %get3A_828] {strides = array<i32>} : memref<2x256x128xf32, #tpu.memory_space<vmem>>, vector<1x1x16xf32>,
        %get3A_830 = vector.shape_cast %get3A_829 : vector<1x1x16xf32> to vector<16xf32>
        %mul3A_831 = arith.mulf %gather3A_800, %get3A_830 : vector<16xf32>
        %add3A_832 = arith.addf %add3A_760, %mul3A_831 : vector<16xf32>
        %get3A_833 = arith.constant 1 : i32
        %get3A_834 = arith.index_cast %get3A_833 : i32 to index
        %get3A_835 = arith.index_cast %add3A_796 : i32 to index
        %get3A_836 = arith.constant 64 : index
        %get3A_837 = tpu.vector_load %arg8[%get3A_834, %get3A_835, %get3A_836] {strides = array<i32>} : memref<2x256x128xf32, #tpu.memory_space<vmem>>, vector<1x1x16xf32>,
        %get3A_838 = vector.shape_cast %get3A_837 : vector<1x1x16xf32> to vector<16xf32>
        %mul3A_839 = arith.mulf %gather3A_800, %get3A_838 : vector<16xf32>
        %add3A_840 = arith.addf %add3A_768, %mul3A_839 : vector<16xf32>
        %get3A_841 = arith.constant 1 : i32
        %get3A_842 = arith.index_cast %get3A_841 : i32 to index
        %get3A_843 = arith.index_cast %add3A_796 : i32 to index
        %get3A_844 = arith.constant 80 : index
        %get3A_845 = tpu.vector_load %arg8[%get3A_842, %get3A_843, %get3A_844] {strides = array<i32>} : memref<2x256x128xf32, #tpu.memory_space<vmem>>, vector<1x1x16xf32>,
        %get3A_846 = vector.shape_cast %get3A_845 : vector<1x1x16xf32> to vector<16xf32>
        %mul3A_847 = arith.mulf %gather3A_800, %get3A_846 : vector<16xf32>
        %add3A_848 = arith.addf %add3A_776, %mul3A_847 : vector<16xf32>
        %get3A_849 = arith.constant 1 : i32
        %get3A_850 = arith.index_cast %get3A_849 : i32 to index
        %get3A_851 = arith.index_cast %add3A_796 : i32 to index
        %get3A_852 = arith.constant 96 : index
        %get3A_853 = tpu.vector_load %arg8[%get3A_850, %get3A_851, %get3A_852] {strides = array<i32>} : memref<2x256x128xf32, #tpu.memory_space<vmem>>, vector<1x1x16xf32>,
        %get3A_854 = vector.shape_cast %get3A_853 : vector<1x1x16xf32> to vector<16xf32>
        %mul3A_855 = arith.mulf %gather3A_800, %get3A_854 : vector<16xf32>
        %add3A_856 = arith.addf %add3A_784, %mul3A_855 : vector<16xf32>
        %get3A_857 = arith.constant 1 : i32
        %get3A_858 = arith.index_cast %get3A_857 : i32 to index
        %get3A_859 = arith.index_cast %add3A_796 : i32 to index
        %get3A_860 = arith.constant 112 : index
        %get3A_861 = tpu.vector_load %arg8[%get3A_858, %get3A_859, %get3A_860] {strides = array<i32>} : memref<2x256x128xf32, #tpu.memory_space<vmem>>, vector<1x1x16xf32>,
        %get3A_862 = vector.shape_cast %get3A_861 : vector<1x1x16xf32> to vector<16xf32>
        %mul3A_863 = arith.mulf %gather3A_800, %get3A_862 : vector<16xf32>
        %add3A_864 = arith.addf %add3A_792, %mul3A_863 : vector<16xf32>
        %mul3A_865 = arith.constant 16 : i32
        %mul3A_866 = arith.muli %scan3A_148, %mul3A_865 : i32
        %add3A_867 = arith.constant 10 : i32
        %add3A_868 = arith.addi %mul3A_866, %add3A_867 : i32
        %broadcast_in_dim3A_869 = arith.constant 10 : i32
        %broadcast_in_dim3A_870 = vector.broadcast %broadcast_in_dim3A_869 : i32 to vector<16x1xi32>
        %gather3A_871 = vector.shape_cast %broadcast_in_dim3A_870 : vector<16x1xi32> to vector<16xi32>
        %gather3A_872 = tpu.dynamic_gather %get3A_154[%gather3A_871] in [0] : vector<16xf32>, vector<16xi32> -> vector<16xf32>
        %get3A_873 = arith.constant 1 : i32
        %get3A_874 = arith.index_cast %get3A_873 : i32 to index
        %get3A_875 = arith.index_cast %add3A_868 : i32 to index
        %get3A_876 = arith.constant 0 : index
        %get3A_877 = tpu.vector_load %arg8[%get3A_874, %get3A_875, %get3A_876] {strides = array<i32>} : memref<2x256x128xf32, #tpu.memory_space<vmem>>, vector<1x1x16xf32>,
        %get3A_878 = vector.shape_cast %get3A_877 : vector<1x1x16xf32> to vector<16xf32>
        %mul3A_879 = arith.mulf %gather3A_872, %get3A_878 : vector<16xf32>
        %add3A_880 = arith.addf %add3A_808, %mul3A_879 : vector<16xf32>
        %get3A_881 = arith.constant 1 : i32
        %get3A_882 = arith.index_cast %get3A_881 : i32 to index
        %get3A_883 = arith.index_cast %add3A_868 : i32 to index
        %get3A_884 = arith.constant 16 : index
        %get3A_885 = tpu.vector_load %arg8[%get3A_882, %get3A_883, %get3A_884] {strides = array<i32>} : memref<2x256x128xf32, #tpu.memory_space<vmem>>, vector<1x1x16xf32>,
        %get3A_886 = vector.shape_cast %get3A_885 : vector<1x1x16xf32> to vector<16xf32>
        %mul3A_887 = arith.mulf %gather3A_872, %get3A_886 : vector<16xf32>
        %add3A_888 = arith.addf %add3A_816, %mul3A_887 : vector<16xf32>
        %get3A_889 = arith.constant 1 : i32
        %get3A_890 = arith.index_cast %get3A_889 : i32 to index
        %get3A_891 = arith.index_cast %add3A_868 : i32 to index
        %get3A_892 = arith.constant 32 : index
        %get3A_893 = tpu.vector_load %arg8[%get3A_890, %get3A_891, %get3A_892] {strides = array<i32>} : memref<2x256x128xf32, #tpu.memory_space<vmem>>, vector<1x1x16xf32>,
        %get3A_894 = vector.shape_cast %get3A_893 : vector<1x1x16xf32> to vector<16xf32>
        %mul3A_895 = arith.mulf %gather3A_872, %get3A_894 : vector<16xf32>
        %add3A_896 = arith.addf %add3A_824, %mul3A_895 : vector<16xf32>
        %get3A_897 = arith.constant 1 : i32
        %get3A_898 = arith.index_cast %get3A_897 : i32 to index
        %get3A_899 = arith.index_cast %add3A_868 : i32 to index
        %get3A_900 = arith.constant 48 : index
        %get3A_901 = tpu.vector_load %arg8[%get3A_898, %get3A_899, %get3A_900] {strides = array<i32>} : memref<2x256x128xf32, #tpu.memory_space<vmem>>, vector<1x1x16xf32>,
        %get3A_902 = vector.shape_cast %get3A_901 : vector<1x1x16xf32> to vector<16xf32>
        %mul3A_903 = arith.mulf %gather3A_872, %get3A_902 : vector<16xf32>
        %add3A_904 = arith.addf %add3A_832, %mul3A_903 : vector<16xf32>
        %get3A_905 = arith.constant 1 : i32
        %get3A_906 = arith.index_cast %get3A_905 : i32 to index
        %get3A_907 = arith.index_cast %add3A_868 : i32 to index
        %get3A_908 = arith.constant 64 : index
        %get3A_909 = tpu.vector_load %arg8[%get3A_906, %get3A_907, %get3A_908] {strides = array<i32>} : memref<2x256x128xf32, #tpu.memory_space<vmem>>, vector<1x1x16xf32>,
        %get3A_910 = vector.shape_cast %get3A_909 : vector<1x1x16xf32> to vector<16xf32>
        %mul3A_911 = arith.mulf %gather3A_872, %get3A_910 : vector<16xf32>
        %add3A_912 = arith.addf %add3A_840, %mul3A_911 : vector<16xf32>
        %get3A_913 = arith.constant 1 : i32
        %get3A_914 = arith.index_cast %get3A_913 : i32 to index
        %get3A_915 = arith.index_cast %add3A_868 : i32 to index
        %get3A_916 = arith.constant 80 : index
        %get3A_917 = tpu.vector_load %arg8[%get3A_914, %get3A_915, %get3A_916] {strides = array<i32>} : memref<2x256x128xf32, #tpu.memory_space<vmem>>, vector<1x1x16xf32>,
        %get3A_918 = vector.shape_cast %get3A_917 : vector<1x1x16xf32> to vector<16xf32>
        %mul3A_919 = arith.mulf %gather3A_872, %get3A_918 : vector<16xf32>
        %add3A_920 = arith.addf %add3A_848, %mul3A_919 : vector<16xf32>
        %get3A_921 = arith.constant 1 : i32
        %get3A_922 = arith.index_cast %get3A_921 : i32 to index
        %get3A_923 = arith.index_cast %add3A_868 : i32 to index
        %get3A_924 = arith.constant 96 : index
        %get3A_925 = tpu.vector_load %arg8[%get3A_922, %get3A_923, %get3A_924] {strides = array<i32>} : memref<2x256x128xf32, #tpu.memory_space<vmem>>, vector<1x1x16xf32>,
        %get3A_926 = vector.shape_cast %get3A_925 : vector<1x1x16xf32> to vector<16xf32>
        %mul3A_927 = arith.mulf %gather3A_872, %get3A_926 : vector<16xf32>
        %add3A_928 = arith.addf %add3A_856, %mul3A_927 : vector<16xf32>
        %get3A_929 = arith.constant 1 : i32
        %get3A_930 = arith.index_cast %get3A_929 : i32 to index
        %get3A_931 = arith.index_cast %add3A_868 : i32 to index
        %get3A_932 = arith.constant 112 : index
        %get3A_933 = tpu.vector_load %arg8[%get3A_930, %get3A_931, %get3A_932] {strides = array<i32>} : memref<2x256x128xf32, #tpu.memory_space<vmem>>, vector<1x1x16xf32>,
        %get3A_934 = vector.shape_cast %get3A_933 : vector<1x1x16xf32> to vector<16xf32>
        %mul3A_935 = arith.mulf %gather3A_872, %get3A_934 : vector<16xf32>
        %add3A_936 = arith.addf %add3A_864, %mul3A_935 : vector<16xf32>
        %mul3A_937 = arith.constant 16 : i32
        %mul3A_938 = arith.muli %scan3A_148, %mul3A_937 : i32
        %add3A_939 = arith.constant 11 : i32
        %add3A_940 = arith.addi %mul3A_938, %add3A_939 : i32
        %broadcast_in_dim3A_941 = arith.constant 11 : i32
        %broadcast_in_dim3A_942 = vector.broadcast %broadcast_in_dim3A_941 : i32 to vector<16x1xi32>
        %gather3A_943 = vector.shape_cast %broadcast_in_dim3A_942 : vector<16x1xi32> to vector<16xi32>
        %gather3A_944 = tpu.dynamic_gather %get3A_154[%gather3A_943] in [0] : vector<16xf32>, vector<16xi32> -> vector<16xf32>
        %get3A_945 = arith.constant 1 : i32
        %get3A_946 = arith.index_cast %get3A_945 : i32 to index
        %get3A_947 = arith.index_cast %add3A_940 : i32 to index
        %get3A_948 = arith.constant 0 : index
        %get3A_949 = tpu.vector_load %arg8[%get3A_946, %get3A_947, %get3A_948] {strides = array<i32>} : memref<2x256x128xf32, #tpu.memory_space<vmem>>, vector<1x1x16xf32>,
        %get3A_950 = vector.shape_cast %get3A_949 : vector<1x1x16xf32> to vector<16xf32>
        %mul3A_951 = arith.mulf %gather3A_944, %get3A_950 : vector<16xf32>
        %add3A_952 = arith.addf %add3A_880, %mul3A_951 : vector<16xf32>
        %get3A_953 = arith.constant 1 : i32
        %get3A_954 = arith.index_cast %get3A_953 : i32 to index
        %get3A_955 = arith.index_cast %add3A_940 : i32 to index
        %get3A_956 = arith.constant 16 : index
        %get3A_957 = tpu.vector_load %arg8[%get3A_954, %get3A_955, %get3A_956] {strides = array<i32>} : memref<2x256x128xf32, #tpu.memory_space<vmem>>, vector<1x1x16xf32>,
        %get3A_958 = vector.shape_cast %get3A_957 : vector<1x1x16xf32> to vector<16xf32>
        %mul3A_959 = arith.mulf %gather3A_944, %get3A_958 : vector<16xf32>
        %add3A_960 = arith.addf %add3A_888, %mul3A_959 : vector<16xf32>
        %get3A_961 = arith.constant 1 : i32
        %get3A_962 = arith.index_cast %get3A_961 : i32 to index
        %get3A_963 = arith.index_cast %add3A_940 : i32 to index
        %get3A_964 = arith.constant 32 : index
        %get3A_965 = tpu.vector_load %arg8[%get3A_962, %get3A_963, %get3A_964] {strides = array<i32>} : memref<2x256x128xf32, #tpu.memory_space<vmem>>, vector<1x1x16xf32>,
        %get3A_966 = vector.shape_cast %get3A_965 : vector<1x1x16xf32> to vector<16xf32>
        %mul3A_967 = arith.mulf %gather3A_944, %get3A_966 : vector<16xf32>
        %add3A_968 = arith.addf %add3A_896, %mul3A_967 : vector<16xf32>
        %get3A_969 = arith.constant 1 : i32
        %get3A_970 = arith.index_cast %get3A_969 : i32 to index
        %get3A_971 = arith.index_cast %add3A_940 : i32 to index
        %get3A_972 = arith.constant 48 : index
        %get3A_973 = tpu.vector_load %arg8[%get3A_970, %get3A_971, %get3A_972] {strides = array<i32>} : memref<2x256x128xf32, #tpu.memory_space<vmem>>, vector<1x1x16xf32>,
        %get3A_974 = vector.shape_cast %get3A_973 : vector<1x1x16xf32> to vector<16xf32>
        %mul3A_975 = arith.mulf %gather3A_944, %get3A_974 : vector<16xf32>
        %add3A_976 = arith.addf %add3A_904, %mul3A_975 : vector<16xf32>
        %get3A_977 = arith.constant 1 : i32
        %get3A_978 = arith.index_cast %get3A_977 : i32 to index
        %get3A_979 = arith.index_cast %add3A_940 : i32 to index
        %get3A_980 = arith.constant 64 : index
        %get3A_981 = tpu.vector_load %arg8[%get3A_978, %get3A_979, %get3A_980] {strides = array<i32>} : memref<2x256x128xf32, #tpu.memory_space<vmem>>, vector<1x1x16xf32>,
        %get3A_982 = vector.shape_cast %get3A_981 : vector<1x1x16xf32> to vector<16xf32>
        %mul3A_983 = arith.mulf %gather3A_944, %get3A_982 : vector<16xf32>
        %add3A_984 = arith.addf %add3A_912, %mul3A_983 : vector<16xf32>
        %get3A_985 = arith.constant 1 : i32
        %get3A_986 = arith.index_cast %get3A_985 : i32 to index
        %get3A_987 = arith.index_cast %add3A_940 : i32 to index
        %get3A_988 = arith.constant 80 : index
        %get3A_989 = tpu.vector_load %arg8[%get3A_986, %get3A_987, %get3A_988] {strides = array<i32>} : memref<2x256x128xf32, #tpu.memory_space<vmem>>, vector<1x1x16xf32>,
        %get3A_990 = vector.shape_cast %get3A_989 : vector<1x1x16xf32> to vector<16xf32>
        %mul3A_991 = arith.mulf %gather3A_944, %get3A_990 : vector<16xf32>
        %add3A_992 = arith.addf %add3A_920, %mul3A_991 : vector<16xf32>
        %get3A_993 = arith.constant 1 : i32
        %get3A_994 = arith.index_cast %get3A_993 : i32 to index
        %get3A_995 = arith.index_cast %add3A_940 : i32 to index
        %get3A_996 = arith.constant 96 : index
        %get3A_997 = tpu.vector_load %arg8[%get3A_994, %get3A_995, %get3A_996] {strides = array<i32>} : memref<2x256x128xf32, #tpu.memory_space<vmem>>, vector<1x1x16xf32>,
        %get3A_998 = vector.shape_cast %get3A_997 : vector<1x1x16xf32> to vector<16xf32>
        %mul3A_999 = arith.mulf %gather3A_944, %get3A_998 : vector<16xf32>
        %add3A_1000 = arith.addf %add3A_928, %mul3A_999 : vector<16xf32>
        %get3A_1001 = arith.constant 1 : i32
        %get3A_1002 = arith.index_cast %get3A_1001 : i32 to index
        %get3A_1003 = arith.index_cast %add3A_940 : i32 to index
        %get3A_1004 = arith.constant 112 : index
        %get3A_1005 = tpu.vector_load %arg8[%get3A_1002, %get3A_1003, %get3A_1004] {strides = array<i32>} : memref<2x256x128xf32, #tpu.memory_space<vmem>>, vector<1x1x16xf32>,
        %get3A_1006 = vector.shape_cast %get3A_1005 : vector<1x1x16xf32> to vector<16xf32>
        %mul3A_1007 = arith.mulf %gather3A_944, %get3A_1006 : vector<16xf32>
        %add3A_1008 = arith.addf %add3A_936, %mul3A_1007 : vector<16xf32>
        %mul3A_1009 = arith.constant 16 : i32
        %mul3A_1010 = arith.muli %scan3A_148, %mul3A_1009 : i32
        %add3A_1011 = arith.constant 12 : i32
        %add3A_1012 = arith.addi %mul3A_1010, %add3A_1011 : i32
        %broadcast_in_dim3A_1013 = arith.constant 12 : i32
        %broadcast_in_dim3A_1014 = vector.broadcast %broadcast_in_dim3A_1013 : i32 to vector<16x1xi32>
        %gather3A_1015 = vector.shape_cast %broadcast_in_dim3A_1014 : vector<16x1xi32> to vector<16xi32>
        %gather3A_1016 = tpu.dynamic_gather %get3A_154[%gather3A_1015] in [0] : vector<16xf32>, vector<16xi32> -> vector<16xf32>
        %get3A_1017 = arith.constant 1 : i32
        %get3A_1018 = arith.index_cast %get3A_1017 : i32 to index
        %get3A_1019 = arith.index_cast %add3A_1012 : i32 to index
        %get3A_1020 = arith.constant 0 : index
        %get3A_1021 = tpu.vector_load %arg8[%get3A_1018, %get3A_1019, %get3A_1020] {strides = array<i32>} : memref<2x256x128xf32, #tpu.memory_space<vmem>>, vector<1x1x16xf32>,
        %get3A_1022 = vector.shape_cast %get3A_1021 : vector<1x1x16xf32> to vector<16xf32>
        %mul3A_1023 = arith.mulf %gather3A_1016, %get3A_1022 : vector<16xf32>
        %add3A_1024 = arith.addf %add3A_952, %mul3A_1023 : vector<16xf32>
        %get3A_1025 = arith.constant 1 : i32
        %get3A_1026 = arith.index_cast %get3A_1025 : i32 to index
        %get3A_1027 = arith.index_cast %add3A_1012 : i32 to index
        %get3A_1028 = arith.constant 16 : index
        %get3A_1029 = tpu.vector_load %arg8[%get3A_1026, %get3A_1027, %get3A_1028] {strides = array<i32>} : memref<2x256x128xf32, #tpu.memory_space<vmem>>, vector<1x1x16xf32>,
        %get3A_1030 = vector.shape_cast %get3A_1029 : vector<1x1x16xf32> to vector<16xf32>
        %mul3A_1031 = arith.mulf %gather3A_1016, %get3A_1030 : vector<16xf32>
        %add3A_1032 = arith.addf %add3A_960, %mul3A_1031 : vector<16xf32>
        %get3A_1033 = arith.constant 1 : i32
        %get3A_1034 = arith.index_cast %get3A_1033 : i32 to index
        %get3A_1035 = arith.index_cast %add3A_1012 : i32 to index
        %get3A_1036 = arith.constant 32 : index
        %get3A_1037 = tpu.vector_load %arg8[%get3A_1034, %get3A_1035, %get3A_1036] {strides = array<i32>} : memref<2x256x128xf32, #tpu.memory_space<vmem>>, vector<1x1x16xf32>,
        %get3A_1038 = vector.shape_cast %get3A_1037 : vector<1x1x16xf32> to vector<16xf32>
        %mul3A_1039 = arith.mulf %gather3A_1016, %get3A_1038 : vector<16xf32>
        %add3A_1040 = arith.addf %add3A_968, %mul3A_1039 : vector<16xf32>
        %get3A_1041 = arith.constant 1 : i32
        %get3A_1042 = arith.index_cast %get3A_1041 : i32 to index
        %get3A_1043 = arith.index_cast %add3A_1012 : i32 to index
        %get3A_1044 = arith.constant 48 : index
        %get3A_1045 = tpu.vector_load %arg8[%get3A_1042, %get3A_1043, %get3A_1044] {strides = array<i32>} : memref<2x256x128xf32, #tpu.memory_space<vmem>>, vector<1x1x16xf32>,
        %get3A_1046 = vector.shape_cast %get3A_1045 : vector<1x1x16xf32> to vector<16xf32>
        %mul3A_1047 = arith.mulf %gather3A_1016, %get3A_1046 : vector<16xf32>
        %add3A_1048 = arith.addf %add3A_976, %mul3A_1047 : vector<16xf32>
        %get3A_1049 = arith.constant 1 : i32
        %get3A_1050 = arith.index_cast %get3A_1049 : i32 to index
        %get3A_1051 = arith.index_cast %add3A_1012 : i32 to index
        %get3A_1052 = arith.constant 64 : index
        %get3A_1053 = tpu.vector_load %arg8[%get3A_1050, %get3A_1051, %get3A_1052] {strides = array<i32>} : memref<2x256x128xf32, #tpu.memory_space<vmem>>, vector<1x1x16xf32>,
        %get3A_1054 = vector.shape_cast %get3A_1053 : vector<1x1x16xf32> to vector<16xf32>
        %mul3A_1055 = arith.mulf %gather3A_1016, %get3A_1054 : vector<16xf32>
        %add3A_1056 = arith.addf %add3A_984, %mul3A_1055 : vector<16xf32>
        %get3A_1057 = arith.constant 1 : i32
        %get3A_1058 = arith.index_cast %get3A_1057 : i32 to index
        %get3A_1059 = arith.index_cast %add3A_1012 : i32 to index
        %get3A_1060 = arith.constant 80 : index
        %get3A_1061 = tpu.vector_load %arg8[%get3A_1058, %get3A_1059, %get3A_1060] {strides = array<i32>} : memref<2x256x128xf32, #tpu.memory_space<vmem>>, vector<1x1x16xf32>,
        %get3A_1062 = vector.shape_cast %get3A_1061 : vector<1x1x16xf32> to vector<16xf32>
        %mul3A_1063 = arith.mulf %gather3A_1016, %get3A_1062 : vector<16xf32>
        %add3A_1064 = arith.addf %add3A_992, %mul3A_1063 : vector<16xf32>
        %get3A_1065 = arith.constant 1 : i32
        %get3A_1066 = arith.index_cast %get3A_1065 : i32 to index
        %get3A_1067 = arith.index_cast %add3A_1012 : i32 to index
        %get3A_1068 = arith.constant 96 : index
        %get3A_1069 = tpu.vector_load %arg8[%get3A_1066, %get3A_1067, %get3A_1068] {strides = array<i32>} : memref<2x256x128xf32, #tpu.memory_space<vmem>>, vector<1x1x16xf32>,
        %get3A_1070 = vector.shape_cast %get3A_1069 : vector<1x1x16xf32> to vector<16xf32>
        %mul3A_1071 = arith.mulf %gather3A_1016, %get3A_1070 : vector<16xf32>
        %add3A_1072 = arith.addf %add3A_1000, %mul3A_1071 : vector<16xf32>
        %get3A_1073 = arith.constant 1 : i32
        %get3A_1074 = arith.index_cast %get3A_1073 : i32 to index
        %get3A_1075 = arith.index_cast %add3A_1012 : i32 to index
        %get3A_1076 = arith.constant 112 : index
        %get3A_1077 = tpu.vector_load %arg8[%get3A_1074, %get3A_1075, %get3A_1076] {strides = array<i32>} : memref<2x256x128xf32, #tpu.memory_space<vmem>>, vector<1x1x16xf32>,
        %get3A_1078 = vector.shape_cast %get3A_1077 : vector<1x1x16xf32> to vector<16xf32>
        %mul3A_1079 = arith.mulf %gather3A_1016, %get3A_1078 : vector<16xf32>
        %add3A_1080 = arith.addf %add3A_1008, %mul3A_1079 : vector<16xf32>
        %mul3A_1081 = arith.constant 16 : i32
        %mul3A_1082 = arith.muli %scan3A_148, %mul3A_1081 : i32
        %add3A_1083 = arith.constant 13 : i32
        %add3A_1084 = arith.addi %mul3A_1082, %add3A_1083 : i32
        %broadcast_in_dim3A_1085 = arith.constant 13 : i32
        %broadcast_in_dim3A_1086 = vector.broadcast %broadcast_in_dim3A_1085 : i32 to vector<16x1xi32>
        %gather3A_1087 = vector.shape_cast %broadcast_in_dim3A_1086 : vector<16x1xi32> to vector<16xi32>
        %gather3A_1088 = tpu.dynamic_gather %get3A_154[%gather3A_1087] in [0] : vector<16xf32>, vector<16xi32> -> vector<16xf32>
        %get3A_1089 = arith.constant 1 : i32
        %get3A_1090 = arith.index_cast %get3A_1089 : i32 to index
        %get3A_1091 = arith.index_cast %add3A_1084 : i32 to index
        %get3A_1092 = arith.constant 0 : index
        %get3A_1093 = tpu.vector_load %arg8[%get3A_1090, %get3A_1091, %get3A_1092] {strides = array<i32>} : memref<2x256x128xf32, #tpu.memory_space<vmem>>, vector<1x1x16xf32>,
        %get3A_1094 = vector.shape_cast %get3A_1093 : vector<1x1x16xf32> to vector<16xf32>
        %mul3A_1095 = arith.mulf %gather3A_1088, %get3A_1094 : vector<16xf32>
        %add3A_1096 = arith.addf %add3A_1024, %mul3A_1095 : vector<16xf32>
        %get3A_1097 = arith.constant 1 : i32
        %get3A_1098 = arith.index_cast %get3A_1097 : i32 to index
        %get3A_1099 = arith.index_cast %add3A_1084 : i32 to index
        %get3A_1100 = arith.constant 16 : index
        %get3A_1101 = tpu.vector_load %arg8[%get3A_1098, %get3A_1099, %get3A_1100] {strides = array<i32>} : memref<2x256x128xf32, #tpu.memory_space<vmem>>, vector<1x1x16xf32>,
        %get3A_1102 = vector.shape_cast %get3A_1101 : vector<1x1x16xf32> to vector<16xf32>
        %mul3A_1103 = arith.mulf %gather3A_1088, %get3A_1102 : vector<16xf32>
        %add3A_1104 = arith.addf %add3A_1032, %mul3A_1103 : vector<16xf32>
        %get3A_1105 = arith.constant 1 : i32
        %get3A_1106 = arith.index_cast %get3A_1105 : i32 to index
        %get3A_1107 = arith.index_cast %add3A_1084 : i32 to index
        %get3A_1108 = arith.constant 32 : index
        %get3A_1109 = tpu.vector_load %arg8[%get3A_1106, %get3A_1107, %get3A_1108] {strides = array<i32>} : memref<2x256x128xf32, #tpu.memory_space<vmem>>, vector<1x1x16xf32>,
        %get3A_1110 = vector.shape_cast %get3A_1109 : vector<1x1x16xf32> to vector<16xf32>
        %mul3A_1111 = arith.mulf %gather3A_1088, %get3A_1110 : vector<16xf32>
        %add3A_1112 = arith.addf %add3A_1040, %mul3A_1111 : vector<16xf32>
        %get3A_1113 = arith.constant 1 : i32
        %get3A_1114 = arith.index_cast %get3A_1113 : i32 to index
        %get3A_1115 = arith.index_cast %add3A_1084 : i32 to index
        %get3A_1116 = arith.constant 48 : index
        %get3A_1117 = tpu.vector_load %arg8[%get3A_1114, %get3A_1115, %get3A_1116] {strides = array<i32>} : memref<2x256x128xf32, #tpu.memory_space<vmem>>, vector<1x1x16xf32>,
        %get3A_1118 = vector.shape_cast %get3A_1117 : vector<1x1x16xf32> to vector<16xf32>
        %mul3A_1119 = arith.mulf %gather3A_1088, %get3A_1118 : vector<16xf32>
        %add3A_1120 = arith.addf %add3A_1048, %mul3A_1119 : vector<16xf32>
        %get3A_1121 = arith.constant 1 : i32
        %get3A_1122 = arith.index_cast %get3A_1121 : i32 to index
        %get3A_1123 = arith.index_cast %add3A_1084 : i32 to index
        %get3A_1124 = arith.constant 64 : index
        %get3A_1125 = tpu.vector_load %arg8[%get3A_1122, %get3A_1123, %get3A_1124] {strides = array<i32>} : memref<2x256x128xf32, #tpu.memory_space<vmem>>, vector<1x1x16xf32>,
        %get3A_1126 = vector.shape_cast %get3A_1125 : vector<1x1x16xf32> to vector<16xf32>
        %mul3A_1127 = arith.mulf %gather3A_1088, %get3A_1126 : vector<16xf32>
        %add3A_1128 = arith.addf %add3A_1056, %mul3A_1127 : vector<16xf32>
        %get3A_1129 = arith.constant 1 : i32
        %get3A_1130 = arith.index_cast %get3A_1129 : i32 to index
        %get3A_1131 = arith.index_cast %add3A_1084 : i32 to index
        %get3A_1132 = arith.constant 80 : index
        %get3A_1133 = tpu.vector_load %arg8[%get3A_1130, %get3A_1131, %get3A_1132] {strides = array<i32>} : memref<2x256x128xf32, #tpu.memory_space<vmem>>, vector<1x1x16xf32>,
        %get3A_1134 = vector.shape_cast %get3A_1133 : vector<1x1x16xf32> to vector<16xf32>
        %mul3A_1135 = arith.mulf %gather3A_1088, %get3A_1134 : vector<16xf32>
        %add3A_1136 = arith.addf %add3A_1064, %mul3A_1135 : vector<16xf32>
        %get3A_1137 = arith.constant 1 : i32
        %get3A_1138 = arith.index_cast %get3A_1137 : i32 to index
        %get3A_1139 = arith.index_cast %add3A_1084 : i32 to index
        %get3A_1140 = arith.constant 96 : index
        %get3A_1141 = tpu.vector_load %arg8[%get3A_1138, %get3A_1139, %get3A_1140] {strides = array<i32>} : memref<2x256x128xf32, #tpu.memory_space<vmem>>, vector<1x1x16xf32>,
        %get3A_1142 = vector.shape_cast %get3A_1141 : vector<1x1x16xf32> to vector<16xf32>
        %mul3A_1143 = arith.mulf %gather3A_1088, %get3A_1142 : vector<16xf32>
        %add3A_1144 = arith.addf %add3A_1072, %mul3A_1143 : vector<16xf32>
        %get3A_1145 = arith.constant 1 : i32
        %get3A_1146 = arith.index_cast %get3A_1145 : i32 to index
        %get3A_1147 = arith.index_cast %add3A_1084 : i32 to index
        %get3A_1148 = arith.constant 112 : index
        %get3A_1149 = tpu.vector_load %arg8[%get3A_1146, %get3A_1147, %get3A_1148] {strides = array<i32>} : memref<2x256x128xf32, #tpu.memory_space<vmem>>, vector<1x1x16xf32>,
        %get3A_1150 = vector.shape_cast %get3A_1149 : vector<1x1x16xf32> to vector<16xf32>
        %mul3A_1151 = arith.mulf %gather3A_1088, %get3A_1150 : vector<16xf32>
        %add3A_1152 = arith.addf %add3A_1080, %mul3A_1151 : vector<16xf32>
        %mul3A_1153 = arith.constant 16 : i32
        %mul3A_1154 = arith.muli %scan3A_148, %mul3A_1153 : i32
        %add3A_1155 = arith.constant 14 : i32
        %add3A_1156 = arith.addi %mul3A_1154, %add3A_1155 : i32
        %broadcast_in_dim3A_1157 = arith.constant 14 : i32
        %broadcast_in_dim3A_1158 = vector.broadcast %broadcast_in_dim3A_1157 : i32 to vector<16x1xi32>
        %gather3A_1159 = vector.shape_cast %broadcast_in_dim3A_1158 : vector<16x1xi32> to vector<16xi32>
        %gather3A_1160 = tpu.dynamic_gather %get3A_154[%gather3A_1159] in [0] : vector<16xf32>, vector<16xi32> -> vector<16xf32>
        %get3A_1161 = arith.constant 1 : i32
        %get3A_1162 = arith.index_cast %get3A_1161 : i32 to index
        %get3A_1163 = arith.index_cast %add3A_1156 : i32 to index
        %get3A_1164 = arith.constant 0 : index
        %get3A_1165 = tpu.vector_load %arg8[%get3A_1162, %get3A_1163, %get3A_1164] {strides = array<i32>} : memref<2x256x128xf32, #tpu.memory_space<vmem>>, vector<1x1x16xf32>,
        %get3A_1166 = vector.shape_cast %get3A_1165 : vector<1x1x16xf32> to vector<16xf32>
        %mul3A_1167 = arith.mulf %gather3A_1160, %get3A_1166 : vector<16xf32>
        %add3A_1168 = arith.addf %add3A_1096, %mul3A_1167 : vector<16xf32>
        %get3A_1169 = arith.constant 1 : i32
        %get3A_1170 = arith.index_cast %get3A_1169 : i32 to index
        %get3A_1171 = arith.index_cast %add3A_1156 : i32 to index
        %get3A_1172 = arith.constant 16 : index
        %get3A_1173 = tpu.vector_load %arg8[%get3A_1170, %get3A_1171, %get3A_1172] {strides = array<i32>} : memref<2x256x128xf32, #tpu.memory_space<vmem>>, vector<1x1x16xf32>,
        %get3A_1174 = vector.shape_cast %get3A_1173 : vector<1x1x16xf32> to vector<16xf32>
        %mul3A_1175 = arith.mulf %gather3A_1160, %get3A_1174 : vector<16xf32>
        %add3A_1176 = arith.addf %add3A_1104, %mul3A_1175 : vector<16xf32>
        %get3A_1177 = arith.constant 1 : i32
        %get3A_1178 = arith.index_cast %get3A_1177 : i32 to index
        %get3A_1179 = arith.index_cast %add3A_1156 : i32 to index
        %get3A_1180 = arith.constant 32 : index
        %get3A_1181 = tpu.vector_load %arg8[%get3A_1178, %get3A_1179, %get3A_1180] {strides = array<i32>} : memref<2x256x128xf32, #tpu.memory_space<vmem>>, vector<1x1x16xf32>,
        %get3A_1182 = vector.shape_cast %get3A_1181 : vector<1x1x16xf32> to vector<16xf32>
        %mul3A_1183 = arith.mulf %gather3A_1160, %get3A_1182 : vector<16xf32>
        %add3A_1184 = arith.addf %add3A_1112, %mul3A_1183 : vector<16xf32>
        %get3A_1185 = arith.constant 1 : i32
        %get3A_1186 = arith.index_cast %get3A_1185 : i32 to index
        %get3A_1187 = arith.index_cast %add3A_1156 : i32 to index
        %get3A_1188 = arith.constant 48 : index
        %get3A_1189 = tpu.vector_load %arg8[%get3A_1186, %get3A_1187, %get3A_1188] {strides = array<i32>} : memref<2x256x128xf32, #tpu.memory_space<vmem>>, vector<1x1x16xf32>,
        %get3A_1190 = vector.shape_cast %get3A_1189 : vector<1x1x16xf32> to vector<16xf32>
        %mul3A_1191 = arith.mulf %gather3A_1160, %get3A_1190 : vector<16xf32>
        %add3A_1192 = arith.addf %add3A_1120, %mul3A_1191 : vector<16xf32>
        %get3A_1193 = arith.constant 1 : i32
        %get3A_1194 = arith.index_cast %get3A_1193 : i32 to index
        %get3A_1195 = arith.index_cast %add3A_1156 : i32 to index
        %get3A_1196 = arith.constant 64 : index
        %get3A_1197 = tpu.vector_load %arg8[%get3A_1194, %get3A_1195, %get3A_1196] {strides = array<i32>} : memref<2x256x128xf32, #tpu.memory_space<vmem>>, vector<1x1x16xf32>,
        %get3A_1198 = vector.shape_cast %get3A_1197 : vector<1x1x16xf32> to vector<16xf32>
        %mul3A_1199 = arith.mulf %gather3A_1160, %get3A_1198 : vector<16xf32>
        %add3A_1200 = arith.addf %add3A_1128, %mul3A_1199 : vector<16xf32>
        %get3A_1201 = arith.constant 1 : i32
        %get3A_1202 = arith.index_cast %get3A_1201 : i32 to index
        %get3A_1203 = arith.index_cast %add3A_1156 : i32 to index
        %get3A_1204 = arith.constant 80 : index
        %get3A_1205 = tpu.vector_load %arg8[%get3A_1202, %get3A_1203, %get3A_1204] {strides = array<i32>} : memref<2x256x128xf32, #tpu.memory_space<vmem>>, vector<1x1x16xf32>,
        %get3A_1206 = vector.shape_cast %get3A_1205 : vector<1x1x16xf32> to vector<16xf32>
        %mul3A_1207 = arith.mulf %gather3A_1160, %get3A_1206 : vector<16xf32>
        %add3A_1208 = arith.addf %add3A_1136, %mul3A_1207 : vector<16xf32>
        %get3A_1209 = arith.constant 1 : i32
        %get3A_1210 = arith.index_cast %get3A_1209 : i32 to index
        %get3A_1211 = arith.index_cast %add3A_1156 : i32 to index
        %get3A_1212 = arith.constant 96 : index
        %get3A_1213 = tpu.vector_load %arg8[%get3A_1210, %get3A_1211, %get3A_1212] {strides = array<i32>} : memref<2x256x128xf32, #tpu.memory_space<vmem>>, vector<1x1x16xf32>,
        %get3A_1214 = vector.shape_cast %get3A_1213 : vector<1x1x16xf32> to vector<16xf32>
        %mul3A_1215 = arith.mulf %gather3A_1160, %get3A_1214 : vector<16xf32>
        %add3A_1216 = arith.addf %add3A_1144, %mul3A_1215 : vector<16xf32>
        %get3A_1217 = arith.constant 1 : i32
        %get3A_1218 = arith.index_cast %get3A_1217 : i32 to index
        %get3A_1219 = arith.index_cast %add3A_1156 : i32 to index
        %get3A_1220 = arith.constant 112 : index
        %get3A_1221 = tpu.vector_load %arg8[%get3A_1218, %get3A_1219, %get3A_1220] {strides = array<i32>} : memref<2x256x128xf32, #tpu.memory_space<vmem>>, vector<1x1x16xf32>,
        %get3A_1222 = vector.shape_cast %get3A_1221 : vector<1x1x16xf32> to vector<16xf32>
        %mul3A_1223 = arith.mulf %gather3A_1160, %get3A_1222 : vector<16xf32>
        %add3A_1224 = arith.addf %add3A_1152, %mul3A_1223 : vector<16xf32>
        %mul3A_1225 = arith.constant 16 : i32
        %mul3A_1226 = arith.muli %scan3A_148, %mul3A_1225 : i32
        %add3A_1227 = arith.constant 15 : i32
        %add3A_1228 = arith.addi %mul3A_1226, %add3A_1227 : i32
        %broadcast_in_dim3A_1229 = arith.constant 15 : i32
        %broadcast_in_dim3A_1230 = vector.broadcast %broadcast_in_dim3A_1229 : i32 to vector<16x1xi32>
        %gather3A_1231 = vector.shape_cast %broadcast_in_dim3A_1230 : vector<16x1xi32> to vector<16xi32>
        %gather3A_1232 = tpu.dynamic_gather %get3A_154[%gather3A_1231] in [0] : vector<16xf32>, vector<16xi32> -> vector<16xf32>
        %get3A_1233 = arith.constant 1 : i32
        %get3A_1234 = arith.index_cast %get3A_1233 : i32 to index
        %get3A_1235 = arith.index_cast %add3A_1228 : i32 to index
        %get3A_1236 = arith.constant 0 : index
        %get3A_1237 = tpu.vector_load %arg8[%get3A_1234, %get3A_1235, %get3A_1236] {strides = array<i32>} : memref<2x256x128xf32, #tpu.memory_space<vmem>>, vector<1x1x16xf32>,
        %get3A_1238 = vector.shape_cast %get3A_1237 : vector<1x1x16xf32> to vector<16xf32>
        %mul3A_1239 = arith.mulf %gather3A_1232, %get3A_1238 : vector<16xf32>
        %add3A_1240 = arith.addf %add3A_1168, %mul3A_1239 : vector<16xf32>
        %get3A_1241 = arith.constant 1 : i32
        %get3A_1242 = arith.index_cast %get3A_1241 : i32 to index
        %get3A_1243 = arith.index_cast %add3A_1228 : i32 to index
        %get3A_1244 = arith.constant 16 : index
        %get3A_1245 = tpu.vector_load %arg8[%get3A_1242, %get3A_1243, %get3A_1244] {strides = array<i32>} : memref<2x256x128xf32, #tpu.memory_space<vmem>>, vector<1x1x16xf32>,
        %get3A_1246 = vector.shape_cast %get3A_1245 : vector<1x1x16xf32> to vector<16xf32>
        %mul3A_1247 = arith.mulf %gather3A_1232, %get3A_1246 : vector<16xf32>
        %add3A_1248 = arith.addf %add3A_1176, %mul3A_1247 : vector<16xf32>
        %get3A_1249 = arith.constant 1 : i32
        %get3A_1250 = arith.index_cast %get3A_1249 : i32 to index
        %get3A_1251 = arith.index_cast %add3A_1228 : i32 to index
        %get3A_1252 = arith.constant 32 : index
        %get3A_1253 = tpu.vector_load %arg8[%get3A_1250, %get3A_1251, %get3A_1252] {strides = array<i32>} : memref<2x256x128xf32, #tpu.memory_space<vmem>>, vector<1x1x16xf32>,
        %get3A_1254 = vector.shape_cast %get3A_1253 : vector<1x1x16xf32> to vector<16xf32>
        %mul3A_1255 = arith.mulf %gather3A_1232, %get3A_1254 : vector<16xf32>
        %add3A_1256 = arith.addf %add3A_1184, %mul3A_1255 : vector<16xf32>
        %get3A_1257 = arith.constant 1 : i32
        %get3A_1258 = arith.index_cast %get3A_1257 : i32 to index
        %get3A_1259 = arith.index_cast %add3A_1228 : i32 to index
        %get3A_1260 = arith.constant 48 : index
        %get3A_1261 = tpu.vector_load %arg8[%get3A_1258, %get3A_1259, %get3A_1260] {strides = array<i32>} : memref<2x256x128xf32, #tpu.memory_space<vmem>>, vector<1x1x16xf32>,
        %get3A_1262 = vector.shape_cast %get3A_1261 : vector<1x1x16xf32> to vector<16xf32>
        %mul3A_1263 = arith.mulf %gather3A_1232, %get3A_1262 : vector<16xf32>
        %add3A_1264 = arith.addf %add3A_1192, %mul3A_1263 : vector<16xf32>
        %get3A_1265 = arith.constant 1 : i32
        %get3A_1266 = arith.index_cast %get3A_1265 : i32 to index
        %get3A_1267 = arith.index_cast %add3A_1228 : i32 to index
        %get3A_1268 = arith.constant 64 : index
        %get3A_1269 = tpu.vector_load %arg8[%get3A_1266, %get3A_1267, %get3A_1268] {strides = array<i32>} : memref<2x256x128xf32, #tpu.memory_space<vmem>>, vector<1x1x16xf32>,
        %get3A_1270 = vector.shape_cast %get3A_1269 : vector<1x1x16xf32> to vector<16xf32>
        %mul3A_1271 = arith.mulf %gather3A_1232, %get3A_1270 : vector<16xf32>
        %add3A_1272 = arith.addf %add3A_1200, %mul3A_1271 : vector<16xf32>
        %get3A_1273 = arith.constant 1 : i32
        %get3A_1274 = arith.index_cast %get3A_1273 : i32 to index
        %get3A_1275 = arith.index_cast %add3A_1228 : i32 to index
        %get3A_1276 = arith.constant 80 : index
        %get3A_1277 = tpu.vector_load %arg8[%get3A_1274, %get3A_1275, %get3A_1276] {strides = array<i32>} : memref<2x256x128xf32, #tpu.memory_space<vmem>>, vector<1x1x16xf32>,
        %get3A_1278 = vector.shape_cast %get3A_1277 : vector<1x1x16xf32> to vector<16xf32>
        %mul3A_1279 = arith.mulf %gather3A_1232, %get3A_1278 : vector<16xf32>
        %add3A_1280 = arith.addf %add3A_1208, %mul3A_1279 : vector<16xf32>
        %get3A_1281 = arith.constant 1 : i32
        %get3A_1282 = arith.index_cast %get3A_1281 : i32 to index
        %get3A_1283 = arith.index_cast %add3A_1228 : i32 to index
        %get3A_1284 = arith.constant 96 : index
        %get3A_1285 = tpu.vector_load %arg8[%get3A_1282, %get3A_1283, %get3A_1284] {strides = array<i32>} : memref<2x256x128xf32, #tpu.memory_space<vmem>>, vector<1x1x16xf32>,
        %get3A_1286 = vector.shape_cast %get3A_1285 : vector<1x1x16xf32> to vector<16xf32>
        %mul3A_1287 = arith.mulf %gather3A_1232, %get3A_1286 : vector<16xf32>
        %add3A_1288 = arith.addf %add3A_1216, %mul3A_1287 : vector<16xf32>
        %get3A_1289 = arith.constant 1 : i32
        %get3A_1290 = arith.index_cast %get3A_1289 : i32 to index
        %get3A_1291 = arith.index_cast %add3A_1228 : i32 to index
        %get3A_1292 = arith.constant 112 : index
        %get3A_1293 = tpu.vector_load %arg8[%get3A_1290, %get3A_1291, %get3A_1292] {strides = array<i32>} : memref<2x256x128xf32, #tpu.memory_space<vmem>>, vector<1x1x16xf32>,
        %get3A_1294 = vector.shape_cast %get3A_1293 : vector<1x1x16xf32> to vector<16xf32>
        %mul3A_1295 = arith.mulf %gather3A_1232, %get3A_1294 : vector<16xf32>
        %add3A_1296 = arith.addf %add3A_1224, %mul3A_1295 : vector<16xf32>
        %swap3A = arith.constant 1 : i32
        %swap3A_1297 = arith.index_cast %swap3A : i32 to index
        %swap3A_1298 = arith.index_cast %scan3A_148 : i32 to index
        %swap3A_1299 = arith.constant 0 : index
        %swap3A_1300 = tpu.vector_load %arg10[%swap3A_1297, %swap3A_1298, %swap3A_1299] {strides = array<i32>} : memref<2x16x128xf32, #tpu.memory_space<vmem>>, vector<1x1x16xf32>,
        %swap3A_1301 = vector.shape_cast %swap3A_1300 : vector<1x1x16xf32> to vector<16xf32>
        %swap3A_1302 = vector.shape_cast %add3A_1240 : vector<16xf32> to vector<1x1x16xf32>
        tpu.vector_store %arg10[%swap3A_1297, %swap3A_1298, %swap3A_1299], %swap3A_1302 {strides = array<i32>} : memref<2x16x128xf32, #tpu.memory_space<vmem>>, vector<1x1x16xf32>,
        %swap3A_1303 = arith.constant 1 : i32
        %swap3A_1304 = arith.index_cast %swap3A_1303 : i32 to index
        %swap3A_1305 = arith.index_cast %scan3A_148 : i32 to index
        %swap3A_1306 = arith.constant 16 : index
        %swap3A_1307 = tpu.vector_load %arg10[%swap3A_1304, %swap3A_1305, %swap3A_1306] {strides = array<i32>} : memref<2x16x128xf32, #tpu.memory_space<vmem>>, vector<1x1x16xf32>,
        %swap3A_1308 = vector.shape_cast %swap3A_1307 : vector<1x1x16xf32> to vector<16xf32>
        %swap3A_1309 = vector.shape_cast %add3A_1248 : vector<16xf32> to vector<1x1x16xf32>
        tpu.vector_store %arg10[%swap3A_1304, %swap3A_1305, %swap3A_1306], %swap3A_1309 {strides = array<i32>} : memref<2x16x128xf32, #tpu.memory_space<vmem>>, vector<1x1x16xf32>,
        %swap3A_1310 = arith.constant 1 : i32
        %swap3A_1311 = arith.index_cast %swap3A_1310 : i32 to index
        %swap3A_1312 = arith.index_cast %scan3A_148 : i32 to index
        %swap3A_1313 = arith.constant 32 : index
        %swap3A_1314 = tpu.vector_load %arg10[%swap3A_1311, %swap3A_1312, %swap3A_1313] {strides = array<i32>} : memref<2x16x128xf32, #tpu.memory_space<vmem>>, vector<1x1x16xf32>,
        %swap3A_1315 = vector.shape_cast %swap3A_1314 : vector<1x1x16xf32> to vector<16xf32>
        %swap3A_1316 = vector.shape_cast %add3A_1256 : vector<16xf32> to vector<1x1x16xf32>
        tpu.vector_store %arg10[%swap3A_1311, %swap3A_1312, %swap3A_1313], %swap3A_1316 {strides = array<i32>} : memref<2x16x128xf32, #tpu.memory_space<vmem>>, vector<1x1x16xf32>,
        %swap3A_1317 = arith.constant 1 : i32
        %swap3A_1318 = arith.index_cast %swap3A_1317 : i32 to index
        %swap3A_1319 = arith.index_cast %scan3A_148 : i32 to index
        %swap3A_1320 = arith.constant 48 : index
        %swap3A_1321 = tpu.vector_load %arg10[%swap3A_1318, %swap3A_1319, %swap3A_1320] {strides = array<i32>} : memref<2x16x128xf32, #tpu.memory_space<vmem>>, vector<1x1x16xf32>,
        %swap3A_1322 = vector.shape_cast %swap3A_1321 : vector<1x1x16xf32> to vector<16xf32>
        %swap3A_1323 = vector.shape_cast %add3A_1264 : vector<16xf32> to vector<1x1x16xf32>
        tpu.vector_store %arg10[%swap3A_1318, %swap3A_1319, %swap3A_1320], %swap3A_1323 {strides = array<i32>} : memref<2x16x128xf32, #tpu.memory_space<vmem>>, vector<1x1x16xf32>,
        %swap3A_1324 = arith.constant 1 : i32
        %swap3A_1325 = arith.index_cast %swap3A_1324 : i32 to index
        %swap3A_1326 = arith.index_cast %scan3A_148 : i32 to index
        %swap3A_1327 = arith.constant 64 : index
        %swap3A_1328 = tpu.vector_load %arg10[%swap3A_1325, %swap3A_1326, %swap3A_1327] {strides = array<i32>} : memref<2x16x128xf32, #tpu.memory_space<vmem>>, vector<1x1x16xf32>,
        %swap3A_1329 = vector.shape_cast %swap3A_1328 : vector<1x1x16xf32> to vector<16xf32>
        %swap3A_1330 = vector.shape_cast %add3A_1272 : vector<16xf32> to vector<1x1x16xf32>
        tpu.vector_store %arg10[%swap3A_1325, %swap3A_1326, %swap3A_1327], %swap3A_1330 {strides = array<i32>} : memref<2x16x128xf32, #tpu.memory_space<vmem>>, vector<1x1x16xf32>,
        %swap3A_1331 = arith.constant 1 : i32
        %swap3A_1332 = arith.index_cast %swap3A_1331 : i32 to index
        %swap3A_1333 = arith.index_cast %scan3A_148 : i32 to index
        %swap3A_1334 = arith.constant 80 : index
        %swap3A_1335 = tpu.vector_load %arg10[%swap3A_1332, %swap3A_1333, %swap3A_1334] {strides = array<i32>} : memref<2x16x128xf32, #tpu.memory_space<vmem>>, vector<1x1x16xf32>,
        %swap3A_1336 = vector.shape_cast %swap3A_1335 : vector<1x1x16xf32> to vector<16xf32>
        %swap3A_1337 = vector.shape_cast %add3A_1280 : vector<16xf32> to vector<1x1x16xf32>
        tpu.vector_store %arg10[%swap3A_1332, %swap3A_1333, %swap3A_1334], %swap3A_1337 {strides = array<i32>} : memref<2x16x128xf32, #tpu.memory_space<vmem>>, vector<1x1x16xf32>,
        %swap3A_1338 = arith.constant 1 : i32
        %swap3A_1339 = arith.index_cast %swap3A_1338 : i32 to index
        %swap3A_1340 = arith.index_cast %scan3A_148 : i32 to index
        %swap3A_1341 = arith.constant 96 : index
        %swap3A_1342 = tpu.vector_load %arg10[%swap3A_1339, %swap3A_1340, %swap3A_1341] {strides = array<i32>} : memref<2x16x128xf32, #tpu.memory_space<vmem>>, vector<1x1x16xf32>,
        %swap3A_1343 = vector.shape_cast %swap3A_1342 : vector<1x1x16xf32> to vector<16xf32>
        %swap3A_1344 = vector.shape_cast %add3A_1288 : vector<16xf32> to vector<1x1x16xf32>
        tpu.vector_store %arg10[%swap3A_1339, %swap3A_1340, %swap3A_1341], %swap3A_1344 {strides = array<i32>} : memref<2x16x128xf32, #tpu.memory_space<vmem>>, vector<1x1x16xf32>,
        %swap3A_1345 = arith.constant 1 : i32
        %swap3A_1346 = arith.index_cast %swap3A_1345 : i32 to index
        %swap3A_1347 = arith.index_cast %scan3A_148 : i32 to index
        %swap3A_1348 = arith.constant 112 : index
        %swap3A_1349 = tpu.vector_load %arg10[%swap3A_1346, %swap3A_1347, %swap3A_1348] {strides = array<i32>} : memref<2x16x128xf32, #tpu.memory_space<vmem>>, vector<1x1x16xf32>,
        %swap3A_1350 = vector.shape_cast %swap3A_1349 : vector<1x1x16xf32> to vector<16xf32>
        %swap3A_1351 = vector.shape_cast %add3A_1296 : vector<16xf32> to vector<1x1x16xf32>
        tpu.vector_store %arg10[%swap3A_1346, %swap3A_1347, %swap3A_1348], %swap3A_1351 {strides = array<i32>} : memref<2x16x128xf32, #tpu.memory_space<vmem>>, vector<1x1x16xf32>,
      }
      %scan3A_129 = arith.constant 16 : i32
      %ge3A_130 = arith.constant 2 : i32
      %ge3A_131 = arith.cmpi sge, %add3A_102, %ge3A_130 : i32
      %convert_element_type3A_132 = arith.extui %ge3A_131 : i1 to i32
      %cond3A_133 = arith.constant 0 : i32
      %cond3A_134 = arith.cmpi ne, %convert_element_type3A_132, %cond3A_133 : i32
      scf.if %cond3A_134 {
        %dma_wait3A_148 = arith.constant 1 : i32
        %dma_wait3A_149 = arith.constant 1 : i32
        %dma_wait3A_150 = arith.constant 0 : i32
        %dma_wait3A_151 = arith.constant 0 : i32
        %dma_wait3A_152 = tpu.memref_slice %arg10[%dma_wait3A_148, %dma_wait3A_150, %dma_wait3A_151] : memref<2x16x128xf32, #tpu.memory_space<vmem>> -> memref<1x16x128xf32, #tpu.memory_space<vmem>>
        %dma_wait3A_153 = tpu.memref_squeeze %dma_wait3A_152 : memref<1x16x128xf32, #tpu.memory_space<vmem>> -> memref<16x128xf32, #tpu.memory_space<vmem>>
        %dma_wait3A_154 = arith.constant 0 : i32
        %dma_wait3A_155 = tpu.memref_slice %arg5[%mul3A_2, %dma_wait3A_154] : memref<10000x128xf32, #tpu.memory_space<hbm>> -> memref<16x128xf32, #tpu.memory_space<hbm>>
        %dma_wait3A_156 = tpu.memref_slice %arg12[%dma_wait3A_149] : memref<2x!tpu.dma_semaphore, #tpu.memory_space<semaphore_mem>> -> memref<1x!tpu.dma_semaphore, #tpu.memory_space<semaphore_mem>>
        %dma_wait3A_157 = tpu.memref_squeeze %dma_wait3A_156 : memref<1x!tpu.dma_semaphore, #tpu.memory_space<semaphore_mem>> -> memref<!tpu.dma_semaphore, #tpu.memory_space<semaphore_mem>>
        %dma_wait3A_158 = arith.constant 0 : i32
        %dma_wait3A_159 = tpu.memref_slice %arg5[%mul3A_2, %dma_wait3A_158] : memref<10000x128xf32, #tpu.memory_space<hbm>> -> memref<16x128xf32, #tpu.memory_space<hbm>>
        %dma_wait3A_160 = arith.constant 0 : i32
        %dma_wait3A_161 = arith.constant 0 : i32
        %dma_wait3A_162 = tpu.memref_slice %arg10[%dma_wait3A_148, %dma_wait3A_160, %dma_wait3A_161] : memref<2x16x128xf32, #tpu.memory_space<vmem>> -> memref<1x16x128xf32, #tpu.memory_space<vmem>>
        %dma_wait3A_163 = tpu.memref_squeeze %dma_wait3A_162 : memref<1x16x128xf32, #tpu.memory_space<vmem>> -> memref<16x128xf32, #tpu.memory_space<vmem>>
        tpu.wait_dma2 semaphore(%dma_wait3A_157 : memref<!tpu.dma_semaphore, #tpu.memory_space<semaphore_mem>>) src(%dma_wait3A_163 : memref<16x128xf32, #tpu.memory_space<vmem>>) dst(%dma_wait3A_159 : memref<16x128xf32, #tpu.memory_space<hbm>>)
      } else {
      }
      %mul3A_135 = arith.constant 16 : i32
      %mul3A_136 = arith.muli %add3A_102, %mul3A_135 : i32
      %add3A_137 = arith.addi %mul3A_2, %mul3A_136 : i32
      %lt3A_138 = arith.constant 10000 : i32
      %lt3A_139 = arith.cmpi slt, %add3A_137, %lt3A_138 : i32
      %convert_element_type3A_140 = arith.extui %lt3A_139 : i1 to i32
      %cond3A_141 = arith.constant 0 : i32
      %cond3A_142 = arith.cmpi ne, %convert_element_type3A_140, %cond3A_141 : i32
      scf.if %cond3A_142 {
        %dma_start3A_148 = arith.constant 1 : i32
        %dma_start3A_149 = arith.constant 1 : i32
        %dma_start3A_150 = arith.constant 0 : i32
        %dma_start3A_151 = arith.constant 0 : i32
        %dma_start3A_152 = tpu.memref_slice %arg10[%dma_start3A_148, %dma_start3A_150, %dma_start3A_151] : memref<2x16x128xf32, #tpu.memory_space<vmem>> -> memref<1x16x128xf32, #tpu.memory_space<vmem>>
        %dma_start3A_153 = tpu.memref_squeeze %dma_start3A_152 : memref<1x16x128xf32, #tpu.memory_space<vmem>> -> memref<16x128xf32, #tpu.memory_space<vmem>>
        %dma_start3A_154 = arith.constant 0 : i32
        %dma_start3A_155 = tpu.memref_slice %arg5[%add3A_137, %dma_start3A_154] : memref<10000x128xf32, #tpu.memory_space<hbm>> -> memref<16x128xf32, #tpu.memory_space<hbm>>
        %dma_start3A_156 = tpu.memref_slice %arg12[%dma_start3A_149] : memref<2x!tpu.dma_semaphore, #tpu.memory_space<semaphore_mem>> -> memref<1x!tpu.dma_semaphore, #tpu.memory_space<semaphore_mem>>
        %dma_start3A_157 = tpu.memref_squeeze %dma_start3A_156 : memref<1x!tpu.dma_semaphore, #tpu.memory_space<semaphore_mem>> -> memref<!tpu.dma_semaphore, #tpu.memory_space<semaphore_mem>>
        %dma_start3A_158 = arith.constant 0 : i32
        %dma_start3A_159 = tpu.memref_slice %arg5[%add3A_137, %dma_start3A_158] : memref<10000x128xf32, #tpu.memory_space<hbm>> -> memref<16x128xf32, #tpu.memory_space<hbm>>
        %dma_start3A_160 = arith.constant 0 : i32
        %dma_start3A_161 = arith.constant 0 : i32
        %dma_start3A_162 = tpu.memref_slice %arg10[%dma_start3A_148, %dma_start3A_160, %dma_start3A_161] : memref<2x16x128xf32, #tpu.memory_space<vmem>> -> memref<1x16x128xf32, #tpu.memory_space<vmem>>
        %dma_start3A_163 = tpu.memref_squeeze %dma_start3A_162 : memref<1x16x128xf32, #tpu.memory_space<vmem>> -> memref<16x128xf32, #tpu.memory_space<vmem>>
        tpu.enqueue_dma source(%dma_start3A_163 : memref<16x128xf32, #tpu.memory_space<vmem>>) target(%dma_start3A_159 : memref<16x128xf32, #tpu.memory_space<hbm>>) target_semaphore(%dma_start3A_157 : memref<!tpu.dma_semaphore, #tpu.memory_space<semaphore_mem>>)
      } else {
      }
      %ge3A_143 = arith.constant 10000 : i32
      %ge3A_144 = arith.cmpi sge, %add3A_137, %ge3A_143 : i32
      %convert_element_type3A_145 = arith.extui %ge3A_144 : i1 to i32
      %cond3A_146 = arith.constant 0 : i32
      %cond3A_147 = arith.cmpi ne, %convert_element_type3A_145, %cond3A_146 : i32
      scf.if %cond3A_147 {
        %dma_start3A_148 = arith.constant 1 : i32
        %dma_start3A_149 = arith.constant 1 : i32
        %dma_start3A_150 = arith.constant 0 : i32
        %dma_start3A_151 = arith.constant 0 : i32
        %dma_start3A_152 = tpu.memref_slice %arg10[%dma_start3A_148, %dma_start3A_150, %dma_start3A_151] : memref<2x16x128xf32, #tpu.memory_space<vmem>> -> memref<1x16x128xf32, #tpu.memory_space<vmem>>
        %dma_start3A_153 = tpu.memref_squeeze %dma_start3A_152 : memref<1x16x128xf32, #tpu.memory_space<vmem>> -> memref<16x128xf32, #tpu.memory_space<vmem>>
        %dma_start3A_154 = tpu.memref_slice %arg12[%dma_start3A_149] : memref<2x!tpu.dma_semaphore, #tpu.memory_space<semaphore_mem>> -> memref<1x!tpu.dma_semaphore, #tpu.memory_space<semaphore_mem>>
        %dma_start3A_155 = tpu.memref_squeeze %dma_start3A_154 : memref<1x!tpu.dma_semaphore, #tpu.memory_space<semaphore_mem>> -> memref<!tpu.dma_semaphore, #tpu.memory_space<semaphore_mem>>
        %dma_start3A_156 = arith.constant 0 : i32
        %dma_start3A_157 = arith.constant 0 : i32
        %dma_start3A_158 = tpu.memref_slice %arg10[%dma_start3A_148, %dma_start3A_156, %dma_start3A_157] : memref<2x16x128xf32, #tpu.memory_space<vmem>> -> memref<1x16x128xf32, #tpu.memory_space<vmem>>
        %dma_start3A_159 = tpu.memref_squeeze %dma_start3A_158 : memref<1x16x128xf32, #tpu.memory_space<vmem>> -> memref<16x128xf32, #tpu.memory_space<vmem>>
        tpu.enqueue_dma source(%dma_start3A_159 : memref<16x128xf32, #tpu.memory_space<vmem>>) target(%arg6 : memref<16x128xf32, #tpu.memory_space<hbm>>) target_semaphore(%dma_start3A_155 : memref<!tpu.dma_semaphore, #tpu.memory_space<semaphore_mem>>)
      } else {
      }
    }
    %scan3A_21 = arith.constant 10 : i32
    %dma_wait3A = arith.constant 0 : i32
    %dma_wait3A_22 = arith.constant 0 : i32
    %dma_wait3A_23 = arith.constant 0 : i32
    %dma_wait3A_24 = arith.constant 0 : i32
    %dma_wait3A_25 = tpu.memref_slice %arg10[%dma_wait3A, %dma_wait3A_23, %dma_wait3A_24] : memref<2x16x128xf32, #tpu.memory_space<vmem>> -> memref<1x16x128xf32, #tpu.memory_space<vmem>>
    %dma_wait3A_26 = tpu.memref_squeeze %dma_wait3A_25 : memref<1x16x128xf32, #tpu.memory_space<vmem>> -> memref<16x128xf32, #tpu.memory_space<vmem>>
    %dma_wait3A_27 = arith.constant 0 : i32
    %dma_wait3A_28 = tpu.memref_slice %arg5[%mul3A_2, %dma_wait3A_27] : memref<10000x128xf32, #tpu.memory_space<hbm>> -> memref<16x128xf32, #tpu.memory_space<hbm>>
    %dma_wait3A_29 = tpu.memref_slice %arg12[%dma_wait3A_22] : memref<2x!tpu.dma_semaphore, #tpu.memory_space<semaphore_mem>> -> memref<1x!tpu.dma_semaphore, #tpu.memory_space<semaphore_mem>>
    %dma_wait3A_30 = tpu.memref_squeeze %dma_wait3A_29 : memref<1x!tpu.dma_semaphore, #tpu.memory_space<semaphore_mem>> -> memref<!tpu.dma_semaphore, #tpu.memory_space<semaphore_mem>>
    %dma_wait3A_31 = arith.constant 0 : i32
    %dma_wait3A_32 = tpu.memref_slice %arg5[%mul3A_2, %dma_wait3A_31] : memref<10000x128xf32, #tpu.memory_space<hbm>> -> memref<16x128xf32, #tpu.memory_space<hbm>>
    %dma_wait3A_33 = arith.constant 0 : i32
    %dma_wait3A_34 = arith.constant 0 : i32
    %dma_wait3A_35 = tpu.memref_slice %arg10[%dma_wait3A, %dma_wait3A_33, %dma_wait3A_34] : memref<2x16x128xf32, #tpu.memory_space<vmem>> -> memref<1x16x128xf32, #tpu.memory_space<vmem>>
    %dma_wait3A_36 = tpu.memref_squeeze %dma_wait3A_35 : memref<1x16x128xf32, #tpu.memory_space<vmem>> -> memref<16x128xf32, #tpu.memory_space<vmem>>
    tpu.wait_dma2 semaphore(%dma_wait3A_30 : memref<!tpu.dma_semaphore, #tpu.memory_space<semaphore_mem>>) src(%dma_wait3A_36 : memref<16x128xf32, #tpu.memory_space<vmem>>) dst(%dma_wait3A_32 : memref<16x128xf32, #tpu.memory_space<hbm>>)
    %dma_wait3A_37 = arith.constant 1 : i32
    %dma_wait3A_38 = arith.constant 1 : i32
    %dma_wait3A_39 = arith.constant 0 : i32
    %dma_wait3A_40 = arith.constant 0 : i32
    %dma_wait3A_41 = tpu.memref_slice %arg10[%dma_wait3A_37, %dma_wait3A_39, %dma_wait3A_40] : memref<2x16x128xf32, #tpu.memory_space<vmem>> -> memref<1x16x128xf32, #tpu.memory_space<vmem>>
    %dma_wait3A_42 = tpu.memref_squeeze %dma_wait3A_41 : memref<1x16x128xf32, #tpu.memory_space<vmem>> -> memref<16x128xf32, #tpu.memory_space<vmem>>
    %dma_wait3A_43 = arith.constant 0 : i32
    %dma_wait3A_44 = tpu.memref_slice %arg5[%mul3A_2, %dma_wait3A_43] : memref<10000x128xf32, #tpu.memory_space<hbm>> -> memref<16x128xf32, #tpu.memory_space<hbm>>
    %dma_wait3A_45 = tpu.memref_slice %arg12[%dma_wait3A_38] : memref<2x!tpu.dma_semaphore, #tpu.memory_space<semaphore_mem>> -> memref<1x!tpu.dma_semaphore, #tpu.memory_space<semaphore_mem>>
    %dma_wait3A_46 = tpu.memref_squeeze %dma_wait3A_45 : memref<1x!tpu.dma_semaphore, #tpu.memory_space<semaphore_mem>> -> memref<!tpu.dma_semaphore, #tpu.memory_space<semaphore_mem>>
    %dma_wait3A_47 = arith.constant 0 : i32
    %dma_wait3A_48 = tpu.memref_slice %arg5[%mul3A_2, %dma_wait3A_47] : memref<10000x128xf32, #tpu.memory_space<hbm>> -> memref<16x128xf32, #tpu.memory_space<hbm>>
    %dma_wait3A_49 = arith.constant 0 : i32
    %dma_wait3A_50 = arith.constant 0 : i32
    %dma_wait3A_51 = tpu.memref_slice %arg10[%dma_wait3A_37, %dma_wait3A_49, %dma_wait3A_50] : memref<2x16x128xf32, #tpu.memory_space<vmem>> -> memref<1x16x128xf32, #tpu.memory_space<vmem>>
    %dma_wait3A_52 = tpu.memref_squeeze %dma_wait3A_51 : memref<1x16x128xf32, #tpu.memory_space<vmem>> -> memref<16x128xf32, #tpu.memory_space<vmem>>
    tpu.wait_dma2 semaphore(%dma_wait3A_46 : memref<!tpu.dma_semaphore, #tpu.memory_space<semaphore_mem>>) src(%dma_wait3A_52 : memref<16x128xf32, #tpu.memory_space<vmem>>) dst(%dma_wait3A_48 : memref<16x128xf32, #tpu.memory_space<hbm>>)
    return
  }
}

module attributes {stable_mosaic.version = 14 : i64} {
  func.func @_tc_body(%arg0: i32, %arg1: memref<2048x128xf32, #tpu.memory_space<vmem>>, %arg2: memref<128x128xf32, #tpu.memory_space<vmem>>, %arg3: memref<2x2048x32xi32, #tpu.memory_space<vmem>>, %arg4: memref<2048x32xf32, #tpu.memory_space<vmem>>, %arg5: memref<2048x128xf32, #tpu.memory_space<vmem>>, %arg6: memref<2048x16xi32, #tpu.memory_space<vmem>>, %arg7: memref<2048x16xf32, #tpu.memory_space<vmem>>) attributes {dimension_semantics = [#tpu.dimension_semantics<arbitrary>], iteration_bounds = array<i64: 5>, scalar_prefetch = 0 : i64, scratch_operands = 0 : i64, tpu.core_type = #tpu.core_type<tc>, window_params = [{transform_indices = @transform_0, window_bounds = array<i64: 2048, 128>}, {pipeline_mode = #tpu.pipeline_mode<synchronous>, transform_indices = @transform_1, window_bounds = array<i64: 128, 128>}, {transform_indices = @transform_2, window_bounds = array<i64: 2, 2048, 32>}, {transform_indices = @transform_3, window_bounds = array<i64: 2048, 32>}, {transform_indices = @transform_4, window_bounds = array<i64: 2048, 128>}, {transform_indices = @transform_5, window_bounds = array<i64: 2048, 16>}, {transform_indices = @transform_6, window_bounds = array<i64: 2048, 16>}]} {
    %get3A = arith.constant 0 : index
    %get3A_0 = arith.constant 0 : index
    %get3A_1 = vector.load %arg1[%get3A, %get3A_0] : memref<2048x128xf32, #tpu.memory_space<vmem>>, vector<2048x128xf32>
    %iota3A = tpu.iota {dimensions = array<i32: 1>} : vector<1x128xi32>
    %convert_element_type3A = arith.sitofp %iota3A : vector<1x128xi32> to vector<1x128xf32>
    %mul3A = arith.constant -1.000000e-01 : f32
    %mul3A_2 = vector.broadcast %mul3A : f32 to vector<1x128xf32>
    %mul3A_3 = arith.mulf %mul3A_2, %convert_element_type3A : vector<1x128xf32>
    %exp3A = math.exp %mul3A_3 : vector<1x128xf32>
    %mul3A_4 = vector.broadcast %exp3A : vector<1x128xf32> to vector<2048x128xf32>
    %mul3A_5 = arith.mulf %get3A_1, %mul3A_4 : vector<2048x128xf32>
    %get3A_6 = arith.constant 0 : index
    %get3A_7 = arith.constant 0 : index
    %get3A_8 = vector.load %arg2[%get3A_6, %get3A_7] : memref<128x128xf32, #tpu.memory_space<vmem>>, vector<128x128xf32>
    %dot_general3A = arith.constant dense<0.000000e+00> : vector<2048x128xf32>
    %dot_general3A_9 = tpu.matmul %mul3A_5, %get3A_8, %dot_general3A {dimension_numbers = #tpu.dot_dimension_numbers<[1], [0], [0], [1], [0, 0, 1, 1], [], []>, transpose_lhs_hint = false} : vector<2048x128xf32>, vector<128x128xf32>, vector<2048x128xf32> -> vector<2048x128xf32>
    %swap3A = arith.constant 0 : index
    %swap3A_10 = arith.constant 0 : index
    %swap3A_11 = vector.load %arg5[%swap3A, %swap3A_10] : memref<2048x128xf32, #tpu.memory_space<vmem>>, vector<2048x128xf32>
    tpu.vector_store %arg5[%swap3A, %swap3A_10], %dot_general3A_9 {strides = array<i32>} : memref<2048x128xf32, #tpu.memory_space<vmem>>, vector<2048x128xf32>,
    %get3A_12 = arith.constant 0 : index
    %get3A_13 = arith.constant 0 : index
    %get3A_14 = vector.load %arg4[%get3A_12, %get3A_13] : memref<2048x32xf32, #tpu.memory_space<vmem>>, vector<2048x32xf32>
    %transpose3A = tpu.transpose %get3A_14, [1, 0] : vector<2048x32xf32> -> vector<32x2048xf32>
    %get3A_15 = arith.constant 1 : index
    %get3A_16 = arith.constant 0 : index
    %get3A_17 = arith.constant 0 : index
    %get3A_18 = vector.load %arg3[%get3A_15, %get3A_16, %get3A_17] : memref<2x2048x32xi32, #tpu.memory_space<vmem>>, vector<1x2048x32xi32>
    %get3A_19 = vector.shape_cast %get3A_18 : vector<1x2048x32xi32> to vector<2048x32xi32>
    %convert_element_type3A_20 = arith.sitofp %get3A_19 : vector<2048x32xi32> to vector<2048x32xf32>
    %transpose3A_21 = tpu.transpose %convert_element_type3A_20, [1, 0] : vector<2048x32xf32> -> vector<32x2048xf32>
    %iota3A_22 = tpu.iota {dimensions = array<i32: 1>} : vector<1x2048xi32>
    %mul3A_23 = arith.constant 2048 : i32
    %mul3A_24 = arith.muli %arg0, %mul3A_23 : i32
    %add3A = vector.broadcast %mul3A_24 : i32 to vector<1x2048xi32>
    %add3A_25 = arith.addi %iota3A_22, %add3A : vector<1x2048xi32>
    %iota3A_26 = tpu.iota {dimensions = array<i32: 0>} : vector<32x1xi32>
    %lt3A = arith.constant 10000 : i32
    %lt3A_27 = vector.broadcast %lt3A : i32 to vector<1x2048xi32>
    %lt3A_28 = arith.cmpi slt, %add3A_25, %lt3A_27 : vector<1x2048xi32>
    %mul3A_29 = arith.constant 32 : i32
    %mul3A_30 = vector.broadcast %mul3A_29 : i32 to vector<1x2048xi32>
    %mul3A_31 = arith.muli %add3A_25, %mul3A_30 : vector<1x2048xi32>
    %add3A_32 = vector.broadcast %mul3A_31 : vector<1x2048xi32> to vector<32x2048xi32>
    %add3A_33 = vector.broadcast %iota3A_26 : vector<32x1xi32> to vector<32x2048xi32>
    %add3A_34 = arith.addi %add3A_32, %add3A_33 : vector<32x2048xi32>
    %jit3A = arith.constant 10000 : i32
    %eq3A = arith.constant 0 : i32
    %eq3A_35 = arith.cmpi eq, %jit3A, %eq3A : i32
    %jit3A_36 = arith.constant 1 : i32
    %select_n3A = arith.select %eq3A_35, %jit3A_36, %jit3A : i32
    %rem3A = vector.broadcast %select_n3A : i32 to vector<32x2048xi32>
    %rem3A_37 = arith.remsi %add3A_34, %rem3A : vector<32x2048xi32>
    %ne3A = arith.constant 0 : i32
    %ne3A_38 = vector.broadcast %ne3A : i32 to vector<32x2048xi32>
    %ne3A_39 = arith.cmpi ne, %rem3A_37, %ne3A_38 : vector<32x2048xi32>
    %lt3A_40 = arith.constant 0 : i32
    %lt3A_41 = vector.broadcast %lt3A_40 : i32 to vector<32x2048xi32>
    %lt3A_42 = arith.cmpi slt, %rem3A_37, %lt3A_41 : vector<32x2048xi32>
    %lt3A_43 = arith.constant 0 : i32
    %lt3A_44 = arith.cmpi slt, %select_n3A, %lt3A_43 : i32
    %ne3A_45 = vector.broadcast %lt3A_44 : i1 to vector<32x2048xi1>
    %ne3A_46 = vector.broadcast %ne3A_45 : vector<32x2048xi1> to vector<32x2048xi1>
    %ne3A_47 = arith.xori %lt3A_42, %ne3A_46 : vector<32x2048xi1>
    %and3A = arith.andi %ne3A_47, %ne3A_39 : vector<32x2048xi1>
    %add3A_48 = vector.broadcast %select_n3A : i32 to vector<32x2048xi32>
    %add3A_49 = arith.addi %rem3A_37, %add3A_48 : vector<32x2048xi32>
    %select_n3A_50 = arith.select %and3A, %add3A_49, %rem3A_37 : vector<32x2048xi1>, vector<32x2048xi32>
    %convert_element_type3A_51 = arith.sitofp %select_n3A_50 : vector<32x2048xi32> to vector<32x2048xf32>
    %jit3A_52 = arith.constant 0.000000e+00 : f32
    %broadcast_in_dim3A = vector.shape_cast %lt3A_28 : vector<1x2048xi1> to vector<1x2048xi1>
    %broadcast_in_dim3A_53 = vector.broadcast %broadcast_in_dim3A : vector<1x2048xi1> to vector<32x2048xi1>
    %broadcast_in_dim3A_54 = vector.broadcast %jit3A_52 : f32 to vector<32x2048xf32>
    %select_n3A_55 = arith.select %broadcast_in_dim3A_53, %transpose3A, %broadcast_in_dim3A_54 : vector<32x2048xi1>, vector<32x2048xf32>
    %broadcast_in_dim3A_56 = vector.shape_cast %lt3A_28 : vector<1x2048xi1> to vector<1x2048xi1>
    %broadcast_in_dim3A_57 = vector.broadcast %broadcast_in_dim3A_56 : vector<1x2048xi1> to vector<32x2048xi1>
    %select_n3A_58 = arith.select %broadcast_in_dim3A_57, %transpose3A_21, %convert_element_type3A_51 : vector<32x2048xi1>, vector<32x2048xf32>
    %broadcast_in_dim3A_59 = vector.shape_cast %select_n3A_55 : vector<32x2048xf32> to vector<32x1x2048xf32>
    %broadcast_in_dim3A_60 = vector.shape_cast %select_n3A_55 : vector<32x2048xf32> to vector<1x32x2048xf32>
    %iota3A_61 = tpu.iota {dimensions = array<i32: 0>} : vector<32x1x1xi32>
    %iota3A_62 = tpu.iota {dimensions = array<i32: 1>} : vector<1x32x1xi32>
    %lt3A_63 = vector.broadcast %iota3A_61 : vector<32x1x1xi32> to vector<32x32x1xi32>
    %lt3A_64 = vector.broadcast %iota3A_62 : vector<1x32x1xi32> to vector<32x32x1xi32>
    %lt3A_65 = arith.cmpi slt, %lt3A_63, %lt3A_64 : vector<32x32x1xi32>
    %gt3A = vector.broadcast %broadcast_in_dim3A_59 : vector<32x1x2048xf32> to vector<32x32x2048xf32>
    %gt3A_66 = vector.broadcast %broadcast_in_dim3A_60 : vector<1x32x2048xf32> to vector<32x32x2048xf32>
    %gt3A_67 = arith.cmpf ogt, %gt3A, %gt3A_66 : vector<32x32x2048xf32>
    %eq3A_68 = vector.broadcast %broadcast_in_dim3A_59 : vector<32x1x2048xf32> to vector<32x32x2048xf32>
    %eq3A_69 = vector.broadcast %broadcast_in_dim3A_60 : vector<1x32x2048xf32> to vector<32x32x2048xf32>
    %eq3A_70 = arith.cmpf oeq, %eq3A_68, %eq3A_69 : vector<32x32x2048xf32>
    %and3A_71 = vector.broadcast %lt3A_65 : vector<32x32x1xi1> to vector<32x32x2048xi1>
    %and3A_72 = arith.andi %eq3A_70, %and3A_71 : vector<32x32x2048xi1>
    %or3A = arith.ori %gt3A_67, %and3A_72 : vector<32x32x2048xi1>
    %jit3A_73 = arith.constant 1.000000e+00 : f32
    %jit3A_74 = arith.constant 0.000000e+00 : f32
    %broadcast_in_dim3A_75 = vector.broadcast %jit3A_73 : f32 to vector<32x32x2048xf32>
    %broadcast_in_dim3A_76 = vector.broadcast %jit3A_74 : f32 to vector<32x32x2048xf32>
    %select_n3A_77 = arith.select %or3A, %broadcast_in_dim3A_75, %broadcast_in_dim3A_76 : vector<32x32x2048xi1>, vector<32x32x2048xf32>
    %reduce_sum3A = arith.constant dense<0.000000e+00> : vector<32x2048xf32>
    %reduce_sum3A_78 = vector.multi_reduction <add>, %select_n3A_77, %reduce_sum3A [0] : vector<32x32x2048xf32> to vector<32x2048xf32>
    %iota3A_79 = tpu.iota {dimensions = array<i32: 1>} : vector<1x16x1xi32>
    %convert_element_type3A_80 = arith.sitofp %iota3A_79 : vector<1x16x1xi32> to vector<1x16x1xf32>
    %broadcast_in_dim3A_81 = vector.shape_cast %reduce_sum3A_78 : vector<32x2048xf32> to vector<32x1x2048xf32>
    %eq3A_82 = vector.broadcast %broadcast_in_dim3A_81 : vector<32x1x2048xf32> to vector<32x16x2048xf32>
    %eq3A_83 = vector.broadcast %convert_element_type3A_80 : vector<1x16x1xf32> to vector<32x16x2048xf32>
    %eq3A_84 = arith.cmpf oeq, %eq3A_82, %eq3A_83 : vector<32x16x2048xf32>
    %jit3A_85 = arith.constant 1.000000e+00 : f32
    %jit3A_86 = arith.constant 0.000000e+00 : f32
    %broadcast_in_dim3A_87 = vector.broadcast %jit3A_85 : f32 to vector<32x16x2048xf32>
    %broadcast_in_dim3A_88 = vector.broadcast %jit3A_86 : f32 to vector<32x16x2048xf32>
    %select_n3A_89 = arith.select %eq3A_84, %broadcast_in_dim3A_87, %broadcast_in_dim3A_88 : vector<32x16x2048xi1>, vector<32x16x2048xf32>
    %broadcast_in_dim3A_90 = vector.shape_cast %select_n3A_58 : vector<32x2048xf32> to vector<32x1x2048xf32>
    %mul3A_91 = vector.broadcast %broadcast_in_dim3A_90 : vector<32x1x2048xf32> to vector<32x16x2048xf32>
    %mul3A_92 = arith.mulf %select_n3A_89, %mul3A_91 : vector<32x16x2048xf32>
    %reduce_sum3A_93 = arith.constant dense<0.000000e+00> : vector<16x2048xf32>
    %reduce_sum3A_94 = vector.multi_reduction <add>, %mul3A_92, %reduce_sum3A_93 [0] : vector<32x16x2048xf32> to vector<16x2048xf32>
    %broadcast_in_dim3A_95 = vector.shape_cast %select_n3A_55 : vector<32x2048xf32> to vector<32x1x2048xf32>
    %mul3A_96 = vector.broadcast %broadcast_in_dim3A_95 : vector<32x1x2048xf32> to vector<32x16x2048xf32>
    %mul3A_97 = arith.mulf %select_n3A_89, %mul3A_96 : vector<32x16x2048xf32>
    %reduce_sum3A_98 = arith.constant dense<0.000000e+00> : vector<16x2048xf32>
    %reduce_sum3A_99 = vector.multi_reduction <add>, %mul3A_97, %reduce_sum3A_98 [0] : vector<32x16x2048xf32> to vector<16x2048xf32>
    %transpose3A_100 = tpu.transpose %reduce_sum3A_94, [1, 0] : vector<16x2048xf32> -> vector<2048x16xf32>
    %convert_element_type3A_101 = arith.fptosi %transpose3A_100 : vector<2048x16xf32> to vector<2048x16xi32>
    %swap3A_102 = arith.constant 0 : index
    %swap3A_103 = arith.constant 0 : index
    %swap3A_104 = vector.load %arg6[%swap3A_102, %swap3A_103] : memref<2048x16xi32, #tpu.memory_space<vmem>>, vector<2048x16xi32>
    tpu.vector_store %arg6[%swap3A_102, %swap3A_103], %convert_element_type3A_101 {strides = array<i32>} : memref<2048x16xi32, #tpu.memory_space<vmem>>, vector<2048x16xi32>,
    %transpose3A_105 = tpu.transpose %reduce_sum3A_99, [1, 0] : vector<16x2048xf32> -> vector<2048x16xf32>
    %swap3A_106 = arith.constant 0 : index
    %swap3A_107 = arith.constant 0 : index
    %swap3A_108 = vector.load %arg7[%swap3A_106, %swap3A_107] : memref<2048x16xf32, #tpu.memory_space<vmem>>, vector<2048x16xf32>
    tpu.vector_store %arg7[%swap3A_106, %swap3A_107], %transpose3A_105 {strides = array<i32>} : memref<2048x16xf32, #tpu.memory_space<vmem>>, vector<2048x16xf32>,
    return
  }
  func.func @transform_0(%arg0: i32) -> (i32, i32) {
    %c0_i32 = arith.constant 0 : i32
    %c0_i32_0 = arith.constant 0 : i32
    return %arg0, %c0_i32 : i32, i32
  }
  func.func @transform_1(%arg0: i32) -> (i32, i32) {
    %c0_i32 = arith.constant 0 : i32
    %c0_i32_0 = arith.constant 0 : i32
    %c0_i32_1 = arith.constant 0 : i32
    return %c0_i32, %c0_i32_0 : i32, i32
  }
  func.func @transform_2(%arg0: i32) -> (i32, i32, i32) {
    %c0_i32 = arith.constant 0 : i32
    %c0_i32_0 = arith.constant 0 : i32
    %c0_i32_1 = arith.constant 0 : i32
    return %c0_i32, %arg0, %c0_i32_0 : i32, i32, i32
  }
  func.func @transform_3(%arg0: i32) -> (i32, i32) {
    %c0_i32 = arith.constant 0 : i32
    %c0_i32_0 = arith.constant 0 : i32
    return %arg0, %c0_i32 : i32, i32
  }
  func.func @transform_4(%arg0: i32) -> (i32, i32) {
    %c0_i32 = arith.constant 0 : i32
    %c0_i32_0 = arith.constant 0 : i32
    return %arg0, %c0_i32 : i32, i32
  }
  func.func @transform_5(%arg0: i32) -> (i32, i32) {
    %c0_i32 = arith.constant 0 : i32
    %c0_i32_0 = arith.constant 0 : i32
    return %arg0, %c0_i32 : i32, i32
  }
  func.func @transform_6(%arg0: i32) -> (i32, i32) {
    %c0_i32 = arith.constant 0 : i32
    %c0_i32_0 = arith.constant 0 : i32
    return %arg0, %c0_i32 : i32, i32
  }
}

</mosaic_0001>

<sc_bundles>
// kernel: kernel.4.cloned.1.call-start
scs
__scs_entry_jumppad:
0x0: {  	(pc) =	sbr.rel $0x88, $3  }
0x1: {  	(tag) =	ssettag $0x0;
	lr =	simm.s32 $0x1  }
0x2: {  	[smem:$0x3F9D] =	sst lr;
	_ =	strace $0xD0000000  }
0x3: {  	_ = 	snop  }
0x4: {  	_ = 	snop  }
0x5: {  	_ = 	snop  }
0x6: {  	_ = 	snop  }
0x7: {  	_ = 	snop  }
__scs_overlays_trampoline_lowered:
0x8: {  	[smem:$0x3FAC] =	sst s0  }
0x9: {  	[smem:$0x3FAD] =	sst s1  }
0xa: {  	[smem:$0x3FAE] =	sst s2  }
0xb: {  	[smem:$0x3FAF] =	sst s3  }
0xc: {  	[smem:$0x3FB0] =	sst s4  }
0xd: {  	[smem:$0x3FB1] =	sst s5  }
0xe: {  	[smem:$0x3FB2] =	sst s6  }
0xf: {  	[smem:$0x3FB3] =	sst s7  }
0x10: {  	[smem:$0x3FB4] =	sst s8  }
0x11: {  	[smem:$0x3FB5] =	sst s9;
	s0 =	simm.s32 @!p0 $0x0  }
0x12: {  	s1 =	sld [smem:$0x3F9B];
	s0 =	simm.s32 @p0 $0x1  }
0x13: {  	[smem:$0x3FB6] =	sst s0;
	s0 =	simm.s32 @!p1 $0x0  }
0x14: {  	s2 =	sld [smem:$0x3F9A];
	s0 =	simm.s32 @p1 $0x1  }
0x15: {  	[smem:$0x3FB7] =	sst s0;
	s0 =	simm.s32 @!p2 $0x0  }
0x16: {  	s3 =	sld [smem:$0x3FDB];
	s0 =	simm.s32 @p2 $0x1  }
0x17: {  	s4 =	simm.s32 $0x1BF5;
	[smem:$0x3FB9] =	sst s0  }
0x18: {  	s0 =	sld [smem:$0x3F9C];
	_ =	swait.ge [sflag:s4], $0x0  }
0x19: {  	s7 =	sld [smem:$0x3F9D]  }
0x1a: {  	s8 =	sadd.s32 $0xFFFFE003, lr  }
0x1b: {  	s9 =	sadd.s32 $0xFFFFFEF7, lr;
	s5 =	simm.s32 $0xFFFFFFFF;
	p2 =	slt.u32 s8, $0xFFFFF086  }
0x1c: {  	p1 =	slt.u32 s9, $0xF7A;
	s5 =	simm.s32 @!p2 $0x0  }
0x1d: {  	s5 =	simm.s32 @p1 $0x1;
	p0 =	seq.s32 s7, s2  }
0x1e: {  	s7 =	smul.u32 @!p0 $0xF7A, s2;
	p2 =	seq.s32 @!p0 s5, $0x0  }
0x1f: {  	s9 =	smul.u32 $0xF7A, s1;
	s8 =	simm.s32 @!p0 $0x1BF5;
	p2 =	por !p2, p0  }
0x20: {  	[sflag:s8] =	ssyncset.s32 @!p0 $0xFFFFF086;
	s6 =	sadd.s32 @!p0 s3, s7;
	s7 =	simm.s32 @!p0 $0x108  }
0x21: {  	s3 =	sadd.s32 s3, s9;
	s6 =	sadd.s32 @!p0 $0x88, s6;
	s7 =	simm.s32 @p2 $0x1082  }
0x22: {  	[simem:s7], [sflag:s8] =	dma.local @!p0 [hbm:s6], $0xF7A  }
0x23: {  	s9 =	sor.u32 $0xD0000000, s2;
	s6 =	simm.s32 $0x108;
	_ =	swait.ge @!p0 [sflag:s8], $0x0  }
0x24: {  	s3 =	sadd.s32 $0x88, s3;
	s6 =	simm.s32 @!p1 $0x1082;
	[sflag:s4] =	ssyncset.s32 $0xFFFFF086  }
0x25: {  	[simem:s6], [sflag:s4] =	dma.local [hbm:s3], $0xF7A  }
0x26: {  	[smem:$0x3F9D] =	sst s1;
	(tag) =	ssettag s2;
	_ =	strace s9  }
0x27: {  	s1 =	sld [smem:$0x3FAD]  }
0x28: {  	s2 =	sld [smem:$0x3FAE]  }
0x29: {  	s4 =	sld [smem:$0x3FB0]  }
0x2a: {  	p0 =	seq.s32 s5, $0x0;
	s5 =	sld [smem:$0x3FB1]  }
0x2b: {  	s6 =	sld [smem:$0x3FB2]  }
0x2c: {  	s7 =	sld [smem:$0x3FB3]  }
0x2d: {  	s3 =	simm.s32 $0x108;
	s8 =	sld [smem:$0x3FB4]  }
0x2e: {  	s3 =	simm.s32 @!p0 $0x1082;
	s9 =	sld [smem:$0x3FB5]  }
0x2f: {  	lr =	sadd.s32 s0, s3;
	s0 =	sld [smem:$0x3FAC]  }
0x30: {  	s3 =	sld [smem:$0x3FAF]  }
0x31: {  	[smem:$0x3FB8] =	sst s10  }
0x32: {  	s10 =	sld [smem:$0x3FB6];
	_ =	sdelay $0x3  }
0x33: {  	p0 =	seq.s32 s10, $0x1;
	s10 =	sld [smem:$0x3FB8];
	_ =	sdelay $0x3  }
0x34: {  	[smem:$0x3FB8] =	sst s10  }
0x35: {  	s10 =	sld [smem:$0x3FB7];
	_ =	sdelay $0x3  }
0x36: {  	p1 =	seq.s32 s10, $0x1;
	s10 =	sld [smem:$0x3FB8];
	_ =	sdelay $0x3  }
0x37: {  	[smem:$0x3FB8] =	sst s10  }
0x38: {  	s10 =	sld [smem:$0x3FB9]  }
0x39: {  	_ = 	snop;
	(pc) =	sbr.ind lr, $3  }
0x3a: {  	_ = 	snop  }
0x3b: {  	_ = 	snop  }
0x3c: {  	p2 =	seq.s32 s10, $0x1;
	s10 =	sld [smem:$0x3FB8]  }
0x3d: {  	_ =	shalt  }
0x3e: {  	_ =	shalt  }
0x3f: {  	_ =	shalt  }
0x40: {  	_ =	shalt  }
0x41: {  	_ =	shalt  }
0x42: {  	_ =	shalt  }
0x43: {  	_ =	shalt  }
0x44: {  	_ =	shalt  }
0x45: {  	_ =	shalt  }
0x46: {  	_ =	shalt  }
0x47: {  	_ =	shalt  }
0x48: {  	_ =	shalt  }
0x49: {  	_ =	shalt  }
0x4a: {  	_ =	shalt  }
0x4b: {  	_ =	shalt  }
0x4c: {  	_ =	shalt  }
0x4d: {  	_ =	shalt  }
0x4e: {  	_ =	shalt  }
0x4f: {  	_ =	shalt  }
0x50: {  	_ =	shalt  }
0x51: {  	_ =	shalt  }
0x52: {  	_ =	shalt  }
0x53: {  	_ =	shalt  }
0x54: {  	_ =	shalt  }
0x55: {  	_ =	shalt  }
0x56: {  	_ =	shalt  }
0x57: {  	_ =	shalt  }
0x58: {  	_ =	shalt  }
0x59: {  	_ =	shalt  }
0x5a: {  	_ =	shalt  }
0x5b: {  	_ =	shalt  }
0x5c: {  	_ =	shalt  }
0x5d: {  	_ =	shalt  }
0x5e: {  	_ =	shalt  }
0x5f: {  	_ =	shalt  }
0x60: {  	_ =	shalt  }
0x61: {  	_ =	shalt  }
0x62: {  	_ =	shalt  }
0x63: {  	_ =	shalt  }
0x64: {  	_ =	shalt  }
0x65: {  	_ =	shalt  }
0x66: {  	_ =	shalt  }
0x67: {  	_ =	shalt  }
0x68: {  	_ =	shalt  }
0x69: {  	_ =	shalt  }
0x6a: {  	_ =	shalt  }
0x6b: {  	_ =	shalt  }
0x6c: {  	_ =	shalt  }
0x6d: {  	_ =	shalt  }
0x6e: {  	_ =	shalt  }
0x6f: {  	_ =	shalt  }
0x70: {  	_ =	shalt  }
0x71: {  	_ =	shalt  }
0x72: {  	_ =	shalt  }
0x73: {  	_ =	shalt  }
0x74: {  	_ =	shalt  }
0x75: {  	_ =	shalt  }
0x76: {  	_ =	shalt  }
0x77: {  	_ =	shalt  }
0x78: {  	_ =	shalt  }
0x79: {  	_ =	shalt  }
0x7a: {  	_ =	shalt  }
0x7b: {  	_ =	shalt  }
0x7c: {  	_ =	shalt  }
0x7d: {  	_ =	shalt  }
0x7e: {  	_ =	shalt  }
0x7f: {  	_ =	shalt  }
0x80: {  	_ =	shalt  }
0x81: {  	_ =	shalt  }
0x82: {  	_ =	shalt  }
0x83: {  	_ =	shalt  }
0x84: {  	_ =	shalt  }
0x85: {  	_ =	shalt  }
0x86: {  	_ =	shalt  }
0x87: {  	_ =	shalt  }
.Lfunc_end0:
.L_simem_size_0:
called_computation_lowered:
.L_overlay_start_0:
0x88: {  	s2 =	sld [smem:$0x3FD9]  }
0x89: {  	s3 =	sld [smem:$0x3FFE];
	_ =	sdelay $0x1  }
0x8a: {  	s1 =	srdreg.scid  }
0x8b: {  	s0 =	sand.u32 $0x1, s1  }
0x8c: {  	s17 =	sshll.u32 s0, $0xA;
	s2 =	sadd.s32 s3, s2  }
0x8d: {  	s2 =	sadd.s32 s2, s17  }
0x8e: {  	[smem:$0x3FC4] =	sst s2  }
0x8f: {  	_ = 	snop  }
0x90: {  	s2 =	sld [smem:$0x3FD0];
	(tm) =	ssettm $0x1  }
0x91: {  	s18 =	sld [smem:$0x3FFB];
	_ =	sdelay $0x3  }
0x92: {  	_ =	strace s18  }
0x93: {  	s3 =	sld [smem:$0x3FFC];
	_ =	sdelay $0x3  }
0x94: {  	_ =	strace s3  }
0x95: {  	s3 =	sld [smem:$0x3FFD];
	_ =	sdelay $0x3  }
0x96: {  	_ =	strace s3  }
0x97: {  	_ =	strace $0x8FFFFFFF  }
0x98: {  	s19 =	sld [smem:$0x3FDB];
	_ =	sdelay $0x1  }
0x99: {  	s4 =	simm.s32 $_scs_section_size  }
0x9a: {  	s5 =	simm.s32 $_size__tile_overlayer_lowered;
	s6 =	simm.s32 $_tile_overlayer_lowered  }
0x9b: {  	s22 =	simm.s32 $0x1BFF;
	s21 =	sshll.u32 s6, $0x1;
	s3 =	sadd.s32 s4, s19  }
0x9c: {  	s7 =	simm.s32 $0x0;
	s20 =	sshll.u32 s5, $0x1;
	s5 =	sadd.s32 s21, s3  }
0x9d: {  	[timem:s7], [sflag:s22] =	dma.local [hbm:s5], s20  }
0x9e: {  	_ =	swait.ge [sflag:s22], s20  }
0x9f: {  	s4 =	ssub.s32 $0x0, s20;
	[sflag:s22] =	ssyncset.done $0x0  }
0xa0: {  	[sflag:s22] =	ssyncadd.s32 s4;
	_ =	sdelay $0x1  }
0xa1: {  	s23 =	simm.s32 $0x1B8B  }
0xa2: {  	_ =	swait.ge [sflag:s23], $0x1  }
0xa3: {  	[sflag:s23] =	ssyncset.done $0x0  }
0xa4: {  	s25 =	simm.s32 $0x1B8E;
	s24 =	sld [smem:$0x3FFE];
	[sflag:s23] =	ssyncadd.s32 $0xFFFFFFFF  }
0xa5: {  	s26 =	simm.s32 $execute0_lowered;
	[smem:$0x3FD2] =	sst s25  }
0xa6: {  	s5 =	sshll.u32 s26, $0x1;
	_ =	strace $0x80000046;
	[dreg:$0x1] =	wrdreg $0xFFFFFFFF  }
0xa7: {  	s28 =	simm.s32 $_size_execute0_lowered;
	s3 =	sadd.s32 s3, s5;
	[dreg:$0x0] =	wrdreg $0x0  }
0xa8: {  	s5 =	sshll.u32 s28, $0x1;
	[dreg:$0x2] =	wrdreg s3  }
0xa9: {  	[dreg:$0x3] =	wrdreg s5  }
0xaa: {  	[dreg:$0x4] =	wrdreg $0xC0  }
0xab: {  	_ =	task [dreg:s7], $0x5FFFF  }
0xac: {  	[dreg:$0x1] =	wrdreg $0xFFFFFFFF  }
0xad: {  	[dreg:$0x0] =	wrdreg $0x60  }
0xae: {  	[dreg:$0x2] =	wrdreg s24  }
0xaf: {  	[dreg:$0x3] =	wrdreg s2  }
0xb0: {  	[dreg:$0x4] =	wrdreg $0x9  }
0xb1: {  	_ =	task.clear_ibuf [dreg:s7], $0x5FFFF;
	_ =	strace $0x90000046  }
0xb2: {  	s29 =	simm.s32 $0x9;
	_ =	strace $0x80000048  }
0xb3: {  	_ =	swait.ge [sflag:s29], $0x1  }
0xb4: {  	[sflag:s29] =	ssyncadd.s32 $0xFFFFFFFF  }
0xb5: {  	_ =	strace $0x90000048  }
0xb6: {  	_ =	sfence  }
0xb7: {  	s30 =	sld [smem:$0x0];
	_ =	sdelay $0x2  }
0xb8: {  	s31 =	sshll.u32 s1, $0xD;
	s1 =	sshrl.u32 s1, $0x2  }
0xb9: {  	s3 =	sand.u32 $0x4000, s31;
	s1 =	sadd.s32 s1, s30  }
0xba: {  	s0 =	sor.u32 s3, s0;
	s1 =	sshll.u32 s1, $0x11  }
0xbb: {  	s0 =	sor.u32 s1, s0  }
0xbc: {  	s0 =	sadd.s32 $0x8F2B, s0  }
0xbd: {  	[sflag:s0] =	ssyncadd.remote.s32 $0x1  }
0xbe: {  	_ =	sfence.sel $0xFFFF  }
0xbf: {  	[dreg:$0x0] =	wrdreg $0xFFFFFFFF;
	(pc) =	sbr.abs _section_cstart, $3  }
0xc0: {  	[dreg:$0x1] =	wrdreg $0xFFFFFFFF  }
0xc1: {  	_ =	task.clear_ibuf [dreg:s7], $0x2FFFF;
	_ =	strace $0x9FFFFFFF  }
0xc2: {  	(tm) =	ssettm $0x7FFFFFFF  }
0xc3: {  	_ =	shalt  }
tec
execute0_lowered:
.L_overlay_start_1:
0x0: {  	(tag) =	ssettag $0x1  }
0x1: {  	s5 =	rddreg [dreg:$0x0];
	s1 =	srdreg.scid  }
0x2: {  	s0 =	stileid.u32;
	s2 =	rddreg [dreg:$0x1];
	s3 =	simm.s32 $0x0  }
0x3: {  	s11 =	simm.s32 $0x100;
	s12 =	simm.s32 $0x1400;
	s13 =	simm.s32 $0x9400  }
0x4: {  	s14 =	simm.s32 $0x1;
	s15 =	simm.s32 $0x1B400;
	s16 =	simm.s32 $0x2  }
0x5: {  	s17 =	simm.s32 $0x1BC00;
	s18 =	simm.s32 $0x3;
	s19 =	simm.s32 $0x4  }
0x6: {  	s4 =	sand.u32 $0x1, s1;
	s6 =	sshll.u32 s0, $0x1;
	s1 =	rddreg [dreg:$0x2]  }
0x7: {  	s20 =	simm.s32 $0x0;
	[smem:$0x7FF] =	sst s3;
	s6 =	sor.u32 s4, s6  }
0x8: {  	_ =	strace $0x80000047;
	s9 =	ssub.s32 $0x2, s4;
	s7 =	smul.u32 $0x280, s6  }
0x9: {  	v63 =	vimm.s32 $0x0;
	v10 =	vimm.s32 $0xA;
	v11 =	vimm.s32 $0xB;
	s4 =	sadd.s32 $0x1800, s5;
	s8 =	smul.u32 $0x1400, s6;
	s10 =	sshrl.u32 s9, $0x1  }
0xa: {  	v12 =	vimm.s32 $0xC;
	v13 =	vimm.s32 $0xD;
	v14 =	vimm.s32 $0xE;
	s6 =	smul.u32 $0x140, s6;
	s9 =	ssub.s32 s9, s10;
	s10 =	simm.s32 $0x5  }
0xb: {  	v15 =	vimm.s32 $0xF;
	v5 =	vimm.s32 $0x1;
	v6 =	vimm.s32 $0x2;
	s7 =	sadd.s32 s7, s5;
	s8 =	sadd.s32 s8, s5;
	s5 =	sadd.s32 $0x2DA00, s5  }
0xc: {  	v7 =	vimm.s32 $0x3;
	v8 =	vimm.s32 $0x4;
	v9 =	vimm.s32 $0x5;
	s9 =	smax.u32 s9, $0x1;
	s7 =	sadd.s32 $0x28A00, s7;
	s8 =	sadd.s32 $0x4FA00, s8  }
.LBB2_1:
0xd: {  	[tilespmem:s3], [sflag:$0x5] =	stream.linear.gather [hbm4b:s7+s3], $0x1400, $0x38;
	[tilespmem:$0x1C400] =	vst v63  }
0xe: {  	_ =	swait.ge [sflag:s10], $0x1400  }
0xf: {  	[sflag:s10] =	ssyncset.done $0x0  }
0x10: {  	s21 =	simm.s32 $0x11400;
	[sflag:s10] =	ssyncadd.s32 $0xFFFFEC00  }
0x11: {  	[tilespmem:s21], [sflag:$0x5] =	stream.linear.gather [hbm4b:s8+s3], $0xA000, $0x38;
	[tilespmem:$0x1C400] =	vst v63  }
0x12: {  	_ =	swait.ge [sflag:s10], $0xA000  }
0x13: {  	[sflag:s10] =	ssyncset.done $0x0  }
0x14: {  	s22 =	simm.s32 $0x11C00;
	s23 =	simm.s32 $0x0;
	[sflag:s10] =	ssyncadd.s32 $0xFFFF6000  }
0x15: {  	[tilespmem:s12], [sflag:$0x1] =	stream.indirect.gather [hbm4b:s4+s11], $0x80, s3, s11, $0xb8;
	[tilespmem:$0x1C400] =	vst v63  }
.LBB2_2:
0x16: {  	s24 =	sshllo.u32 s23, $0x1  }
0x17: {  	s25 =	sshll.u32 s24, $0x8  }
0x18: {  	s25 =	sand.u32 $0x3FFFFF00, s25  }
0x19: {  	[tilespmem:s13], [sflag:$0x2] =	stream.indirect.gather [hbm4b:s4+s11], $0x80, s25, s11, $0xb8;
	[tilespmem:$0x1C400] =	vst v63  }
0x1a: {  	_ =	swait.ge [sflag:s14], $0x8000  }
0x1b: {  	[sflag:s14] =	ssyncset.done $0x0  }
0x1c: {  	s26 =	simm.s32 $0x1800;
	v16 =	vmov s21;
	s25 =	simm.s32 $0x0;
	[sflag:s14] =	ssyncadd.s32 $0xFFFF8000  }
.LBB2_3:
0x1d: {  	v18 =	vld [tilespmem:s26+$0xFFFFFC00]  }
0x1e: {  	v19 =	vld [tilespmem:s26+$0xFFFFFC10]  }
0x1f: {  	v20 =	vld [tilespmem:s26+$0xFFFFFC20]  }
0x20: {  	v21 =	vld [tilespmem:s26+$0xFFFFFC30]  }
0x21: {  	v22 =	vld [tilespmem:s26+$0xFFFFFC40]  }
0x22: {  	v23 =	vld [tilespmem:s26+$0xFFFFFC50]  }
0x23: {  	v24 =	vld [tilespmem:s26+$0xFFFFFC60]  }
0x24: {  	v25 =	vld [tilespmem:s26+$0xFFFFFC70]  }
0x25: {  	v26 =	vld [tilespmem:s26+$0xFFFFFC80]  }
0x26: {  	v27 =	vld [tilespmem:s26+$0xFFFFFC90]  }
0x27: {  	v28 =	vld [tilespmem:s26+$0xFFFFFCA0]  }
0x28: {  	v29 =	vld [tilespmem:s26+$0xFFFFFCB0]  }
0x29: {  	v30 =	vld [tilespmem:s26+$0xFFFFFCC0]  }
0x2a: {  	v31 =	vld [tilespmem:s26+$0xFFFFFCD0]  }
0x2b: {  	v32 =	vld [tilespmem:s26+$0xFFFFFCE0]  }
0x2c: {  	v33 =	vld [tilespmem:s26+$0xFFFFFCF0]  }
0x2d: {  	v34 =	vld [tilespmem:s26+$0xFFFFFD00]  }
0x2e: {  	v35 =	vld [tilespmem:s26+$0xFFFFFD10]  }
0x2f: {  	v36 =	vld [tilespmem:s26+$0xFFFFFD20]  }
0x30: {  	v37 =	vld [tilespmem:s26+$0xFFFFFD30]  }
0x31: {  	v38 =	vld [tilespmem:s26+$0xFFFFFD40]  }
0x32: {  	v39 =	vld [tilespmem:s26+$0xFFFFFD50]  }
0x33: {  	v40 =	vld [tilespmem:s26+$0xFFFFFD60]  }
0x34: {  	v41 =	vld [tilespmem:s26+$0xFFFFFD70]  }
0x35: {  	v42 =	vld [tilespmem:s26+$0xFFFFFD80]  }
0x36: {  	v43 =	vld [tilespmem:s26+$0xFFFFFD90]  }
0x37: {  	v44 =	vld [tilespmem:s26+$0xFFFFFDA0]  }
0x38: {  	v45 =	vld [tilespmem:s26+$0xFFFFFDB0]  }
0x39: {  	v46 =	vld [tilespmem:s26+$0xFFFFFDC0]  }
0x3a: {  	v47 =	vld [tilespmem:s26+$0xFFFFFDD0]  }
0x3b: {  	v48 =	vld [tilespmem:s26+$0xFFFFFDE0]  }
0x3c: {  	v49 =	vld [tilespmem:s26+$0xFFFFFDF0]  }
0x3d: {  	v50 =	vld [tilespmem:s26+$0xFFFFFE00]  }
0x3e: {  	v51 =	vld [tilespmem:s26+$0xFFFFFE10]  }
0x3f: {  	v52 =	vld [tilespmem:s26+$0xFFFFFE20]  }
0x40: {  	v53 =	vld [tilespmem:s26+$0xFFFFFE30]  }
0x41: {  	s28 =	sshra.s32 s25, $0x2;
	v54 =	vld [tilespmem:s26+$0xFFFFFE40]  }
0x42: {  	v17 =	vld.idx.msk [tilespmem:v16+s28+$0x0 ss:$0x1], $0xffff  }
0x43: {  	v55 =	vld [tilespmem:s26+$0xFFFFFE50]  }
0x44: {  	v56 =	vld [tilespmem:s26+$0xFFFFFE60]  }
0x45: {  	v57 =	vld [tilespmem:s26+$0xFFFFFE70]  }
0x46: {  	v58 =	vld [tilespmem:s26+$0xFFFFFE80]  }
0x47: {  	v59 =	vld [tilespmem:s26+$0xFFFFFE90];
	v60 =	vperm.xlane v17, v63  }
0x48: {  	v61 =	vld [tilespmem:s26+$0xFFFFFEA0];
	v1 =	vperm.xlane v17, v5  }
0x49: {  	v62 =	vld [tilespmem:s26+$0xFFFFFEB0];
	v18 =	vmul.f32 v18, v60;
	v19 =	vmul.f32 v19, v60  }
0x4a: {  	v0 =	vld [tilespmem:s26+$0xFFFFFED0];
	v20 =	vmul.f32 v20, v60;
	v21 =	vmul.f32 v21, v60  }
0x4b: {  	v2 =	vld [tilespmem:s26+$0xFFFFFEE0];
	v22 =	vmul.f32 v22, v60;
	v23 =	vmul.f32 v23, v60  }
0x4c: {  	v3 =	vld [tilespmem:s26+$0xFFFFFEF0];
	v24 =	vmul.f32 v24, v60;
	v26 =	vmul.f32 v26, v1  }
0x4d: {  	v4 =	vld [tilespmem:s26+$0xFFFFFF00];
	v27 =	vmul.f32 v27, v1;
	v28 =	vmul.f32 v28, v1  }
0x4e: {  	v63 =	vld [tilespmem:s26+$0xFFFFFEC0];
	v25 =	vmul.f32 v25, v60;
	v18 =	vadd.f32 v26, v18;
	v26 =	vmul.f32 v29, v1  }
0x4f: {  	v60 =	vld [tilespmem:s26+$0xFFFFFF10];
	v19 =	vadd.f32 v27, v19;
	v20 =	vadd.f32 v28, v20;
	v28 =	vmul.f32 v30, v1  }
0x50: {  	v27 =	vld [tilespmem:s26+$0xFFFFFF20];
	v29 =	vperm.xlane v17, v6;
	v21 =	vadd.f32 v26, v21;
	v26 =	vmul.f32 v31, v1  }
0x51: {  	v30 =	vld [tilespmem:s26+$0xFFFFFF30];
	v31 =	vmul.f32 v32, v1;
	v1 =	vmul.f32 v33, v1  }
0x52: {  	v32 =	vld [tilespmem:s26+$0xFFFFFF40];
	v22 =	vadd.f32 v28, v22;
	v28 =	vmul.f32 v34, v29;
	v35 =	vmul.f32 v35, v29  }
0x53: {  	v33 =	vld [tilespmem:s26+$0xFFFFFF50];
	v36 =	vmul.f32 v36, v29;
	v34 =	vmul.f32 v38, v29;
	v23 =	vadd.f32 v26, v23  }
0x54: {  	v40 =	vmul.f32 v40, v29;
	v38 =	vld [tilespmem:s26+$0xFFFFFFB0];
	v24 =	vadd.f32 v31, v24;
	v1 =	vadd.f32 v1, v25  }
0x55: {  	v31 =	vld [tilespmem:s26+$0xFFFFFF60];
	v18 =	vadd.f32 v28, v18;
	v19 =	vadd.f32 v35, v19;
	v25 =	vmul.f32 v39, v29  }
0x56: {  	v28 =	vld [tilespmem:s26+$0xFFFFFF70];
	v26 =	vmul.f32 v37, v29;
	v20 =	vadd.f32 v36, v20;
	v36 =	vperm.xlane v17, v7  }
0x57: {  	v35 =	vld [tilespmem:s26+$0xFFFFFF80];
	v22 =	vadd.f32 v34, v22;
	v23 =	vadd.f32 v25, v23;
	v25 =	vmul.f32 v41, v29  }
0x58: {  	v37 =	vld [tilespmem:s26+$0xFFFFFF90];
	v21 =	vadd.f32 v26, v21;
	v29 =	vmul.f32 v42, v36;
	v26 =	vmul.f32 v43, v36  }
0x59: {  	v34 =	vld [tilespmem:s26+$0xFFFFFFA0];
	v24 =	vadd.f32 v40, v24;
	v44 =	vmul.f32 v44, v36;
	v45 =	vmul.f32 v45, v36  }
0x5a: {  	v39 =	vld [tilespmem:s26+$0xFFFFFFE0];
	v46 =	vmul.f32 v46, v36;
	v47 =	vmul.f32 v47, v36;
	v1 =	vadd.f32 v25, v1  }
0x5b: {  	v40 =	vld [tilespmem:s26+$0xFFFFFFC0];
	v41 =	vperm.xlane v17, v8;
	v18 =	vadd.f32 v29, v18;
	v19 =	vadd.f32 v26, v19  }
0x5c: {  	v42 =	vld [tilespmem:s26+$0xFFFFFFF0];
	v20 =	vadd.f32 v44, v20;
	v26 =	vmul.f32 v48, v36;
	v36 =	vmul.f32 v49, v36  }
0x5d: {  	v43 =	vld [tilespmem:s26+$0x0];
	v21 =	vadd.f32 v45, v21;
	v48 =	vmul.f32 v50, v41;
	v49 =	vmul.f32 v51, v41  }
0x5e: {  	v29 =	vld [tilespmem:s26+$0xFFFFFFD0];
	v22 =	vadd.f32 v46, v22;
	v50 =	vmul.f32 v52, v41;
	v51 =	vmul.f32 v53, v41  }
0x5f: {  	v23 =	vadd.f32 v47, v23;
	v45 =	vld [tilespmem:s26+$0x10];
	v46 =	vperm.xlane v17, v9;
	v25 =	vmul.f32 v55, v41  }
0x60: {  	v44 =	vld [tilespmem:s26+$0x30];
	v53 =	vimm.s32 $0x6;
	v56 =	vmul.f32 v56, v41;
	v24 =	vadd.f32 v26, v24  }
0x61: {  	v47 =	vld [tilespmem:s26+$0x40];
	v52 =	vmul.f32 v57, v41;
	v1 =	vadd.f32 v36, v1;
	v18 =	vadd.f32 v48, v18  }
0x62: {  	v36 =	vld [tilespmem:s26+$0x20];
	v19 =	vadd.f32 v49, v19;
	v20 =	vadd.f32 v50, v20;
	v26 =	vmul.f32 v54, v41  }
0x63: {  	v54 =	vimm.s32 $0x7;
	v49 =	vld [tilespmem:s26+$0x50];
	v55 =	vmul.f32 v58, v46;
	v57 =	vmul.f32 v61, v46  }
0x64: {  	v21 =	vadd.f32 v51, v21;
	v50 =	vld [tilespmem:s26+$0x60];
	v58 =	vmul.f32 v62, v46;
	v0 =	vmul.f32 v0, v46  }
0x65: {  	v23 =	vadd.f32 v25, v23;
	v48 =	vld [tilespmem:s26+$0x70];
	v62 =	vperm.xlane v17, v53;
	v2 =	vmul.f32 v2, v46  }
0x66: {  	v41 =	vld [tilespmem:s26+$0x80];
	v3 =	vmul.f32 v3, v46;
	v22 =	vadd.f32 v26, v22;
	v24 =	vadd.f32 v56, v24  }
0x67: {  	v53 =	vld [tilespmem:s26+$0xA0];
	v56 =	vmul.f32 v59, v46;
	v1 =	vadd.f32 v52, v1;
	v18 =	vadd.f32 v55, v18  }
0x68: {  	v25 =	vld [tilespmem:s26+$0xB0];
	v59 =	vmul.f32 v63, v46;
	v20 =	vadd.f32 v57, v20;
	v21 =	vadd.f32 v58, v21  }
0x69: {  	v52 =	vld [tilespmem:s26+$0x90];
	v0 =	vadd.f32 v0, v23;
	v4 =	vmul.f32 v4, v62;
	v57 =	vmul.f32 v60, v62  }
0x6a: {  	v23 =	vld [tilespmem:s26+$0xC0];
	v27 =	vmul.f32 v27, v62;
	v58 =	vmul.f32 v32, v62;
	v60 =	vimm.s32 $0x8  }
0x6b: {  	v46 =	vld [tilespmem:s26+$0xD0];
	v61 =	vmul.f32 v31, v62;
	v19 =	vadd.f32 v56, v19;
	v22 =	vadd.f32 v59, v22  }
0x6c: {  	v32 =	vld [tilespmem:s26+$0x100];
	v26 =	vmul.f32 v28, v62;
	v2 =	vadd.f32 v2, v24;
	v1 =	vadd.f32 v3, v1  }
0x6d: {  	v28 =	vld [tilespmem:s26+$0x110];
	v3 =	vadd.f32 v4, v18;
	v4 =	vmul.f32 v30, v62;
	v20 =	vadd.f32 v27, v20  }
0x6e: {  	v31 =	vld [tilespmem:s26+$0x140];
	v59 =	vmul.f32 v33, v62;
	v30 =	vperm.xlane v17, v54;
	v54 =	vimm.s32 $0x9  }
0x6f: {  	v18 =	vld [tilespmem:s26+$0xE0];
	v54 =	vperm.xlane v17, v54;
	v19 =	vadd.f32 v57, v19;
	v4 =	vadd.f32 v4, v21  }
0x70: {  	v27 =	vld [tilespmem:s26+$0xF0];
	v22 =	vadd.f32 v58, v22;
	v62 =	vmul.f32 v35, v30;
	v55 =	vmul.f32 v37, v30  }
0x71: {  	v33 =	vld [tilespmem:s26+$0x120];
	v0 =	vadd.f32 v59, v0;
	v56 =	vmul.f32 v34, v30;
	v57 =	vmul.f32 v38, v30  }
0x72: {  	v1 =	vadd.f32 v26, v1;
	v26 =	vld [tilespmem:s26+$0x130];
	v58 =	vmul.f32 v40, v30;
	v59 =	vperm.xlane v17, v60  }
0x73: {  	v2 =	vadd.f32 v61, v2;
	v35 =	vld [tilespmem:s26+$0x150];
	v60 =	vmul.f32 v29, v30;
	v61 =	vmul.f32 v39, v30  }
0x74: {  	v37 =	vld [tilespmem:s26+$0x160];
	v3 =	vadd.f32 v62, v3;
	v19 =	vadd.f32 v55, v19;
	v62 =	vmul.f32 v42, v30  }
0x75: {  	v38 =	vld [tilespmem:s26+$0x170];
	v20 =	vadd.f32 v56, v20;
	v40 =	vmul.f32 v43, v59;
	v42 =	vmul.f32 v45, v59  }
0x76: {  	v29 =	vld [tilespmem:s26+$0x180];
	v4 =	vadd.f32 v57, v4;
	v43 =	vmul.f32 v36, v59;
	v45 =	vmul.f32 v44, v59  }
0x77: {  	v39 =	vld [tilespmem:s26+$0x1A0];
	v22 =	vadd.f32 v58, v22;
	v47 =	vmul.f32 v47, v59;
	v51 =	vmul.f32 v49, v59  }
0x78: {  	v34 =	vld [tilespmem:s26+$0x280];
	v0 =	vadd.f32 v60, v0;
	v56 =	vmul.f32 v50, v59;
	v57 =	vmul.f32 v48, v59  }
0x79: {  	v2 =	vadd.f32 v61, v2;
	v30 =	vld [tilespmem:s26+$0x190];
	v58 =	vmul.f32 v41, v54;
	v59 =	vmul.f32 v52, v54  }
0x7a: {  	v36 =	vld [tilespmem:s26+$0x1C0];
	v60 =	vmul.f32 v53, v54;
	v61 =	vmul.f32 v25, v54;
	v1 =	vadd.f32 v62, v1  }
0x7b: {  	v41 =	vld [tilespmem:s26+$0x1D0];
	v53 =	vperm.xlane v17, v11;
	v3 =	vadd.f32 v40, v3;
	v19 =	vadd.f32 v42, v19  }
0x7c: {  	v44 =	vld [tilespmem:s26+$0x1E0];
	v18 =	vmul.f32 v18, v54;
	v20 =	vadd.f32 v43, v20;
	v4 =	vadd.f32 v45, v4  }
0x7d: {  	v25 =	vld [tilespmem:s26+$0x1F0];
	v55 =	vadd.f32 v47, v22;
	v0 =	vadd.f32 v51, v0;
	v62 =	vmul.f32 v23, v54  }
0x7e: {  	v48 =	vld [tilespmem:s26+$0x220];
	v2 =	vadd.f32 v56, v2;
	v45 =	vmul.f32 v46, v54;
	v46 =	vperm.xlane v17, v10  }
0x7f: {  	v50 =	vld [tilespmem:s26+$0x230];
	v47 =	vmul.f32 v27, v54;
	v40 =	vperm.xlane v17, v12;
	v1 =	vadd.f32 v57, v1  }
0x80: {  	v42 =	vld [tilespmem:s26+$0x1B0];
	v29 =	vmul.f32 v29, v53;
	v3 =	vadd.f32 v58, v3;
	v19 =	vadd.f32 v59, v19  }
0x81: {  	v23 =	vld [tilespmem:s26+$0x200];
	v20 =	vadd.f32 v60, v20;
	v49 =	vmul.f32 v32, v46;
	v28 =	vmul.f32 v28, v46  }
0x82: {  	v43 =	vld [tilespmem:s26+$0x210];
	v2 =	vadd.f32 v18, v2;
	v18 =	vmul.f32 v33, v46;
	v51 =	vmul.f32 v26, v46  }
0x83: {  	v22 =	vld [tilespmem:s26+$0x240];
	v4 =	vadd.f32 v61, v4;
	v52 =	vmul.f32 v31, v46;
	v54 =	vmul.f32 v35, v46  }
0x84: {  	v56 =	vld [tilespmem:s26+$0x270];
	v21 =	vadd.f32 v62, v55;
	v55 =	vmul.f32 v37, v46;
	v57 =	vmul.f32 v38, v46  }
0x85: {  	v0 =	vadd.f32 v45, v0;
	v26 =	vld [tilespmem:s26+$0x250];
	v59 =	vmul.f32 v39, v53;
	v58 =	vmul.f32 v30, v53  }
0x86: {  	v31 =	vld [tilespmem:s26+$0x260];
	v61 =	vmul.f32 v36, v53;
	v62 =	vmul.f32 v41, v53;
	v1 =	vadd.f32 v47, v1  }
0x87: {  	v46 =	vld [tilespmem:s26+$0x2E0];
	v45 =	vmul.f32 v25, v53;
	v3 =	vadd.f32 v49, v3;
	v19 =	vadd.f32 v28, v19  }
0x88: {  	v39 =	vld [tilespmem:s26+$0x370];
	v27 =	vmul.f32 v48, v40;
	v18 =	vadd.f32 v18, v20;
	v4 =	vadd.f32 v51, v4  }
0x89: {  	v30 =	vld [tilespmem:s26+$0x290];
	v20 =	vadd.f32 v52, v21;
	v0 =	vadd.f32 v54, v0;
	v49 =	vmul.f32 v50, v40  }
0x8a: {  	v36 =	vld [tilespmem:s26+$0x2B0];
	v2 =	vadd.f32 v55, v2;
	v60 =	vmul.f32 v42, v53;
	v42 =	vmul.f32 v44, v53  }
0x8b: {  	v41 =	vld [tilespmem:s26+$0x2C0];
	v23 =	vmul.f32 v23, v40;
	v47 =	vmul.f32 v43, v40;
	v1 =	vadd.f32 v57, v1  }
0x8c: {  	v48 =	vld [tilespmem:s26+$0x2F0];
	v22 =	vmul.f32 v22, v40;
	v3 =	vadd.f32 v29, v3;
	v19 =	vadd.f32 v58, v19  }
0x8d: {  	v50 =	vld [tilespmem:s26+$0x300];
	v53 =	vperm.xlane v17, v13;
	v18 =	vadd.f32 v59, v18;
	v20 =	vadd.f32 v61, v20  }
0x8e: {  	v51 =	vld [tilespmem:s26+$0x310];
	v56 =	vmul.f32 v56, v40;
	v0 =	vadd.f32 v62, v0;
	v4 =	vadd.f32 v60, v4  }
0x8f: {  	v54 =	vld [tilespmem:s26+$0x320];
	v2 =	vadd.f32 v42, v2;
	v52 =	vmul.f32 v26, v40;
	v55 =	vmul.f32 v31, v40  }
0x90: {  	v44 =	vld [tilespmem:s26+$0x2D0];
	v58 =	vmul.f32 v34, v53;
	v1 =	vadd.f32 v45, v1;
	v3 =	vadd.f32 v23, v3  }
0x91: {  	v29 =	vld [tilespmem:s26+$0x2A0];
	v40 =	vmul.f32 v46, v53;
	v19 =	vadd.f32 v47, v19;
	v18 =	vadd.f32 v27, v18  }
0x92: {  	v57 =	vld [tilespmem:s26+$0x330];
	v20 =	vadd.f32 v22, v20;
	v30 =	vmul.f32 v30, v53;
	v62 =	vmul.f32 v36, v53  }
0x93: {  	v59 =	vld [tilespmem:s26+$0x340];
	v37 =	vmul.f32 v41, v53;
	v41 =	vperm.xlane v17, v14;
	v4 =	vadd.f32 v49, v4  }
0x94: {  	v61 =	vld [tilespmem:s26+$0x350];
	v43 =	vmul.f32 v48, v53;
	v0 =	vadd.f32 v52, v0;
	v2 =	vadd.f32 v55, v2  }
0x95: {  	v42 =	vld [tilespmem:s26+$0x380];
	v17 =	vperm.xlane v17, v15;
	v1 =	vadd.f32 v56, v1;
	v3 =	vadd.f32 v58, v3  }
0x96: {  	v47 =	vld [tilespmem:s26+$0x3A0];
	v19 =	vadd.f32 v30, v19;
	v38 =	vmul.f32 v44, v53;
	v45 =	vmul.f32 v50, v41  }
0x97: {  	v49 =	vld [tilespmem:s26+$0x3B0];
	v20 =	vadd.f32 v37, v20;
	v46 =	vmul.f32 v51, v41;
	v48 =	vmul.f32 v54, v41  }
0x98: {  	v44 =	vld [tilespmem:s26+$0x390];
	v60 =	vmul.f32 v29, v53;
	v4 =	vadd.f32 v62, v4;
	v50 =	vmul.f32 v57, v41  }
0x99: {  	v36 =	vld [tilespmem:s26+$0x360];
	v2 =	vadd.f32 v40, v2;
	v52 =	vmul.f32 v59, v41;
	v55 =	vmul.f32 v61, v41  }
0x9a: {  	v51 =	vld [tilespmem:s26+$0x3C0];
	v0 =	vadd.f32 v38, v0;
	v3 =	vadd.f32 v45, v3;
	v53 =	vmul.f32 v42, v17  }
0x9b: {  	v56 =	vld [tilespmem:s26+$0x3E0];
	v61 =	vmul.f32 v39, v41;
	v1 =	vadd.f32 v43, v1;
	v18 =	vadd.f32 v60, v18  }
0x9c: {  	v54 =	vld [tilespmem:s26+$0x3D0];
	v4 =	vadd.f32 v50, v4;
	v3 =	vadd.f32 v53, v3;
	v59 =	vmul.f32 v49, v17  }
0x9d: {  	v58 =	vld [tilespmem:s26+$0x3F0];
	v19 =	vadd.f32 v46, v19;
	v57 =	vmul.f32 v47, v17;
	v26 =	vmul.f32 v44, v17  }
0x9e: {  	v18 =	vadd.f32 v48, v18;
	[tilespmem:s28+$0x1B400] =	vst v3;
	v3 =	vmul.f32 v36, v41;
	v4 =	vadd.f32 v59, v4  }
0x9f: {  	v20 =	vadd.f32 v52, v20;
	v60 =	vmul.f32 v51, v17;
	v19 =	vadd.f32 v26, v19  }
0xa0: {  	v62 =	vmul.f32 v56, v17;
	v18 =	vadd.f32 v57, v18;
	v2 =	vadd.f32 v3, v2;
	[tilespmem:s28+$0x1B430] =	vst v4  }
0xa1: {  	p0 =	sne.s32 s25, $0x1E00;
	v0 =	vadd.f32 v55, v0;
	v3 =	vadd.f32 v60, v20;
	[tilespmem:s28+$0x1B410] =	vst v19;
	v19 =	vmul.f32 v54, v17  }
.Ltmp0:
0xa2: {  	v1 =	vadd.f32 v61, v1;
	[tilespmem:s28+$0x1B420] =	vst v18;
	v17 =	vmul.f32 v58, v17;
	v2 =	vadd.f32 v62, v2;
	(pc) =	sbr.rel @p0 .LBB2_3-.Ltmp0, $4  }
0xa3: {  	[tilespmem:s28+$0x1B440] =	vst v3;
	v0 =	vadd.f32 v19, v0  }
0xa4: {  	v1 =	vadd.f32 v17, v1;
	[tilespmem:s28+$0x1B460] =	vst v2  }
0xa5: {  	[tilespmem:s28+$0x1B450] =	vst v0  }
0xa6: {  	s25 =	sadd.s32 $0x200, s25;
	v63 =	vimm.s32 $0x0;
	s26 =	sadd.s32 $0x800, s26;
	[tilespmem:s28+$0x1B470] =	vst v1  }
0xa7: {  	s25 =	sshll.u32 s23, $0x5  }
0xa8: {  	p0 =	seq.s32 s23, $0x0;
	s25 =	sadd.s32 s6, s25  }
0xa9: {  	s26 =	simm.s32 @!p0 $0x3;
	p1 =	sgt.u32 s25, $0x270F  }
0xaa: {  	_ =	swait.ge @!p0 [sflag:s26], $0x800;
	s25 =	sshll.u32 @!p1 s25, $0x4  }
0xab: {  	[sflag:s26] =	ssyncset.done @!p0 $0x0;
	s25 =	sadd.s32 @!p1 s2, s25  }
0xac: {  	[sflag:s26] =	ssyncadd.s32 @!p0 $0xFFFFF800;
	s25 =	smov.u32 @p1 s5;
	p1 =	seq.s32 s23, $0x9  }
0xad: {  	[hbm4b:s25+s3] =	stream.linear.scatter [tilespmem:s15], [sflag:$0x3], $0x800, $0x38;
	[tilespmem:$0x1C400] =	vst v63  }
0xae: {  	s25 =	sshll.u32 @!p1 s23, $0x9  }
0xaf: {  	s25 =	sand.u32 @!p1 $0x3FFFFE00, s25  }
0xb0: {  	s26 =	simm.s32 @!p1 $0x100;
	s28 =	simm.s32 @!p1 $0x1400;
	s25 =	sadd.s32 @!p1 $0x200, s25  }
0xb1: {  	[tilespmem:s28], [sflag:$0x1] =	stream.indirect.gather @!p1 [hbm4b:s4+s26], $0x80, s25, s26, $0xb8;
	[tilespmem:$0x1C400] =	vst v63  }
0xb2: {  	_ =	swait.ge [sflag:s16], $0x8000  }
0xb3: {  	s25 =	simm.s32 $0x0;
	[sflag:s16] =	ssyncset.done $0x0  }
0xb4: {  	s26 =	simm.s32 $0x1BC70;
	s28 =	smov.u32 s22;
	[sflag:s16] =	ssyncadd.s32 $0xFFFF8000  }
.LBB2_5:
0xb5: {  	v16 =	vld [tilespmem:s28+$0x0];
	s29 =	sshra.s32 s25, $0x2  }
0xb6: {  	v0 =	vld [tilespmem:s29+$0x9400]  }
0xb7: {  	v1 =	vld [tilespmem:s29+$0x9410]  }
0xb8: {  	v2 =	vld [tilespmem:s29+$0x9420]  }
0xb9: {  	v3 =	vld [tilespmem:s29+$0x9430]  }
0xba: {  	v4 =	vld [tilespmem:s29+$0x9440]  }
0xbb: {  	v17 =	vld [tilespmem:s29+$0x9450]  }
0xbc: {  	v18 =	vld [tilespmem:s29+$0x9460]  }
0xbd: {  	v19 =	vld [tilespmem:s29+$0x9470]  }
0xbe: {  	v20 =	vld [tilespmem:s29+$0x9480]  }
0xbf: {  	v21 =	vld [tilespmem:s29+$0x9490]  }
0xc0: {  	v22 =	vld [tilespmem:s29+$0x94A0]  }
0xc1: {  	v23 =	vld [tilespmem:s29+$0x94B0]  }
0xc2: {  	v24 =	vld [tilespmem:s29+$0x94C0]  }
0xc3: {  	v25 =	vld [tilespmem:s29+$0x94D0]  }
0xc4: {  	v26 =	vld [tilespmem:s29+$0x94E0]  }
0xc5: {  	v27 =	vld [tilespmem:s29+$0x94F0]  }
0xc6: {  	v28 =	vld [tilespmem:s29+$0x9500]  }
0xc7: {  	v29 =	vld [tilespmem:s29+$0x9510]  }
0xc8: {  	v30 =	vld [tilespmem:s29+$0x9520]  }
0xc9: {  	v31 =	vld [tilespmem:s29+$0x9530]  }
0xca: {  	v32 =	vld [tilespmem:s29+$0x9540]  }
0xcb: {  	v33 =	vld [tilespmem:s29+$0x9550]  }
0xcc: {  	v34 =	vld [tilespmem:s29+$0x9560]  }
0xcd: {  	v35 =	vld [tilespmem:s29+$0x9570]  }
0xce: {  	v36 =	vld [tilespmem:s29+$0x9580]  }
0xcf: {  	v37 =	vld [tilespmem:s29+$0x9590]  }
0xd0: {  	v38 =	vld [tilespmem:s29+$0x95A0]  }
0xd1: {  	v39 =	vld [tilespmem:s29+$0x95B0]  }
0xd2: {  	v40 =	vld [tilespmem:s29+$0x95C0]  }
0xd3: {  	v41 =	vld [tilespmem:s29+$0x95D0]  }
0xd4: {  	v42 =	vld [tilespmem:s29+$0x95E0]  }
0xd5: {  	v43 =	vld [tilespmem:s29+$0x95F0]  }
0xd6: {  	v44 =	vld [tilespmem:s29+$0x9600]  }
0xd7: {  	v45 =	vld [tilespmem:s29+$0x9610]  }
0xd8: {  	v46 =	vld [tilespmem:s29+$0x9620]  }
0xd9: {  	v47 =	vld [tilespmem:s29+$0x9630]  }
0xda: {  	v48 =	vld [tilespmem:s29+$0x9640]  }
0xdb: {  	v49 =	vld [tilespmem:s29+$0x9650]  }
0xdc: {  	v50 =	vld [tilespmem:s29+$0x9660]  }
0xdd: {  	v51 =	vld [tilespmem:s29+$0x9670]  }
0xde: {  	v52 =	vld [tilespmem:s29+$0x9680]  }
0xdf: {  	v53 =	vld [tilespmem:s29+$0x9690];
	v54 =	vperm.xlane v16, v63  }
0xe0: {  	v55 =	vld [tilespmem:s29+$0x96A0]  }
0xe1: {  	v56 =	vld [tilespmem:s29+$0x96B0];
	v59 =	vperm.xlane v16, v5;
	v0 =	vmul.f32 v0, v54  }
0xe2: {  	v57 =	vld [tilespmem:s29+$0x96C0];
	v1 =	vmul.f32 v1, v54;
	v2 =	vmul.f32 v2, v54  }
0xe3: {  	v58 =	vld [tilespmem:s29+$0x96D0];
	v3 =	vmul.f32 v3, v54;
	v4 =	vmul.f32 v4, v54  }
0xe4: {  	v60 =	vld [tilespmem:s29+$0x96E0];
	v17 =	vmul.f32 v17, v54;
	v18 =	vmul.f32 v18, v54  }
0xe5: {  	v61 =	vld [tilespmem:s29+$0x96F0];
	v20 =	vmul.f32 v20, v59;
	v21 =	vmul.f32 v21, v59  }
0xe6: {  	v62 =	vld [tilespmem:s29+$0x9700];
	v19 =	vmul.f32 v19, v54;
	v22 =	vmul.f32 v22, v59  }
0xe7: {  	v54 =	vld [tilespmem:s29+$0x9710];
	v0 =	vadd.f32 v20, v0;
	v1 =	vadd.f32 v21, v1;
	v20 =	vmul.f32 v23, v59  }
0xe8: {  	v21 =	vld [tilespmem:s29+$0x9720];
	v2 =	vadd.f32 v22, v2;
	v22 =	vmul.f32 v24, v59;
	v23 =	vperm.xlane v16, v6  }
0xe9: {  	v24 =	vld [tilespmem:s29+$0x9730];
	v3 =	vadd.f32 v20, v3;
	v20 =	vmul.f32 v25, v59;
	v25 =	vmul.f32 v26, v59  }
0xea: {  	v26 =	vld [tilespmem:s29+$0x9740];
	v4 =	vadd.f32 v22, v4;
	v22 =	vmul.f32 v27, v59;
	v59 =	vmul.f32 v28, v23  }
0xeb: {  	v28 =	vld [tilespmem:s29+$0x9750];
	v17 =	vadd.f32 v20, v17;
	v20 =	vmul.f32 v29, v23  }
0xec: {  	v27 =	vld [tilespmem:s29+$0x9770];
	v18 =	vadd.f32 v25, v18;
	v0 =	vadd.f32 v59, v0;
	v59 =	vmul.f32 v30, v23  }
0xed: {  	v25 =	vld [tilespmem:s29+$0x9760];
	v19 =	vadd.f32 v22, v19;
	v1 =	vadd.f32 v20, v1;
	v20 =	vmul.f32 v31, v23  }
0xee: {  	v30 =	vld [tilespmem:s29+$0x9780];
	v2 =	vadd.f32 v59, v2;
	v59 =	vmul.f32 v33, v23;
	v31 =	vperm.xlane v16, v7  }
0xef: {  	v29 =	vmul.f32 v32, v23;
	v32 =	vld [tilespmem:s29+$0x9790];
	v3 =	vadd.f32 v20, v3;
	v20 =	vmul.f32 v34, v23  }
0xf0: {  	v22 =	vld [tilespmem:s29+$0x98F0];
	v17 =	vadd.f32 v59, v17;
	v59 =	vmul.f32 v35, v23;
	v36 =	vmul.f32 v36, v31  }
0xf1: {  	v4 =	vadd.f32 v29, v4;
	v29 =	vld [tilespmem:s29+$0x97A0];
	v37 =	vmul.f32 v37, v31;
	v38 =	vmul.f32 v38, v31  }
0xf2: {  	v33 =	vld [tilespmem:s29+$0x97B0];
	v39 =	vmul.f32 v39, v31;
	v40 =	vmul.f32 v40, v31;
	v18 =	vadd.f32 v20, v18  }
0xf3: {  	v35 =	vld [tilespmem:s29+$0x97C0];
	v41 =	vmul.f32 v41, v31;
	v19 =	vadd.f32 v59, v19;
	v0 =	vadd.f32 v36, v0  }
0xf4: {  	v23 =	vld [tilespmem:s29+$0x97D0];
	v1 =	vadd.f32 v37, v1;
	v36 =	vperm.xlane v16, v8;
	v59 =	vmul.f32 v42, v31  }
0xf5: {  	v34 =	vld [tilespmem:s29+$0x97E0];
	v31 =	vmul.f32 v43, v31;
	v17 =	vadd.f32 v41, v17;
	v41 =	vperm.xlane v16, v9  }
0xf6: {  	v2 =	vadd.f32 v38, v2;
	v37 =	vld [tilespmem:s29+$0x97F0];
	v44 =	vmul.f32 v44, v36;
	v45 =	vmul.f32 v45, v36  }
0xf7: {  	v3 =	vadd.f32 v39, v3;
	v38 =	vld [tilespmem:s29+$0x9800];
	v46 =	vmul.f32 v46, v36;
	v47 =	vmul.f32 v47, v36  }
0xf8: {  	v4 =	vadd.f32 v40, v4;
	v40 =	vld [tilespmem:s29+$0x9810];
	v48 =	vmul.f32 v48, v36;
	v49 =	vmul.f32 v49, v36  }
0xf9: {  	v39 =	vld [tilespmem:s29+$0x9830];
	v18 =	vadd.f32 v59, v18;
	v50 =	vmul.f32 v50, v36;
	v51 =	vmul.f32 v51, v36  }
0xfa: {  	v42 =	vld [tilespmem:s29+$0x9840];
	v19 =	vadd.f32 v31, v19;
	v59 =	vmul.f32 v52, v41;
	v52 =	vmul.f32 v55, v41  }
0xfb: {  	v43 =	vld [tilespmem:s29+$0x9870];
	v55 =	vmul.f32 v56, v41;
	v56 =	vmul.f32 v57, v41;
	v0 =	vadd.f32 v44, v0  }
0xfc: {  	v31 =	vld [tilespmem:s29+$0x9820];
	v57 =	vmul.f32 v58, v41;
	v1 =	vadd.f32 v45, v1;
	v2 =	vadd.f32 v46, v2  }
0xfd: {  	v36 =	vld [tilespmem:s29+$0x9880];
	v58 =	vmul.f32 v60, v41;
	v3 =	vadd.f32 v47, v3;
	v4 =	vadd.f32 v48, v4  }
0xfe: {  	v44 =	vld [tilespmem:s29+$0x9850];
	v17 =	vadd.f32 v49, v17;
	v18 =	vadd.f32 v50, v18;
	v47 =	vmul.f32 v53, v41  }
0xff: {  	v45 =	vld [tilespmem:s29+$0x9860];
	v19 =	vadd.f32 v51, v19;
	v53 =	vimm.s32 $0x6;
	v0 =	vadd.f32 v59, v0  }
0x100: {  	v49 =	vld [tilespmem:s29+$0x98A0];
	v48 =	vperm.xlane v16, v53;
	v1 =	vadd.f32 v47, v1;
	v2 =	vadd.f32 v52, v2  }
0x101: {  	v46 =	vld [tilespmem:s29+$0x98B0];
	v53 =	vimm.s32 $0x8;
	v3 =	vadd.f32 v55, v3;
	v4 =	vadd.f32 v56, v4  }
0x102: {  	v50 =	vld [tilespmem:s29+$0x98C0];
	v17 =	vadd.f32 v57, v17;
	v59 =	vmul.f32 v61, v41;
	v18 =	vadd.f32 v58, v18  }
0x103: {  	v51 =	vld [tilespmem:s29+$0x98D0];
	v60 =	vmul.f32 v62, v48;
	v61 =	vmul.f32 v54, v48;
	v54 =	vimm.s32 $0x9  }
0x104: {  	v47 =	vld [tilespmem:s29+$0x9890];
	v62 =	vimm.s32 $0x7;
	v21 =	vmul.f32 v21, v48;
	v55 =	vmul.f32 v24, v48  }
0x105: {  	v24 =	vld [tilespmem:s29+$0x98E0];
	v56 =	vmul.f32 v26, v48;
	v57 =	vmul.f32 v28, v48;
	v19 =	vadd.f32 v59, v19  }
0x106: {  	v28 =	vld [tilespmem:s29+$0x9900];
	v58 =	vperm.xlane v16, v62;
	v59 =	vmul.f32 v25, v48;
	v0 =	vadd.f32 v60, v0  }
0x107: {  	v26 =	vld [tilespmem:s29+$0x9990];
	v1 =	vadd.f32 v61, v1;
	v2 =	vadd.f32 v21, v2;
	v60 =	vmul.f32 v27, v48  }
0x108: {  	v25 =	vld [tilespmem:s29+$0x9930];
	v3 =	vadd.f32 v55, v3;
	v55 =	vperm.xlane v16, v53;
	v61 =	vmul.f32 v30, v58  }
0x109: {  	v4 =	vadd.f32 v56, v4;
	v27 =	vld [tilespmem:s29+$0x9910];
	v62 =	vmul.f32 v32, v58;
	v41 =	vmul.f32 v29, v58  }
0x10a: {  	v17 =	vadd.f32 v57, v17;
	v32 =	vld [tilespmem:s29+$0x9920];
	v48 =	vmul.f32 v33, v58;
	v52 =	vmul.f32 v35, v58  }
0x10b: {  	v18 =	vadd.f32 v59, v18;
	v29 =	vld [tilespmem:s29+$0x9940];
	v56 =	vmul.f32 v23, v58;
	v57 =	vmul.f32 v34, v58  }
0x10c: {  	v33 =	vld [tilespmem:s29+$0x9950];
	v58 =	vmul.f32 v37, v58;
	v19 =	vadd.f32 v60, v19;
	v59 =	vmul.f32 v38, v55  }
0x10d: {  	v34 =	vld [tilespmem:s29+$0x9960];
	v60 =	vmul.f32 v40, v55;
	v0 =	vadd.f32 v61, v0;
	v1 =	vadd.f32 v62, v1  }
0x10e: {  	v35 =	vld [tilespmem:s29+$0x9970];
	v42 =	vmul.f32 v42, v55;
	v2 =	vadd.f32 v41, v2;
	v3 =	vadd.f32 v48, v3  }
0x10f: {  	v23 =	vld [tilespmem:s29+$0x9980];
	v53 =	vmul.f32 v45, v55;
	v4 =	vadd.f32 v52, v4;
	v17 =	vadd.f32 v56, v17  }
0x110: {  	v37 =	vld [tilespmem:s29+$0x99A0];
	v18 =	vadd.f32 v57, v18;
	v61 =	vmul.f32 v31, v55;
	v62 =	vmul.f32 v39, v55  }
0x111: {  	v30 =	vld [tilespmem:s29+$0x99F0];
	v48 =	vmul.f32 v44, v55;
	v52 =	vperm.xlane v16, v54;
	v19 =	vadd.f32 v58, v19  }
0x112: {  	v40 =	vld [tilespmem:s29+$0x9A00];
	v54 =	vmul.f32 v43, v55;
	v0 =	vadd.f32 v59, v0;
	v1 =	vadd.f32 v60, v1  }
0x113: {  	v39 =	vld [tilespmem:s29+$0x99B0];
	v2 =	vadd.f32 v61, v2;
	v55 =	vmul.f32 v36, v52;
	v56 =	vmul.f32 v47, v52  }
0x114: {  	v31 =	vld [tilespmem:s29+$0x99C0];
	v3 =	vadd.f32 v62, v3;
	v57 =	vmul.f32 v49, v52;
	v58 =	vmul.f32 v46, v52  }
0x115: {  	v41 =	vld [tilespmem:s29+$0x99E0];
	v4 =	vadd.f32 v42, v4;
	v59 =	vmul.f32 v50, v52;
	v60 =	vmul.f32 v51, v52  }
0x116: {  	v43 =	vld [tilespmem:s29+$0x9A10];
	v17 =	vadd.f32 v48, v17;
	v61 =	vperm.xlane v16, v10;
	v62 =	vmul.f32 v24, v52  }
0x117: {  	v44 =	vld [tilespmem:s29+$0x9A30];
	v18 =	vadd.f32 v53, v18;
	v22 =	vmul.f32 v22, v52;
	v49 =	vperm.xlane v16, v11  }
0x118: {  	v36 =	vld [tilespmem:s29+$0x99D0];
	v19 =	vadd.f32 v54, v19;
	v0 =	vadd.f32 v55, v0;
	v38 =	vmul.f32 v28, v61  }
0x119: {  	v24 =	vld [tilespmem:s29+$0x9A20];
	v1 =	vadd.f32 v56, v1;
	v27 =	vmul.f32 v27, v61;
	v45 =	vmul.f32 v32, v61  }
0x11a: {  	v46 =	vld [tilespmem:s29+$0x9A40];
	v2 =	vadd.f32 v57, v2;
	v47 =	vmul.f32 v25, v61;
	v48 =	vmul.f32 v29, v61  }
0x11b: {  	v52 =	vld [tilespmem:s29+$0x9A70];
	v3 =	vadd.f32 v58, v3;
	v50 =	vmul.f32 v33, v61;
	v51 =	vmul.f32 v34, v61  }
0x11c: {  	v4 =	vadd.f32 v59, v4;
	v25 =	vld [tilespmem:s29+$0x9A50];
	v53 =	vmul.f32 v35, v61;
	v23 =	vmul.f32 v23, v49  }
0x11d: {  	v17 =	vadd.f32 v60, v17;
	v29 =	vld [tilespmem:s29+$0x9A60];
	v54 =	vmul.f32 v26, v49;
	v55 =	vmul.f32 v37, v49  }
0x11e: {  	v18 =	vadd.f32 v62, v18;
	v34 =	vld [tilespmem:s29+$0x9A80];
	v59 =	vperm.xlane v16, v12;
	v62 =	vmul.f32 v30, v49  }
0x11f: {  	v26 =	vld [tilespmem:s29+$0x9A90];
	v19 =	vadd.f32 v22, v19;
	v57 =	vmul.f32 v39, v49;
	v0 =	vadd.f32 v38, v0  }
0x120: {  	v56 =	vld [tilespmem:s29+$0x9AA0];
	v31 =	vmul.f32 v31, v49;
	v1 =	vadd.f32 v27, v1;
	v2 =	vadd.f32 v45, v2  }
0x121: {  	v32 =	vld [tilespmem:s29+$0x9AB0];
	v60 =	vmul.f32 v41, v49;
	v3 =	vadd.f32 v47, v3;
	v4 =	vadd.f32 v48, v4  }
0x122: {  	v61 =	vld [tilespmem:s29+$0x9AD0];
	v17 =	vadd.f32 v50, v17;
	v40 =	vmul.f32 v40, v59;
	v42 =	vmul.f32 v43, v59  }
0x123: {  	v41 =	vld [tilespmem:s29+$0x9AE0];
	v18 =	vadd.f32 v51, v18;
	v44 =	vmul.f32 v44, v59;
	v38 =	vperm.xlane v16, v14  }
0x124: {  	v39 =	vld [tilespmem:s29+$0x9B80];
	v19 =	vadd.f32 v53, v19;
	v58 =	vmul.f32 v36, v49;
	v24 =	vmul.f32 v24, v59  }
0x125: {  	v43 =	vld [tilespmem:s29+$0x9AF0];
	v46 =	vmul.f32 v46, v59;
	v49 =	vperm.xlane v16, v13;
	v0 =	vadd.f32 v23, v0  }
0x126: {  	v45 =	vld [tilespmem:s29+$0x9B00];
	v52 =	vmul.f32 v52, v59;
	v1 =	vadd.f32 v54, v1;
	v2 =	vadd.f32 v55, v2  }
0x127: {  	v47 =	vld [tilespmem:s29+$0x9B10];
	v16 =	vperm.xlane v16, v15;
	v3 =	vadd.f32 v57, v3;
	v4 =	vadd.f32 v31, v4  }
0x128: {  	v50 =	vld [tilespmem:s29+$0x9B20];
	v18 =	vadd.f32 v60, v18;
	v17 =	vadd.f32 v58, v17;
	v48 =	vmul.f32 v25, v59  }
0x129: {  	v36 =	vld [tilespmem:s29+$0x9AC0];
	v19 =	vadd.f32 v62, v19;
	v51 =	vmul.f32 v29, v59;
	v54 =	vmul.f32 v34, v49  }
0x12a: {  	v53 =	vld [tilespmem:s29+$0x9B30];
	v26 =	vmul.f32 v26, v49;
	v56 =	vmul.f32 v56, v49;
	v0 =	vadd.f32 v40, v0  }
0x12b: {  	v55 =	vld [tilespmem:s29+$0x9B40];
	v58 =	vmul.f32 v32, v49;
	v1 =	vadd.f32 v42, v1;
	v2 =	vadd.f32 v24, v2  }
0x12c: {  	v57 =	vld [tilespmem:s29+$0x9B50];
	v61 =	vmul.f32 v61, v49;
	v3 =	vadd.f32 v44, v3;
	v4 =	vadd.f32 v46, v4  }
0x12d: {  	v59 =	vld [tilespmem:s29+$0x9B60];
	v17 =	vadd.f32 v48, v17;
	v18 =	vadd.f32 v51, v18;
	v40 =	vmul.f32 v43, v49  }
0x12e: {  	v62 =	vld [tilespmem:s29+$0x9B70];
	v19 =	vadd.f32 v52, v19;
	v42 =	vmul.f32 v45, v38;
	v22 =	vmul.f32 v47, v38  }
0x12f: {  	v43 =	vld [tilespmem:s29+$0x9BA0];
	v44 =	vmul.f32 v50, v38;
	v0 =	vadd.f32 v54, v0;
	v1 =	vadd.f32 v26, v1  }
0x130: {  	v45 =	vld [tilespmem:s29+$0x9BB0];
	v2 =	vadd.f32 v56, v2;
	v60 =	vmul.f32 v36, v49;
	v3 =	vadd.f32 v58, v3  }
0x131: {  	v47 =	vld [tilespmem:s29+$0x9BC0];
	v36 =	vmul.f32 v41, v49;
	v46 =	vmul.f32 v53, v38;
	v17 =	vadd.f32 v61, v17  }
0x132: {  	v50 =	vld [tilespmem:s29+$0x9BD0];
	v49 =	vmul.f32 v39, v16;
	v19 =	vadd.f32 v40, v19;
	v4 =	vadd.f32 v60, v4  }
0x133: {  	v41 =	vld [tilespmem:s29+$0x9B90];
	v48 =	vmul.f32 v55, v38;
	v18 =	vadd.f32 v36, v18;
	v0 =	vadd.f32 v42, v0  }
0x134: {  	v53 =	vld [tilespmem:s29+$0x9BE0];
	v51 =	vmul.f32 v57, v38;
	v1 =	vadd.f32 v22, v1;
	v2 =	vadd.f32 v44, v2  }
0x135: {  	v55 =	vld [tilespmem:s29+$0x9BF0];
	v3 =	vadd.f32 v46, v3;
	v57 =	vmul.f32 v59, v38;
	v54 =	vmul.f32 v43, v16  }
0x136: {  	v59 =	vmul.f32 v62, v38;
	v0 =	vadd.f32 v49, v0;
	v56 =	vmul.f32 v45, v16  }
0x137: {  	v4 =	vadd.f32 v48, v4;
	v58 =	vmul.f32 v47, v16;
	v2 =	vadd.f32 v54, v2  }
0x138: {  	v60 =	vmul.f32 v50, v16;
	v52 =	vmul.f32 v41, v16;
	[tilespmem:s26+$0xFFFFFF90] =	vst v0;
	v3 =	vadd.f32 v56, v3  }
0x139: {  	v61 =	vmul.f32 v53, v16;
	v0 =	vadd.f32 v57, v18;
	v4 =	vadd.f32 v58, v4;
	[tilespmem:s26+$0xFFFFFFB0] =	vst v2  }
0x13a: {  	p1 =	sne.s32 s25, $0x1E000;
	v62 =	vadd.f32 v59, v19;
	v16 =	vmul.f32 v55, v16;
	v1 =	vadd.f32 v52, v1;
	[tilespmem:s26+$0xFFFFFFC0] =	vst v3  }
.Ltmp1:
0x13b: {  	v17 =	vadd.f32 v51, v17;
	v0 =	vadd.f32 v61, v0;
	[tilespmem:s26+$0xFFFFFFD0] =	vst v4;
	(pc) =	sbr.rel @p1 .LBB2_5-.Ltmp1, $4  }
0x13c: {  	v2 =	vadd.f32 v16, v62;
	[tilespmem:s26+$0xFFFFFFA0] =	vst v1  }
0x13d: {  	v1 =	vadd.f32 v60, v17;
	[tilespmem:s26+$0xFFFFFFF0] =	vst v0  }
0x13e: {  	[tilespmem:s26+$0x0] =	vst v2  }
0x13f: {  	s28 =	sadd.s32 $0x80, s28;
	s25 =	sadd.s32 $0x2000, s25;
	[tilespmem:s26+$0xFFFFFFE0] =	vst v1;
	s26 =	sadd.s32 $0x80, s26  }
0x140: {  	s25 =	simm.s32 @!p0 $0x4  }
0x141: {  	_ =	swait.ge @!p0 [sflag:s25], $0x800  }
0x142: {  	s24 =	sshll.u32 s24, $0x4;
	s23 =	sadd.s32 $0x1, s23;
	[sflag:s25] =	ssyncset.done @!p0 $0x0  }
0x143: {  	s24 =	sadd.s32 s6, s24;
	[sflag:s25] =	ssyncadd.s32 @!p0 $0xFFFFF800;
	p0 =	sne.s32 s23, $0xA  }
.Ltmp2:
0x144: {  	p1 =	sgt.u32 s24, $0x270F;
	(pc) =	sbr.rel @p0 .LBB2_2-.Ltmp2, $4  }
0x145: {  	s24 =	sshll.u32 @!p1 s24, $0x4  }
0x146: {  	s24 =	sadd.s32 @!p1 s2, s24  }
0x147: {  	s21 =	sadd.s32 $0x1000, s21;
	s22 =	sadd.s32 $0x1000, s22;
	s24 =	smov.u32 @p1 s5  }
0x148: {  	[hbm4b:s24+s3] =	stream.linear.scatter [tilespmem:s17], [sflag:$0x4], $0x800, $0x38;
	[tilespmem:$0x1C400] =	vst v63  }
0x149: {  	s20 =	sadd.s32 $0x1, s20  }
0x14a: {  	_ =	swait.ge [sflag:s18], $0x800;
	p0 =	sne.s32 s20, s9  }
.Ltmp3:
0x14b: {  	[sflag:s18] =	ssyncset.done $0x0;
	(pc) =	sbr.rel @p0 .LBB2_1-.Ltmp3, $4  }
0x14c: {  	[sflag:s18] =	ssyncadd.s32 $0xFFFFF800  }
0x14d: {  	_ =	swait.ge [sflag:s19], $0x800  }
0x14e: {  	[sflag:s19] =	ssyncset.done $0x0  }
0x14f: {  	[sflag:s19] =	ssyncadd.s32 $0xFFFFF800  }
0x150: {  	_ =	sfence.sel $0x180000  }
0x151: {  	[bflag:$0x0] =	sbarrier.arrive $0xFFFF  }
0x152: {  	p0 =	sne.s32 s0, $0x0;
	_ =	strace $0x90000047  }
0x153: {  	s0 =	sadd.s32 @!p0 $0x100000, s1;
	[bflag:$0x2] =	sbarrier.arrive $0xFFFF  }
0x154: {  	[sflag:s0] =	ssyncadd.tile.s32 @!p0 $0x1;
	_ =	shalt  }
.Lfunc_end2:
_tile_overlayer_lowered:
.L_overlay_start_2:
0x155: {  	(tag) =	ssettag $0x2  }
0x156: {  	s0 =	rddreg [dreg:$0x0];
	s2 =	stileid.u32  }
0x157: {  	s1 =	rddreg [dreg:$0x1];
	p0 =	sne.s32 s2, $0x0  }
0x158: {  	s3 =	rddreg [dreg:$0x2];
	[bflag:$0x3] =	sbarrier.arrive $0xFFFF;
	s2 =	simm.s32 @!p0 $0x1C05  }
0x159: {  	[timem:s3], [sflag:s2] =	dma.local @!p0 [hbm:s0], s1  }
0x15a: {  	s0 =	simm.s32 @!p0 $0x5  }
0x15b: {  	_ =	swait.ge @!p0 [sflag:s0], s1  }
0x15c: {  	s1 =	ssub.s32 @!p0 $0x0, s1;
	[sflag:s0] =	ssyncset.done @!p0 $0x0  }
0x15d: {  	[sflag:s0] =	ssyncadd.s32 @!p0 s1  }
0x15e: {  	[bflag:$0x3] =	sbarrier.arrive $0xFFFF  }
0x15f: {  	_ =	shalt  }

</sc_bundles>
